<compile_context>
chip_gen: v7x
topology: tpu7x:2x2x1
jax: 0.10.2.dev20260603
libtpu: 0.0.44.dev20260713+nightly
codegen_flags: <defaults>
</compile_context>

<pallas_src>
import jax
import jax.numpy as jnp
from jax import lax
from jax.experimental import pallas as pl
from jax.experimental.pallas import tpu as pltpu
from jax.experimental.pallas import tpu_sc as plsc

N = 10000
E = 320000
D_IN, D_HID, D_OUT = 128, 64, 64
D_CAT = 2 * D_OUT

NC, NS = 2, 16
NW = NC * NS
CHUNK = 625
CPW = E // (NW * CHUNK)
WB = N // 10

_mesh = plsc.VectorSubcoreMesh(core_axis_name="c", subcore_axis_name="s")



def _deg_body(dst_hbm, zeros_hbm, ones_hbm, deg_out, idx_v, ones_v, deg_sh, ssem):
    c = lax.axis_index("c")
    s = lax.axis_index("s")
    w = c * NS + s

    @pl.when(s == 0)
    def _():
        pltpu.sync_copy(zeros_hbm, deg_sh)

    pltpu.sync_copy(ones_hbm, ones_v)
    pltpu.sync_copy(dst_hbm.at[pl.ds(w * CPW, CPW)], idx_v)
    plsc.subcore_barrier()

    GRP = 16

    def group(g, carry):
        def fire(j, carry):
            pltpu.async_copy(ones_v, deg_sh.at[idx_v.at[g * GRP + j, 0]],
                             ssem, add=True)
            return carry

        lax.fori_loop(0, GRP, fire, 0)

        def drain(j, carry):
            pltpu.make_async_copy(ones_v, deg_sh.at[idx_v.at[0, 0]],
                                  ssem).wait()
            return carry

        lax.fori_loop(0, GRP, drain, 0)
        return carry

    lax.fori_loop(0, CPW // GRP, group, 0)
    plsc.subcore_barrier()

    @pl.when(s == 0)
    def _():
        pltpu.sync_copy(deg_sh, deg_out.at[c, 0])


_deg_kernel = pl.kernel(
    _deg_body,
    out_type=jax.ShapeDtypeStruct((NC, 1, N), jnp.float32),
    mesh=_mesh,
    compiler_params=pltpu.CompilerParams(use_tc_tiling_on_sc=False),
    scratch_types=[
        pltpu.VMEM((CPW, 1, CHUNK), jnp.int32),
        pltpu.VMEM((CHUNK,), jnp.float32),
        pltpu.VMEM_SHARED((N,), jnp.float32),
        pltpu.SemaphoreType.DMA,
    ],
)



def _make_propagate(D, chunk, cpw, nhalves):
    hc = cpw // nhalves

    def body(src_hbm, dst_hbm, table_hbm, zeros_hbm, out_hbm,
             idx_s, idx_d, rows0, rows1, acc, gsem0, gsem1, ssem0, ssem1):
        c = lax.axis_index("c")
        s = lax.axis_index("s")
        w = c * NS + s

        @pl.when(s < 10)
        def _():
            pltpu.sync_copy(zeros_hbm.at[pl.ds(s * WB, WB)],
                            acc.at[pl.ds(s * WB, WB)])

        def gather(j, buf, sem):
            pltpu.async_copy(table_hbm.at[idx_s.at[j, 0]], buf, sem)

        def gather_wait(buf, sem):
            pltpu.make_async_copy(table_hbm.at[idx_s.at[0, 0]], buf, sem).wait()

        def scatter(j, buf, sem):
            pltpu.async_copy(buf, acc.at[idx_d.at[j, 0]], sem, add=True)

        def scatter_wait(buf, sem):
            pltpu.make_async_copy(buf, acc.at[idx_d.at[0, 0]], sem).wait()

        npairs = hc // 2
        for h in range(nhalves):
            base = w * cpw + h * hc
            pltpu.sync_copy(src_hbm.at[pl.ds(base, hc)], idx_s)
            pltpu.sync_copy(dst_hbm.at[pl.ds(base, hc)], idx_d)
            if h == 0:
                plsc.subcore_barrier()

            gather(0, rows0, gsem0)

            def step(i, carry):
                j0 = 2 * i
                gather_wait(rows0, gsem0)
                scatter(j0, rows0, ssem0)

                @pl.when(i > 0)
                def _():
                    scatter_wait(rows1, ssem1)

                gather(j0 + 1, rows1, gsem1)
                gather_wait(rows1, gsem1)
                scatter(j0 + 1, rows1, ssem1)

                @pl.when(i < npairs - 1)
                def _():
                    scatter_wait(rows0, ssem0)
                    gather(j0 + 2, rows0, gsem0)

                return carry

            lax.fori_loop(0, npairs, step, 0)
            scatter_wait(rows0, ssem0)
            scatter_wait(rows1, ssem1)

        plsc.subcore_barrier()

        @pl.when(s < 10)
        def _():
            pltpu.sync_copy(acc.at[pl.ds(s * WB, WB)],
                            out_hbm.at[c, pl.ds(s * WB, WB)])

    return pl.kernel(
        body,
        out_type=jax.ShapeDtypeStruct((NC, N, D), jnp.bfloat16),
        mesh=_mesh,
        compiler_params=pltpu.CompilerParams(use_tc_tiling_on_sc=False),
        scratch_types=[
            pltpu.VMEM((cpw // nhalves, 1, chunk), jnp.int32),
            pltpu.VMEM((cpw // nhalves, 1, chunk), jnp.int32),
            pltpu.VMEM((chunk, D), jnp.bfloat16),
            pltpu.VMEM((chunk, D), jnp.bfloat16),
            pltpu.VMEM_SHARED((N, D), jnp.bfloat16),
            pltpu.SemaphoreType.DMA,
            pltpu.SemaphoreType.DMA,
            pltpu.SemaphoreType.DMA,
            pltpu.SemaphoreType.DMA,
        ],
    )


_prop64 = _make_propagate(D_HID, 625, E // (NW * 625), 1)
_prop128 = _make_propagate(D_CAT, 500, E // (NW * 500), 1)



R = 5000
GRID = N // R


def _tc1_body(x_ref, w1_ref, degt_ref, hp0_ref):
    d = lax.rsqrt(degt_ref[...].sum(axis=1, keepdims=True) + 1.0)
    h0 = jnp.dot(x_ref[...].astype(jnp.bfloat16), w1_ref[...].astype(jnp.bfloat16),
                 preferred_element_type=jnp.float32)
    hp0_ref[...] = (h0 * d).astype(jnp.bfloat16)


def _tc2_body(p_ref, hp0_ref, degt_ref, b1_ref, wcat_ref, gp_ref):
    d = lax.rsqrt(degt_ref[...].sum(axis=1, keepdims=True) + 1.0)
    psum = (p_ref[0].astype(jnp.float32) + p_ref[1].astype(jnp.float32)
            + hp0_ref[...].astype(jnp.float32))
    h = jnp.maximum(psum * d + b1_ref[...], 0.0)
    g = jnp.dot(h.astype(jnp.bfloat16), wcat_ref[...].astype(jnp.bfloat16),
                preferred_element_type=jnp.float32)
    gp_ref[...] = (g * d).astype(jnp.bfloat16)


def _tc3_body(p_ref, gp_ref, degt_ref, bmu_ref, bls_ref, mu_ref, ls_ref):
    d = lax.rsqrt(degt_ref[...].sum(axis=1, keepdims=True) + 1.0)
    psum = (p_ref[0].astype(jnp.float32) + p_ref[1].astype(jnp.float32)
            + gp_ref[...].astype(jnp.float32))
    out = psum * d
    mu_ref[...] = out[:, :D_OUT] + bmu_ref[...]
    ls_ref[...] = out[:, D_OUT:] + bls_ref[...]


_tc1 = pl.pallas_call(
    _tc1_body,
    grid=(GRID,),
    in_specs=[
        pl.BlockSpec((R, D_IN), lambda i: (i, 0)),
        pl.BlockSpec((D_IN, D_HID), lambda i: (0, 0)),
        pl.BlockSpec((R, NC), lambda i: (i, 0)),
    ],
    out_specs=pl.BlockSpec((R, D_HID), lambda i: (i, 0)),
    out_shape=jax.ShapeDtypeStruct((N, D_HID), jnp.bfloat16),
)

_tc2 = pl.pallas_call(
    _tc2_body,
    grid=(GRID,),
    in_specs=[
        pl.BlockSpec((NC, R, D_HID), lambda i: (0, i, 0)),
        pl.BlockSpec((R, D_HID), lambda i: (i, 0)),
        pl.BlockSpec((R, NC), lambda i: (i, 0)),
        pl.BlockSpec((1, D_HID), lambda i: (0, 0)),
        pl.BlockSpec((D_HID, D_CAT), lambda i: (0, 0)),
    ],
    out_specs=pl.BlockSpec((R, D_CAT), lambda i: (i, 0)),
    out_shape=jax.ShapeDtypeStruct((N, D_CAT), jnp.bfloat16),
)

_tc3 = pl.pallas_call(
    _tc3_body,
    grid=(GRID,),
    in_specs=[
        pl.BlockSpec((NC, R, D_CAT), lambda i: (0, i, 0)),
        pl.BlockSpec((R, D_CAT), lambda i: (i, 0)),
        pl.BlockSpec((R, NC), lambda i: (i, 0)),
        pl.BlockSpec((1, D_OUT), lambda i: (0, 0)),
        pl.BlockSpec((1, D_OUT), lambda i: (0, 0)),
    ],
    out_specs=[
        pl.BlockSpec((R, D_OUT), lambda i: (i, 0)),
        pl.BlockSpec((R, D_OUT), lambda i: (i, 0)),
    ],
    out_shape=[
        jax.ShapeDtypeStruct((N, D_OUT), jnp.float32),
        jax.ShapeDtypeStruct((N, D_OUT), jnp.float32),
    ],
)


def kernel(x, edge_index, W1, b1, W_mu, b_mu, W_ls, b_ls):
    src = edge_index[0].reshape(NW * CPW, 1, CHUNK)
    dst = edge_index[1].reshape(NW * CPW, 1, CHUNK)
    srcp = edge_index[0].reshape(NW * 20, 1, 500)
    dstp = edge_index[1].reshape(NW * 20, 1, 500)
    zvec = jnp.zeros((N,), jnp.float32)
    ones = jnp.ones((CHUNK,), jnp.float32)
    z64 = jnp.zeros((N, D_HID), jnp.bfloat16)
    z128 = jnp.zeros((N, D_CAT), jnp.bfloat16)

    degp = _deg_kernel(dst, zvec, ones)
    degt = degp.reshape(NC, N).T

    hp0 = _tc1(x, W1, degt)
    p1 = _prop64(src, dst, hp0, z64)
    wcat = jnp.concatenate([W_mu, W_ls], axis=1)
    gp = _tc2(p1, hp0, degt, b1.reshape(1, -1), wcat)
    p2 = _prop128(srcp, dstp, gp, z128)
    mu, ls = _tc3(p2, gp, degt, b_mu.reshape(1, -1), b_ls.reshape(1, -1))
    return (mu, ls)

# --- scband reference (transcript-rebuilt; emitter-appended) ---
"""Pipeline reference for scband-encoder-66194035965952 (READ-ONLY COPY).

The authoritative reference and input builder live on the scoring server;
editing this copy changes nothing except your own understanding.
"""

import jax, jax.numpy as jnp
import numpy as np

N_NODES = 10000
N_EDGES = 320000
D_IN = 128
D_HID = 64
D_OUT = 64


def glorot(key, fan_in, fan_out):
    scale = jnp.sqrt(6.0 / (fan_in + fan_out))
    return jax.random.uniform(key, (fan_in, fan_out), minval=-scale, maxval=scale, dtype=jnp.float32)


def setup_inputs(seed: int = 0) -> dict:
    key = jax.random.key(seed)
    ks = jax.random.split(key, 8)
    x = jax.random.normal(ks[0], (N_NODES, D_IN), dtype=jnp.float32)
    edge_index = jax.random.randint(ks[1], (2, N_EDGES), 0, N_NODES, dtype=jnp.int32)
    W1 = glorot(ks[2], D_IN, D_HID)
    b1 = jnp.zeros((D_HID,), dtype=jnp.float32)
    W_mu = glorot(ks[3], D_HID, D_OUT)
    b_mu = jnp.zeros((D_OUT,), dtype=jnp.float32)
    W_ls = glorot(ks[4], D_HID, D_OUT)
    b_ls = jnp.zeros((D_OUT,), dtype=jnp.float32)
    return {"x": x, "edge_index": edge_index, "W1": W1, "b1": b1, "W_mu": W_mu, "b_mu": b_mu, "W_ls": W_ls, "b_ls": b_ls}


def gcn_conv(x, src, dst, norm, W, b, num_nodes):
    # GCNConv (PyG semantics): x @ W, propagate with symmetric normalization, add bias
    h = x @ W
    msg = h[src] * norm[:, None]
    out = jnp.zeros((num_nodes, h.shape[1]), dtype=h.dtype).at[dst].add(msg)
    return out + b


def _norm_and_loops(edge_index, num_nodes):
    loop = jnp.arange(num_nodes, dtype=edge_index.dtype)
    src = jnp.concatenate([edge_index[0], loop])
    dst = jnp.concatenate([edge_index[1], loop])
    ones = jnp.ones(src.shape[0], dtype=jnp.float32)
    deg = jnp.zeros((num_nodes,), dtype=jnp.float32).at[dst].add(ones)
    deg_inv_sqrt = jnp.where(deg > 0, jax.lax.rsqrt(jnp.maximum(deg, 1e-12)), 0.0)
    norm = deg_inv_sqrt[src] * deg_inv_sqrt[dst]
    return src, dst, norm


def reference(x, edge_index, W1, b1, W_mu, b_mu, W_ls, b_ls):
    src, dst, norm = _norm_and_loops(edge_index, N_NODES)
    h = jax.nn.relu(gcn_conv(x, src, dst, norm, W1, b1, N_NODES))
    mu = gcn_conv(h, src, dst, norm, W_mu, b_mu, N_NODES)
    logstd = gcn_conv(h, src, dst, norm, W_ls, b_ls, N_NODES)
    return (mu, logstd)

if __name__ == "__main__":
    import jax
    _d = setup_inputs()
    print(jax.jit(kernel)(*tuple(_d.values())))

</pallas_src>

<mosaic_0001>
#map = affine_map<(d0, d1) -> (0, 0, 0)>
#map1 = affine_map<(d0, d1) -> (0)>
module attributes {stable_mosaic.version = 14 : i64} {
  func.func @_deg_body(%arg0: i32, %arg1: i32, %arg2: memref<512x1x625xi32, #tpu.memory_space<hbm>>, %arg3: memref<10000xf32, #tpu.memory_space<hbm>>, %arg4: memref<625xf32, #tpu.memory_space<hbm>>, %arg5: memref<2x1x10000xf32, #tpu.memory_space<hbm>>, %arg6: memref<16x1x625xi32, #tpu.memory_space<vmem>>, %arg7: memref<625xf32, #tpu.memory_space<vmem>>, %arg8: memref<10000xf32, #tpu.memory_space<vmem_shared>>, %arg9: memref<!tpu.dma_semaphore, #tpu.memory_space<semaphore_mem>>) attributes {dimension_semantics = [#tpu.dimension_semantics<core_parallel>, #tpu.dimension_semantics<subcore_parallel>], iteration_bounds = array<i64: 2, 16>, scalar_prefetch = 0 : i64, scratch_operands = 4 : i64, tpu.core_type = #tpu.core_type<sc_vector_subcore>, window_params = [{transform_indices = #map}, {transform_indices = #map1}, {transform_indices = #map1}, {transform_indices = #map}]} {
    %mul3A = arith.constant 16 : i32
    %mul3A_0 = arith.muli %arg0, %mul3A : i32
    %add3A = arith.addi %mul3A_0, %arg1 : i32
    %eq3A = arith.constant 0 : i32
    %eq3A_1 = arith.cmpi eq, %arg1, %eq3A : i32
    %convert_element_type3A = arith.extui %eq3A_1 : i1 to i32
    %cond3A = arith.constant 0 : i32
    %cond3A_2 = arith.cmpi ne, %convert_element_type3A, %cond3A : i32
    scf.if %cond3A_2 {
      "tpu.region"() ({
        %run_scoped3A = tpu.sem_alloc : memref<!tpu.dma_semaphore, #tpu.memory_space<semaphore_mem>>
        tpu.enqueue_dma source(%arg3 : memref<10000xf32, #tpu.memory_space<hbm>>) target(%arg8 : memref<10000xf32, #tpu.memory_space<vmem_shared>>) target_semaphore(%run_scoped3A : memref<!tpu.dma_semaphore, #tpu.memory_space<semaphore_mem>>)
        tpu.wait_dma2 semaphore(%run_scoped3A : memref<!tpu.dma_semaphore, #tpu.memory_space<semaphore_mem>>) src(%arg3 : memref<10000xf32, #tpu.memory_space<hbm>>) dst(%arg8 : memref<10000xf32, #tpu.memory_space<vmem_shared>>)
        tpu.yield
      }) : () -> ()
    } else {
    }
    "tpu.region"() ({
      %run_scoped3A = tpu.sem_alloc : memref<!tpu.dma_semaphore, #tpu.memory_space<semaphore_mem>>
      tpu.enqueue_dma source(%arg4 : memref<625xf32, #tpu.memory_space<hbm>>) target(%arg7 : memref<625xf32, #tpu.memory_space<vmem>>) target_semaphore(%run_scoped3A : memref<!tpu.dma_semaphore, #tpu.memory_space<semaphore_mem>>)
      tpu.wait_dma2 semaphore(%run_scoped3A : memref<!tpu.dma_semaphore, #tpu.memory_space<semaphore_mem>>) src(%arg4 : memref<625xf32, #tpu.memory_space<hbm>>) dst(%arg7 : memref<625xf32, #tpu.memory_space<vmem>>)
      tpu.yield
    }) : () -> ()
    %mul3A_3 = arith.constant 16 : i32
    %mul3A_4 = arith.muli %add3A, %mul3A_3 : i32
    "tpu.region"() ({
      %run_scoped3A = tpu.sem_alloc : memref<!tpu.dma_semaphore, #tpu.memory_space<semaphore_mem>>
      %dma_start3A = arith.constant 0 : i32
      %dma_start3A_25 = arith.constant 0 : i32
      %dma_start3A_26 = tpu.memref_slice %arg2[%mul3A_4, %dma_start3A, %dma_start3A_25] : memref<512x1x625xi32, #tpu.memory_space<hbm>> -> memref<16x1x625xi32, #tpu.memory_space<hbm>>
      %dma_start3A_27 = arith.constant 0 : i32
      %dma_start3A_28 = arith.constant 0 : i32
      %dma_start3A_29 = tpu.memref_slice %arg2[%mul3A_4, %dma_start3A_27, %dma_start3A_28] : memref<512x1x625xi32, #tpu.memory_space<hbm>> -> memref<16x1x625xi32, #tpu.memory_space<hbm>>
      tpu.enqueue_dma source(%dma_start3A_29 : memref<16x1x625xi32, #tpu.memory_space<hbm>>) target(%arg6 : memref<16x1x625xi32, #tpu.memory_space<vmem>>) target_semaphore(%run_scoped3A : memref<!tpu.dma_semaphore, #tpu.memory_space<semaphore_mem>>)
      %dma_wait3A = arith.constant 0 : i32
      %dma_wait3A_30 = arith.constant 0 : i32
      %dma_wait3A_31 = tpu.memref_slice %arg2[%mul3A_4, %dma_wait3A, %dma_wait3A_30] : memref<512x1x625xi32, #tpu.memory_space<hbm>> -> memref<16x1x625xi32, #tpu.memory_space<hbm>>
      %dma_wait3A_32 = arith.constant 0 : i32
      %dma_wait3A_33 = arith.constant 0 : i32
      %dma_wait3A_34 = tpu.memref_slice %arg2[%mul3A_4, %dma_wait3A_32, %dma_wait3A_33] : memref<512x1x625xi32, #tpu.memory_space<hbm>> -> memref<16x1x625xi32, #tpu.memory_space<hbm>>
      tpu.wait_dma2 semaphore(%run_scoped3A : memref<!tpu.dma_semaphore, #tpu.memory_space<semaphore_mem>>) src(%dma_wait3A_34 : memref<16x1x625xi32, #tpu.memory_space<hbm>>) dst(%arg6 : memref<16x1x625xi32, #tpu.memory_space<vmem>>)
      tpu.yield
    }) : () -> ()
    %barrier3A = arith.constant 0 : index
    tpu.barrier barrier_id(%barrier3A)
    %scan3A = arith.constant 0 : i32
    %scan3A_5 = arith.constant 0 : i32
    %scan3A_6 = arith.constant 0 : i32
    %scan3A_7 = arith.constant 0 : i32
    %scan3A_8 = arith.constant 16 : i32
    %scan3A_9 = arith.addi %scan3A_7, %scan3A_8 : i32
    %scan3A_10 = arith.constant 1 : i32
    scf.for %scan3A_25 = %scan3A_7 to %scan3A_9 step %scan3A_10  : i32 {
      %mul3A_26 = arith.constant 16 : i32
      %mul3A_27 = arith.muli %scan3A_5, %mul3A_26 : i32
      %add3A_28 = arith.addi %mul3A_27, %scan3A_25 : i32
      %dma_start3A = arith.constant 0 : i32
      %dma_start3A_29 = arith.constant 0 : i32
      %dma_start3A_30 = tpu.memref_slice %arg6[%add3A_28, %dma_start3A, %dma_start3A_29] : memref<16x1x625xi32, #tpu.memory_space<vmem>> -> memref<1x1x625xi32, #tpu.memory_space<vmem>>
      %dma_start3A_31 = tpu.memref_squeeze %dma_start3A_30 : memref<1x1x625xi32, #tpu.memory_space<vmem>> -> memref<625xi32, #tpu.memory_space<vmem>>
      %dma_start3A_32 = arith.constant 0 : i32
      %dma_start3A_33 = tpu.memref_slice %arg8[%dma_start3A_32] : memref<10000xf32, #tpu.memory_space<vmem_shared>> -> memref<10000xf32, #tpu.memory_space<vmem_shared>>
      tpu.enqueue_indirect_dma source(%arg7 : memref<625xf32, #tpu.memory_space<vmem>>) target(%dma_start3A_33 : memref<10000xf32, #tpu.memory_space<vmem_shared>>) offsets(%dma_start3A_31 : memref<625xi32, #tpu.memory_space<vmem>>) semaphore(%arg9 : memref<!tpu.dma_semaphore, #tpu.memory_space<semaphore_mem>>) {add = true}
    }
    %scan3A_11 = arith.constant 16 : i32
    %scan3A_12 = arith.constant 0 : i32
    %scan3A_13 = arith.constant 0 : i32
    %scan3A_14 = arith.constant 16 : i32
    %scan3A_15 = arith.addi %scan3A_13, %scan3A_14 : i32
    %scan3A_16 = arith.constant 1 : i32
    scf.for %scan3A_25 = %scan3A_13 to %scan3A_15 step %scan3A_16  : i32 {
      %dma_wait3A = arith.constant 0 : i32
      %dma_wait3A_26 = arith.constant 0 : i32
      %dma_wait3A_27 = arith.constant 0 : i32
      %dma_wait3A_28 = tpu.memref_slice %arg6[%dma_wait3A, %dma_wait3A_26, %dma_wait3A_27] : memref<16x1x625xi32, #tpu.memory_space<vmem>> -> memref<1x1x625xi32, #tpu.memory_space<vmem>>
      %dma_wait3A_29 = tpu.memref_squeeze %dma_wait3A_28 : memref<1x1x625xi32, #tpu.memory_space<vmem>> -> memref<625xi32, #tpu.memory_space<vmem>>
      %dma_wait3A_30 = arith.constant 0 : i32
      %dma_wait3A_31 = tpu.memref_slice %arg8[%dma_wait3A_30] : memref<10000xf32, #tpu.memory_space<vmem_shared>> -> memref<10000xf32, #tpu.memory_space<vmem_shared>>
      tpu.wait_indirect_dma semaphore(%arg9 : memref<!tpu.dma_semaphore, #tpu.memory_space<semaphore_mem>>) src(%arg7 : memref<625xf32, #tpu.memory_space<vmem>>) dst(%dma_wait3A_31 : memref<10000xf32, #tpu.memory_space<vmem_shared>>)
    }
    %scan3A_17 = arith.constant 16 : i32
    %scan3A_18 = arith.constant 1 : i32
    %barrier3A_19 = arith.constant 0 : index
    tpu.barrier barrier_id(%barrier3A_19)
    %eq3A_20 = arith.constant 0 : i32
    %eq3A_21 = arith.cmpi eq, %arg1, %eq3A_20 : i32
    %convert_element_type3A_22 = arith.extui %eq3A_21 : i1 to i32
    %cond3A_23 = arith.constant 0 : i32
    %cond3A_24 = arith.cmpi ne, %convert_element_type3A_22, %cond3A_23 : i32
    scf.if %cond3A_24 {
      %run_scoped3A = arith.constant 0 : i32
      "tpu.region"() ({
        %run_scoped3A_25 = tpu.sem_alloc : memref<!tpu.dma_semaphore, #tpu.memory_space<semaphore_mem>>
        %dma_start3A = arith.constant 0 : i32
        %dma_start3A_26 = tpu.memref_slice %arg5[%arg0, %run_scoped3A, %dma_start3A] : memref<2x1x10000xf32, #tpu.memory_space<hbm>> -> memref<1x1x10000xf32, #tpu.memory_space<hbm>>
        %dma_start3A_27 = tpu.memref_squeeze %dma_start3A_26 : memref<1x1x10000xf32, #tpu.memory_space<hbm>> -> memref<10000xf32, #tpu.memory_space<hbm>>
        tpu.enqueue_dma source(%arg8 : memref<10000xf32, #tpu.memory_space<vmem_shared>>) target(%dma_start3A_27 : memref<10000xf32, #tpu.memory_space<hbm>>) target_semaphore(%run_scoped3A_25 : memref<!tpu.dma_semaphore, #tpu.memory_space<semaphore_mem>>)
        %dma_wait3A = arith.constant 0 : i32
        %dma_wait3A_28 = tpu.memref_slice %arg5[%arg0, %run_scoped3A, %dma_wait3A] : memref<2x1x10000xf32, #tpu.memory_space<hbm>> -> memref<1x1x10000xf32, #tpu.memory_space<hbm>>
        %dma_wait3A_29 = tpu.memref_squeeze %dma_wait3A_28 : memref<1x1x10000xf32, #tpu.memory_space<hbm>> -> memref<10000xf32, #tpu.memory_space<hbm>>
        tpu.wait_dma2 semaphore(%run_scoped3A_25 : memref<!tpu.dma_semaphore, #tpu.memory_space<semaphore_mem>>) src(%arg8 : memref<10000xf32, #tpu.memory_space<vmem_shared>>) dst(%dma_wait3A_29 : memref<10000xf32, #tpu.memory_space<hbm>>)
        tpu.yield
      }) : () -> ()
    } else {
    }
    return
  }
}

#map = affine_map<(d0, d1) -> (0, 0, 0)>
#map1 = affine_map<(d0, d1) -> (0, 0)>
module attributes {stable_mosaic.version = 14 : i64} {
  func.func @body(%arg0: i32, %arg1: i32, %arg2: memref<512x1x625xi32, #tpu.memory_space<hbm>>, %arg3: memref<512x1x625xi32, #tpu.memory_space<hbm>>, %arg4: memref<10000x64xbf16, #tpu.memory_space<hbm>>, %arg5: memref<10000x64xbf16, #tpu.memory_space<hbm>>, %arg6: memref<2x10000x64xbf16, #tpu.memory_space<hbm>>, %arg7: memref<16x1x625xi32, #tpu.memory_space<vmem>>, %arg8: memref<16x1x625xi32, #tpu.memory_space<vmem>>, %arg9: memref<625x64xbf16, #tpu.memory_space<vmem>>, %arg10: memref<625x64xbf16, #tpu.memory_space<vmem>>, %arg11: memref<10000x64xbf16, #tpu.memory_space<vmem_shared>>, %arg12: memref<!tpu.dma_semaphore, #tpu.memory_space<semaphore_mem>>, %arg13: memref<!tpu.dma_semaphore, #tpu.memory_space<semaphore_mem>>, %arg14: memref<!tpu.dma_semaphore, #tpu.memory_space<semaphore_mem>>, %arg15: memref<!tpu.dma_semaphore, #tpu.memory_space<semaphore_mem>>) attributes {dimension_semantics = [#tpu.dimension_semantics<core_parallel>, #tpu.dimension_semantics<subcore_parallel>], iteration_bounds = array<i64: 2, 16>, scalar_prefetch = 0 : i64, scratch_operands = 9 : i64, tpu.core_type = #tpu.core_type<sc_vector_subcore>, window_params = [{transform_indices = #map}, {transform_indices = #map}, {transform_indices = #map1}, {transform_indices = #map1}, {transform_indices = #map}]} {
    %mul3A = arith.constant 16 : i32
    %mul3A_0 = arith.muli %arg0, %mul3A : i32
    %add3A = arith.addi %mul3A_0, %arg1 : i32
    %lt3A = arith.constant 10 : i32
    %lt3A_1 = arith.cmpi slt, %arg1, %lt3A : i32
    %convert_element_type3A = arith.extui %lt3A_1 : i1 to i32
    %cond3A = arith.constant 0 : i32
    %cond3A_2 = arith.cmpi ne, %convert_element_type3A, %cond3A : i32
    scf.if %cond3A_2 {
      %mul3A_40 = arith.constant 1000 : i32
      %mul3A_41 = arith.muli %arg1, %mul3A_40 : i32
      %mul3A_42 = arith.constant 1000 : i32
      %mul3A_43 = arith.muli %arg1, %mul3A_42 : i32
      "tpu.region"() ({
        %run_scoped3A = tpu.sem_alloc : memref<!tpu.dma_semaphore, #tpu.memory_space<semaphore_mem>>
        %dma_start3A_44 = arith.constant 0 : i32
        %dma_start3A_45 = tpu.memref_slice %arg11[%mul3A_43, %dma_start3A_44] : memref<10000x64xbf16, #tpu.memory_space<vmem_shared>> -> memref<1000x64xbf16, #tpu.memory_space<vmem_shared>>
        %dma_start3A_46 = arith.constant 0 : i32
        %dma_start3A_47 = tpu.memref_slice %arg5[%mul3A_41, %dma_start3A_46] : memref<10000x64xbf16, #tpu.memory_space<hbm>> -> memref<1000x64xbf16, #tpu.memory_space<hbm>>
        tpu.enqueue_dma source(%dma_start3A_47 : memref<1000x64xbf16, #tpu.memory_space<hbm>>) target(%dma_start3A_45 : memref<1000x64xbf16, #tpu.memory_space<vmem_shared>>) target_semaphore(%run_scoped3A : memref<!tpu.dma_semaphore, #tpu.memory_space<semaphore_mem>>)
        %dma_wait3A_48 = arith.constant 0 : i32
        %dma_wait3A_49 = tpu.memref_slice %arg11[%mul3A_43, %dma_wait3A_48] : memref<10000x64xbf16, #tpu.memory_space<vmem_shared>> -> memref<1000x64xbf16, #tpu.memory_space<vmem_shared>>
        %dma_wait3A_50 = arith.constant 0 : i32
        %dma_wait3A_51 = tpu.memref_slice %arg5[%mul3A_41, %dma_wait3A_50] : memref<10000x64xbf16, #tpu.memory_space<hbm>> -> memref<1000x64xbf16, #tpu.memory_space<hbm>>
        tpu.wait_dma2 semaphore(%run_scoped3A : memref<!tpu.dma_semaphore, #tpu.memory_space<semaphore_mem>>) src(%dma_wait3A_51 : memref<1000x64xbf16, #tpu.memory_space<hbm>>) dst(%dma_wait3A_49 : memref<1000x64xbf16, #tpu.memory_space<vmem_shared>>)
        tpu.yield
      }) : () -> ()
    } else {
    }
    %mul3A_3 = arith.constant 16 : i32
    %mul3A_4 = arith.muli %add3A, %mul3A_3 : i32
    %add3A_5 = arith.constant 0 : i32
    %add3A_6 = arith.addi %mul3A_4, %add3A_5 : i32
    "tpu.region"() ({
      %run_scoped3A = tpu.sem_alloc : memref<!tpu.dma_semaphore, #tpu.memory_space<semaphore_mem>>
      %dma_start3A_40 = arith.constant 0 : i32
      %dma_start3A_41 = arith.constant 0 : i32
      %dma_start3A_42 = tpu.memref_slice %arg2[%add3A_6, %dma_start3A_40, %dma_start3A_41] : memref<512x1x625xi32, #tpu.memory_space<hbm>> -> memref<16x1x625xi32, #tpu.memory_space<hbm>>
      %dma_start3A_43 = arith.constant 0 : i32
      %dma_start3A_44 = arith.constant 0 : i32
      %dma_start3A_45 = tpu.memref_slice %arg2[%add3A_6, %dma_start3A_43, %dma_start3A_44] : memref<512x1x625xi32, #tpu.memory_space<hbm>> -> memref<16x1x625xi32, #tpu.memory_space<hbm>>
      tpu.enqueue_dma source(%dma_start3A_45 : memref<16x1x625xi32, #tpu.memory_space<hbm>>) target(%arg7 : memref<16x1x625xi32, #tpu.memory_space<vmem>>) target_semaphore(%run_scoped3A : memref<!tpu.dma_semaphore, #tpu.memory_space<semaphore_mem>>)
      %dma_wait3A_46 = arith.constant 0 : i32
      %dma_wait3A_47 = arith.constant 0 : i32
      %dma_wait3A_48 = tpu.memref_slice %arg2[%add3A_6, %dma_wait3A_46, %dma_wait3A_47] : memref<512x1x625xi32, #tpu.memory_space<hbm>> -> memref<16x1x625xi32, #tpu.memory_space<hbm>>
      %dma_wait3A_49 = arith.constant 0 : i32
      %dma_wait3A_50 = arith.constant 0 : i32
      %dma_wait3A_51 = tpu.memref_slice %arg2[%add3A_6, %dma_wait3A_49, %dma_wait3A_50] : memref<512x1x625xi32, #tpu.memory_space<hbm>> -> memref<16x1x625xi32, #tpu.memory_space<hbm>>
      tpu.wait_dma2 semaphore(%run_scoped3A : memref<!tpu.dma_semaphore, #tpu.memory_space<semaphore_mem>>) src(%dma_wait3A_51 : memref<16x1x625xi32, #tpu.memory_space<hbm>>) dst(%arg7 : memref<16x1x625xi32, #tpu.memory_space<vmem>>)
      tpu.yield
    }) : () -> ()
    "tpu.region"() ({
      %run_scoped3A = tpu.sem_alloc : memref<!tpu.dma_semaphore, #tpu.memory_space<semaphore_mem>>
      %dma_start3A_40 = arith.constant 0 : i32
      %dma_start3A_41 = arith.constant 0 : i32
      %dma_start3A_42 = tpu.memref_slice %arg3[%add3A_6, %dma_start3A_40, %dma_start3A_41] : memref<512x1x625xi32, #tpu.memory_space<hbm>> -> memref<16x1x625xi32, #tpu.memory_space<hbm>>
      %dma_start3A_43 = arith.constant 0 : i32
      %dma_start3A_44 = arith.constant 0 : i32
      %dma_start3A_45 = tpu.memref_slice %arg3[%add3A_6, %dma_start3A_43, %dma_start3A_44] : memref<512x1x625xi32, #tpu.memory_space<hbm>> -> memref<16x1x625xi32, #tpu.memory_space<hbm>>
      tpu.enqueue_dma source(%dma_start3A_45 : memref<16x1x625xi32, #tpu.memory_space<hbm>>) target(%arg8 : memref<16x1x625xi32, #tpu.memory_space<vmem>>) target_semaphore(%run_scoped3A : memref<!tpu.dma_semaphore, #tpu.memory_space<semaphore_mem>>)
      %dma_wait3A_46 = arith.constant 0 : i32
      %dma_wait3A_47 = arith.constant 0 : i32
      %dma_wait3A_48 = tpu.memref_slice %arg3[%add3A_6, %dma_wait3A_46, %dma_wait3A_47] : memref<512x1x625xi32, #tpu.memory_space<hbm>> -> memref<16x1x625xi32, #tpu.memory_space<hbm>>
      %dma_wait3A_49 = arith.constant 0 : i32
      %dma_wait3A_50 = arith.constant 0 : i32
      %dma_wait3A_51 = tpu.memref_slice %arg3[%add3A_6, %dma_wait3A_49, %dma_wait3A_50] : memref<512x1x625xi32, #tpu.memory_space<hbm>> -> memref<16x1x625xi32, #tpu.memory_space<hbm>>
      tpu.wait_dma2 semaphore(%run_scoped3A : memref<!tpu.dma_semaphore, #tpu.memory_space<semaphore_mem>>) src(%dma_wait3A_51 : memref<16x1x625xi32, #tpu.memory_space<hbm>>) dst(%arg8 : memref<16x1x625xi32, #tpu.memory_space<vmem>>)
      tpu.yield
    }) : () -> ()
    %barrier3A = arith.constant 0 : index
    tpu.barrier barrier_id(%barrier3A)
    %dma_start3A = arith.constant 0 : i32
    %dma_start3A_7 = arith.constant 0 : i32
    %dma_start3A_8 = arith.constant 0 : i32
    %dma_start3A_9 = tpu.memref_slice %arg7[%dma_start3A, %dma_start3A_7, %dma_start3A_8] : memref<16x1x625xi32, #tpu.memory_space<vmem>> -> memref<1x1x625xi32, #tpu.memory_space<vmem>>
    %dma_start3A_10 = tpu.memref_squeeze %dma_start3A_9 : memref<1x1x625xi32, #tpu.memory_space<vmem>> -> memref<625xi32, #tpu.memory_space<vmem>>
    %dma_start3A_11 = arith.constant 0 : i32
    %dma_start3A_12 = arith.constant 0 : i32
    %dma_start3A_13 = tpu.memref_slice %arg4[%dma_start3A_11, %dma_start3A_12] : memref<10000x64xbf16, #tpu.memory_space<hbm>> -> memref<10000x64xbf16, #tpu.memory_space<hbm>>
    tpu.enqueue_indirect_dma source(%dma_start3A_13 : memref<10000x64xbf16, #tpu.memory_space<hbm>>) target(%arg9 : memref<625x64xbf16, #tpu.memory_space<vmem>>) offsets(%dma_start3A_10 : memref<625xi32, #tpu.memory_space<vmem>>) semaphore(%arg12 : memref<!tpu.dma_semaphore, #tpu.memory_space<semaphore_mem>>)
    %scan3A = arith.constant 0 : i32
    %scan3A_14 = arith.constant 0 : i32
    %scan3A_15 = arith.constant 8 : i32
    %scan3A_16 = arith.addi %scan3A_14, %scan3A_15 : i32
    %scan3A_17 = arith.constant 1 : i32
    scf.for %scan3A_40 = %scan3A_14 to %scan3A_16 step %scan3A_17  : i32 {
      %mul3A_41 = arith.constant 2 : i32
      %mul3A_42 = arith.muli %mul3A_41, %scan3A_40 : i32
      %dma_wait3A_43 = arith.constant 0 : i32
      %dma_wait3A_44 = arith.constant 0 : i32
      %dma_wait3A_45 = arith.constant 0 : i32
      %dma_wait3A_46 = tpu.memref_slice %arg7[%dma_wait3A_43, %dma_wait3A_44, %dma_wait3A_45] : memref<16x1x625xi32, #tpu.memory_space<vmem>> -> memref<1x1x625xi32, #tpu.memory_space<vmem>>
      %dma_wait3A_47 = tpu.memref_squeeze %dma_wait3A_46 : memref<1x1x625xi32, #tpu.memory_space<vmem>> -> memref<625xi32, #tpu.memory_space<vmem>>
      %dma_wait3A_48 = arith.constant 0 : i32
      %dma_wait3A_49 = arith.constant 0 : i32
      %dma_wait3A_50 = tpu.memref_slice %arg4[%dma_wait3A_48, %dma_wait3A_49] : memref<10000x64xbf16, #tpu.memory_space<hbm>> -> memref<10000x64xbf16, #tpu.memory_space<hbm>>
      tpu.wait_indirect_dma semaphore(%arg12 : memref<!tpu.dma_semaphore, #tpu.memory_space<semaphore_mem>>) src(%dma_wait3A_50 : memref<10000x64xbf16, #tpu.memory_space<hbm>>) dst(%arg9 : memref<625x64xbf16, #tpu.memory_space<vmem>>)
      %dma_start3A_51 = arith.constant 0 : i32
      %dma_start3A_52 = arith.constant 0 : i32
      %dma_start3A_53 = tpu.memref_slice %arg8[%mul3A_42, %dma_start3A_51, %dma_start3A_52] : memref<16x1x625xi32, #tpu.memory_space<vmem>> -> memref<1x1x625xi32, #tpu.memory_space<vmem>>
      %dma_start3A_54 = tpu.memref_squeeze %dma_start3A_53 : memref<1x1x625xi32, #tpu.memory_space<vmem>> -> memref<625xi32, #tpu.memory_space<vmem>>
      %dma_start3A_55 = arith.constant 0 : i32
      %dma_start3A_56 = arith.constant 0 : i32
      %dma_start3A_57 = tpu.memref_slice %arg11[%dma_start3A_55, %dma_start3A_56] : memref<10000x64xbf16, #tpu.memory_space<vmem_shared>> -> memref<10000x64xbf16, #tpu.memory_space<vmem_shared>>
      tpu.enqueue_indirect_dma source(%arg9 : memref<625x64xbf16, #tpu.memory_space<vmem>>) target(%dma_start3A_57 : memref<10000x64xbf16, #tpu.memory_space<vmem_shared>>) offsets(%dma_start3A_54 : memref<625xi32, #tpu.memory_space<vmem>>) semaphore(%arg14 : memref<!tpu.dma_semaphore, #tpu.memory_space<semaphore_mem>>) {add = true}
      %gt3A = arith.constant 0 : i32
      %gt3A_58 = arith.cmpi sgt, %scan3A_40, %gt3A : i32
      %convert_element_type3A_59 = arith.extui %gt3A_58 : i1 to i32
      %cond3A_60 = arith.constant 0 : i32
      %cond3A_61 = arith.cmpi ne, %convert_element_type3A_59, %cond3A_60 : i32
      scf.if %cond3A_61 {
        %dma_wait3A_93 = arith.constant 0 : i32
        %dma_wait3A_94 = arith.constant 0 : i32
        %dma_wait3A_95 = arith.constant 0 : i32
        %dma_wait3A_96 = tpu.memref_slice %arg8[%dma_wait3A_93, %dma_wait3A_94, %dma_wait3A_95] : memref<16x1x625xi32, #tpu.memory_space<vmem>> -> memref<1x1x625xi32, #tpu.memory_space<vmem>>
        %dma_wait3A_97 = tpu.memref_squeeze %dma_wait3A_96 : memref<1x1x625xi32, #tpu.memory_space<vmem>> -> memref<625xi32, #tpu.memory_space<vmem>>
        %dma_wait3A_98 = arith.constant 0 : i32
        %dma_wait3A_99 = arith.constant 0 : i32
        %dma_wait3A_100 = tpu.memref_slice %arg11[%dma_wait3A_98, %dma_wait3A_99] : memref<10000x64xbf16, #tpu.memory_space<vmem_shared>> -> memref<10000x64xbf16, #tpu.memory_space<vmem_shared>>
        tpu.wait_indirect_dma semaphore(%arg15 : memref<!tpu.dma_semaphore, #tpu.memory_space<semaphore_mem>>) src(%arg10 : memref<625x64xbf16, #tpu.memory_space<vmem>>) dst(%dma_wait3A_100 : memref<10000x64xbf16, #tpu.memory_space<vmem_shared>>)
      } else {
      }
      %add3A_62 = arith.constant 1 : i32
      %add3A_63 = arith.addi %mul3A_42, %add3A_62 : i32
      %dma_start3A_64 = arith.constant 0 : i32
      %dma_start3A_65 = arith.constant 0 : i32
      %dma_start3A_66 = tpu.memref_slice %arg7[%add3A_63, %dma_start3A_64, %dma_start3A_65] : memref<16x1x625xi32, #tpu.memory_space<vmem>> -> memref<1x1x625xi32, #tpu.memory_space<vmem>>
      %dma_start3A_67 = tpu.memref_squeeze %dma_start3A_66 : memref<1x1x625xi32, #tpu.memory_space<vmem>> -> memref<625xi32, #tpu.memory_space<vmem>>
      %dma_start3A_68 = arith.constant 0 : i32
      %dma_start3A_69 = arith.constant 0 : i32
      %dma_start3A_70 = tpu.memref_slice %arg4[%dma_start3A_68, %dma_start3A_69] : memref<10000x64xbf16, #tpu.memory_space<hbm>> -> memref<10000x64xbf16, #tpu.memory_space<hbm>>
      tpu.enqueue_indirect_dma source(%dma_start3A_70 : memref<10000x64xbf16, #tpu.memory_space<hbm>>) target(%arg10 : memref<625x64xbf16, #tpu.memory_space<vmem>>) offsets(%dma_start3A_67 : memref<625xi32, #tpu.memory_space<vmem>>) semaphore(%arg13 : memref<!tpu.dma_semaphore, #tpu.memory_space<semaphore_mem>>)
      %dma_wait3A_71 = arith.constant 0 : i32
      %dma_wait3A_72 = arith.constant 0 : i32
      %dma_wait3A_73 = arith.constant 0 : i32
      %dma_wait3A_74 = tpu.memref_slice %arg7[%dma_wait3A_71, %dma_wait3A_72, %dma_wait3A_73] : memref<16x1x625xi32, #tpu.memory_space<vmem>> -> memref<1x1x625xi32, #tpu.memory_space<vmem>>
      %dma_wait3A_75 = tpu.memref_squeeze %dma_wait3A_74 : memref<1x1x625xi32, #tpu.memory_space<vmem>> -> memref<625xi32, #tpu.memory_space<vmem>>
      %dma_wait3A_76 = arith.constant 0 : i32
      %dma_wait3A_77 = arith.constant 0 : i32
      %dma_wait3A_78 = tpu.memref_slice %arg4[%dma_wait3A_76, %dma_wait3A_77] : memref<10000x64xbf16, #tpu.memory_space<hbm>> -> memref<10000x64xbf16, #tpu.memory_space<hbm>>
      tpu.wait_indirect_dma semaphore(%arg13 : memref<!tpu.dma_semaphore, #tpu.memory_space<semaphore_mem>>) src(%dma_wait3A_78 : memref<10000x64xbf16, #tpu.memory_space<hbm>>) dst(%arg10 : memref<625x64xbf16, #tpu.memory_space<vmem>>)
      %add3A_79 = arith.constant 1 : i32
      %add3A_80 = arith.addi %mul3A_42, %add3A_79 : i32
      %dma_start3A_81 = arith.constant 0 : i32
      %dma_start3A_82 = arith.constant 0 : i32
      %dma_start3A_83 = tpu.memref_slice %arg8[%add3A_80, %dma_start3A_81, %dma_start3A_82] : memref<16x1x625xi32, #tpu.memory_space<vmem>> -> memref<1x1x625xi32, #tpu.memory_space<vmem>>
      %dma_start3A_84 = tpu.memref_squeeze %dma_start3A_83 : memref<1x1x625xi32, #tpu.memory_space<vmem>> -> memref<625xi32, #tpu.memory_space<vmem>>
      %dma_start3A_85 = arith.constant 0 : i32
      %dma_start3A_86 = arith.constant 0 : i32
      %dma_start3A_87 = tpu.memref_slice %arg11[%dma_start3A_85, %dma_start3A_86] : memref<10000x64xbf16, #tpu.memory_space<vmem_shared>> -> memref<10000x64xbf16, #tpu.memory_space<vmem_shared>>
      tpu.enqueue_indirect_dma source(%arg10 : memref<625x64xbf16, #tpu.memory_space<vmem>>) target(%dma_start3A_87 : memref<10000x64xbf16, #tpu.memory_space<vmem_shared>>) offsets(%dma_start3A_84 : memref<625xi32, #tpu.memory_space<vmem>>) semaphore(%arg15 : memref<!tpu.dma_semaphore, #tpu.memory_space<semaphore_mem>>) {add = true}
      %lt3A_88 = arith.constant 7 : i32
      %lt3A_89 = arith.cmpi slt, %scan3A_40, %lt3A_88 : i32
      %convert_element_type3A_90 = arith.extui %lt3A_89 : i1 to i32
      %cond3A_91 = arith.constant 0 : i32
      %cond3A_92 = arith.cmpi ne, %convert_element_type3A_90, %cond3A_91 : i32
      scf.if %cond3A_92 {
        %dma_wait3A_93 = arith.constant 0 : i32
        %dma_wait3A_94 = arith.constant 0 : i32
        %dma_wait3A_95 = arith.constant 0 : i32
        %dma_wait3A_96 = tpu.memref_slice %arg8[%dma_wait3A_93, %dma_wait3A_94, %dma_wait3A_95] : memref<16x1x625xi32, #tpu.memory_space<vmem>> -> memref<1x1x625xi32, #tpu.memory_space<vmem>>
        %dma_wait3A_97 = tpu.memref_squeeze %dma_wait3A_96 : memref<1x1x625xi32, #tpu.memory_space<vmem>> -> memref<625xi32, #tpu.memory_space<vmem>>
        %dma_wait3A_98 = arith.constant 0 : i32
        %dma_wait3A_99 = arith.constant 0 : i32
        %dma_wait3A_100 = tpu.memref_slice %arg11[%dma_wait3A_98, %dma_wait3A_99] : memref<10000x64xbf16, #tpu.memory_space<vmem_shared>> -> memref<10000x64xbf16, #tpu.memory_space<vmem_shared>>
        tpu.wait_indirect_dma semaphore(%arg14 : memref<!tpu.dma_semaphore, #tpu.memory_space<semaphore_mem>>) src(%arg9 : memref<625x64xbf16, #tpu.memory_space<vmem>>) dst(%dma_wait3A_100 : memref<10000x64xbf16, #tpu.memory_space<vmem_shared>>)
        %add3A_101 = arith.constant 2 : i32
        %add3A_102 = arith.addi %mul3A_42, %add3A_101 : i32
        %dma_start3A_103 = arith.constant 0 : i32
        %dma_start3A_104 = arith.constant 0 : i32
        %dma_start3A_105 = tpu.memref_slice %arg7[%add3A_102, %dma_start3A_103, %dma_start3A_104] : memref<16x1x625xi32, #tpu.memory_space<vmem>> -> memref<1x1x625xi32, #tpu.memory_space<vmem>>
        %dma_start3A_106 = tpu.memref_squeeze %dma_start3A_105 : memref<1x1x625xi32, #tpu.memory_space<vmem>> -> memref<625xi32, #tpu.memory_space<vmem>>
        %dma_start3A_107 = arith.constant 0 : i32
        %dma_start3A_108 = arith.constant 0 : i32
        %dma_start3A_109 = tpu.memref_slice %arg4[%dma_start3A_107, %dma_start3A_108] : memref<10000x64xbf16, #tpu.memory_space<hbm>> -> memref<10000x64xbf16, #tpu.memory_space<hbm>>
        tpu.enqueue_indirect_dma source(%dma_start3A_109 : memref<10000x64xbf16, #tpu.memory_space<hbm>>) target(%arg9 : memref<625x64xbf16, #tpu.memory_space<vmem>>) offsets(%dma_start3A_106 : memref<625xi32, #tpu.memory_space<vmem>>) semaphore(%arg12 : memref<!tpu.dma_semaphore, #tpu.memory_space<semaphore_mem>>)
      } else {
      }
    }
    %scan3A_18 = arith.constant 8 : i32
    %dma_wait3A = arith.constant 0 : i32
    %dma_wait3A_19 = arith.constant 0 : i32
    %dma_wait3A_20 = arith.constant 0 : i32
    %dma_wait3A_21 = tpu.memref_slice %arg8[%dma_wait3A, %dma_wait3A_19, %dma_wait3A_20] : memref<16x1x625xi32, #tpu.memory_space<vmem>> -> memref<1x1x625xi32, #tpu.memory_space<vmem>>
    %dma_wait3A_22 = tpu.memref_squeeze %dma_wait3A_21 : memref<1x1x625xi32, #tpu.memory_space<vmem>> -> memref<625xi32, #tpu.memory_space<vmem>>
    %dma_wait3A_23 = arith.constant 0 : i32
    %dma_wait3A_24 = arith.constant 0 : i32
    %dma_wait3A_25 = tpu.memref_slice %arg11[%dma_wait3A_23, %dma_wait3A_24] : memref<10000x64xbf16, #tpu.memory_space<vmem_shared>> -> memref<10000x64xbf16, #tpu.memory_space<vmem_shared>>
    tpu.wait_indirect_dma semaphore(%arg14 : memref<!tpu.dma_semaphore, #tpu.memory_space<semaphore_mem>>) src(%arg9 : memref<625x64xbf16, #tpu.memory_space<vmem>>) dst(%dma_wait3A_25 : memref<10000x64xbf16, #tpu.memory_space<vmem_shared>>)
    %dma_wait3A_26 = arith.constant 0 : i32
    %dma_wait3A_27 = arith.constant 0 : i32
    %dma_wait3A_28 = arith.constant 0 : i32
    %dma_wait3A_29 = tpu.memref_slice %arg8[%dma_wait3A_26, %dma_wait3A_27, %dma_wait3A_28] : memref<16x1x625xi32, #tpu.memory_space<vmem>> -> memref<1x1x625xi32, #tpu.memory_space<vmem>>
    %dma_wait3A_30 = tpu.memref_squeeze %dma_wait3A_29 : memref<1x1x625xi32, #tpu.memory_space<vmem>> -> memref<625xi32, #tpu.memory_space<vmem>>
    %dma_wait3A_31 = arith.constant 0 : i32
    %dma_wait3A_32 = arith.constant 0 : i32
    %dma_wait3A_33 = tpu.memref_slice %arg11[%dma_wait3A_31, %dma_wait3A_32] : memref<10000x64xbf16, #tpu.memory_space<vmem_shared>> -> memref<10000x64xbf16, #tpu.memory_space<vmem_shared>>
    tpu.wait_indirect_dma semaphore(%arg15 : memref<!tpu.dma_semaphore, #tpu.memory_space<semaphore_mem>>) src(%arg10 : memref<625x64xbf16, #tpu.memory_space<vmem>>) dst(%dma_wait3A_33 : memref<10000x64xbf16, #tpu.memory_space<vmem_shared>>)
    %barrier3A_34 = arith.constant 0 : index
    tpu.barrier barrier_id(%barrier3A_34)
    %lt3A_35 = arith.constant 10 : i32
    %lt3A_36 = arith.cmpi slt, %arg1, %lt3A_35 : i32
    %convert_element_type3A_37 = arith.extui %lt3A_36 : i1 to i32
    %cond3A_38 = arith.constant 0 : i32
    %cond3A_39 = arith.cmpi ne, %convert_element_type3A_37, %cond3A_38 : i32
    scf.if %cond3A_39 {
      %mul3A_40 = arith.constant 1000 : i32
      %mul3A_41 = arith.muli %arg1, %mul3A_40 : i32
      %mul3A_42 = arith.constant 1000 : i32
      %mul3A_43 = arith.muli %arg1, %mul3A_42 : i32
      "tpu.region"() ({
        %run_scoped3A = tpu.sem_alloc : memref<!tpu.dma_semaphore, #tpu.memory_space<semaphore_mem>>
        %dma_start3A_44 = arith.constant 0 : i32
        %dma_start3A_45 = tpu.memref_slice %arg6[%arg0, %mul3A_43, %dma_start3A_44] : memref<2x10000x64xbf16, #tpu.memory_space<hbm>> -> memref<1x1000x64xbf16, #tpu.memory_space<hbm>>
        %dma_start3A_46 = tpu.memref_squeeze %dma_start3A_45 : memref<1x1000x64xbf16, #tpu.memory_space<hbm>> -> memref<1000x64xbf16, #tpu.memory_space<hbm>>
        %dma_start3A_47 = arith.constant 0 : i32
        %dma_start3A_48 = tpu.memref_slice %arg11[%mul3A_41, %dma_start3A_47] : memref<10000x64xbf16, #tpu.memory_space<vmem_shared>> -> memref<1000x64xbf16, #tpu.memory_space<vmem_shared>>
        tpu.enqueue_dma source(%dma_start3A_48 : memref<1000x64xbf16, #tpu.memory_space<vmem_shared>>) target(%dma_start3A_46 : memref<1000x64xbf16, #tpu.memory_space<hbm>>) target_semaphore(%run_scoped3A : memref<!tpu.dma_semaphore, #tpu.memory_space<semaphore_mem>>)
        %dma_wait3A_49 = arith.constant 0 : i32
        %dma_wait3A_50 = tpu.memref_slice %arg6[%arg0, %mul3A_43, %dma_wait3A_49] : memref<2x10000x64xbf16, #tpu.memory_space<hbm>> -> memref<1x1000x64xbf16, #tpu.memory_space<hbm>>
        %dma_wait3A_51 = tpu.memref_squeeze %dma_wait3A_50 : memref<1x1000x64xbf16, #tpu.memory_space<hbm>> -> memref<1000x64xbf16, #tpu.memory_space<hbm>>
        %dma_wait3A_52 = arith.constant 0 : i32
        %dma_wait3A_53 = tpu.memref_slice %arg11[%mul3A_41, %dma_wait3A_52] : memref<10000x64xbf16, #tpu.memory_space<vmem_shared>> -> memref<1000x64xbf16, #tpu.memory_space<vmem_shared>>
        tpu.wait_dma2 semaphore(%run_scoped3A : memref<!tpu.dma_semaphore, #tpu.memory_space<semaphore_mem>>) src(%dma_wait3A_53 : memref<1000x64xbf16, #tpu.memory_space<vmem_shared>>) dst(%dma_wait3A_51 : memref<1000x64xbf16, #tpu.memory_space<hbm>>)
        tpu.yield
      }) : () -> ()
    } else {
    }
    return
  }
}

#map = affine_map<(d0, d1) -> (0, 0, 0)>
#map1 = affine_map<(d0, d1) -> (0, 0)>
module attributes {stable_mosaic.version = 14 : i64} {
  func.func @body(%arg0: i32, %arg1: i32, %arg2: memref<640x1x500xi32, #tpu.memory_space<hbm>>, %arg3: memref<640x1x500xi32, #tpu.memory_space<hbm>>, %arg4: memref<10000x128xbf16, #tpu.memory_space<hbm>>, %arg5: memref<10000x128xbf16, #tpu.memory_space<hbm>>, %arg6: memref<2x10000x128xbf16, #tpu.memory_space<hbm>>, %arg7: memref<20x1x500xi32, #tpu.memory_space<vmem>>, %arg8: memref<20x1x500xi32, #tpu.memory_space<vmem>>, %arg9: memref<500x128xbf16, #tpu.memory_space<vmem>>, %arg10: memref<500x128xbf16, #tpu.memory_space<vmem>>, %arg11: memref<10000x128xbf16, #tpu.memory_space<vmem_shared>>, %arg12: memref<!tpu.dma_semaphore, #tpu.memory_space<semaphore_mem>>, %arg13: memref<!tpu.dma_semaphore, #tpu.memory_space<semaphore_mem>>, %arg14: memref<!tpu.dma_semaphore, #tpu.memory_space<semaphore_mem>>, %arg15: memref<!tpu.dma_semaphore, #tpu.memory_space<semaphore_mem>>) attributes {dimension_semantics = [#tpu.dimension_semantics<core_parallel>, #tpu.dimension_semantics<subcore_parallel>], iteration_bounds = array<i64: 2, 16>, scalar_prefetch = 0 : i64, scratch_operands = 9 : i64, tpu.core_type = #tpu.core_type<sc_vector_subcore>, window_params = [{transform_indices = #map}, {transform_indices = #map}, {transform_indices = #map1}, {transform_indices = #map1}, {transform_indices = #map}]} {
    %mul3A = arith.constant 16 : i32
    %mul3A_0 = arith.muli %arg0, %mul3A : i32
    %add3A = arith.addi %mul3A_0, %arg1 : i32
    %lt3A = arith.constant 10 : i32
    %lt3A_1 = arith.cmpi slt, %arg1, %lt3A : i32
    %convert_element_type3A = arith.extui %lt3A_1 : i1 to i32
    %cond3A = arith.constant 0 : i32
    %cond3A_2 = arith.cmpi ne, %convert_element_type3A, %cond3A : i32
    scf.if %cond3A_2 {
      %mul3A_40 = arith.constant 1000 : i32
      %mul3A_41 = arith.muli %arg1, %mul3A_40 : i32
      %mul3A_42 = arith.constant 1000 : i32
      %mul3A_43 = arith.muli %arg1, %mul3A_42 : i32
      "tpu.region"() ({
        %run_scoped3A = tpu.sem_alloc : memref<!tpu.dma_semaphore, #tpu.memory_space<semaphore_mem>>
        %dma_start3A_44 = arith.constant 0 : i32
        %dma_start3A_45 = tpu.memref_slice %arg11[%mul3A_43, %dma_start3A_44] : memref<10000x128xbf16, #tpu.memory_space<vmem_shared>> -> memref<1000x128xbf16, #tpu.memory_space<vmem_shared>>
        %dma_start3A_46 = arith.constant 0 : i32
        %dma_start3A_47 = tpu.memref_slice %arg5[%mul3A_41, %dma_start3A_46] : memref<10000x128xbf16, #tpu.memory_space<hbm>> -> memref<1000x128xbf16, #tpu.memory_space<hbm>>
        tpu.enqueue_dma source(%dma_start3A_47 : memref<1000x128xbf16, #tpu.memory_space<hbm>>) target(%dma_start3A_45 : memref<1000x128xbf16, #tpu.memory_space<vmem_shared>>) target_semaphore(%run_scoped3A : memref<!tpu.dma_semaphore, #tpu.memory_space<semaphore_mem>>)
        %dma_wait3A_48 = arith.constant 0 : i32
        %dma_wait3A_49 = tpu.memref_slice %arg11[%mul3A_43, %dma_wait3A_48] : memref<10000x128xbf16, #tpu.memory_space<vmem_shared>> -> memref<1000x128xbf16, #tpu.memory_space<vmem_shared>>
        %dma_wait3A_50 = arith.constant 0 : i32
        %dma_wait3A_51 = tpu.memref_slice %arg5[%mul3A_41, %dma_wait3A_50] : memref<10000x128xbf16, #tpu.memory_space<hbm>> -> memref<1000x128xbf16, #tpu.memory_space<hbm>>
        tpu.wait_dma2 semaphore(%run_scoped3A : memref<!tpu.dma_semaphore, #tpu.memory_space<semaphore_mem>>) src(%dma_wait3A_51 : memref<1000x128xbf16, #tpu.memory_space<hbm>>) dst(%dma_wait3A_49 : memref<1000x128xbf16, #tpu.memory_space<vmem_shared>>)
        tpu.yield
      }) : () -> ()
    } else {
    }
    %mul3A_3 = arith.constant 20 : i32
    %mul3A_4 = arith.muli %add3A, %mul3A_3 : i32
    %add3A_5 = arith.constant 0 : i32
    %add3A_6 = arith.addi %mul3A_4, %add3A_5 : i32
    "tpu.region"() ({
      %run_scoped3A = tpu.sem_alloc : memref<!tpu.dma_semaphore, #tpu.memory_space<semaphore_mem>>
      %dma_start3A_40 = arith.constant 0 : i32
      %dma_start3A_41 = arith.constant 0 : i32
      %dma_start3A_42 = tpu.memref_slice %arg2[%add3A_6, %dma_start3A_40, %dma_start3A_41] : memref<640x1x500xi32, #tpu.memory_space<hbm>> -> memref<20x1x500xi32, #tpu.memory_space<hbm>>
      %dma_start3A_43 = arith.constant 0 : i32
      %dma_start3A_44 = arith.constant 0 : i32
      %dma_start3A_45 = tpu.memref_slice %arg2[%add3A_6, %dma_start3A_43, %dma_start3A_44] : memref<640x1x500xi32, #tpu.memory_space<hbm>> -> memref<20x1x500xi32, #tpu.memory_space<hbm>>
      tpu.enqueue_dma source(%dma_start3A_45 : memref<20x1x500xi32, #tpu.memory_space<hbm>>) target(%arg7 : memref<20x1x500xi32, #tpu.memory_space<vmem>>) target_semaphore(%run_scoped3A : memref<!tpu.dma_semaphore, #tpu.memory_space<semaphore_mem>>)
      %dma_wait3A_46 = arith.constant 0 : i32
      %dma_wait3A_47 = arith.constant 0 : i32
      %dma_wait3A_48 = tpu.memref_slice %arg2[%add3A_6, %dma_wait3A_46, %dma_wait3A_47] : memref<640x1x500xi32, #tpu.memory_space<hbm>> -> memref<20x1x500xi32, #tpu.memory_space<hbm>>
      %dma_wait3A_49 = arith.constant 0 : i32
      %dma_wait3A_50 = arith.constant 0 : i32
      %dma_wait3A_51 = tpu.memref_slice %arg2[%add3A_6, %dma_wait3A_49, %dma_wait3A_50] : memref<640x1x500xi32, #tpu.memory_space<hbm>> -> memref<20x1x500xi32, #tpu.memory_space<hbm>>
      tpu.wait_dma2 semaphore(%run_scoped3A : memref<!tpu.dma_semaphore, #tpu.memory_space<semaphore_mem>>) src(%dma_wait3A_51 : memref<20x1x500xi32, #tpu.memory_space<hbm>>) dst(%arg7 : memref<20x1x500xi32, #tpu.memory_space<vmem>>)
      tpu.yield
    }) : () -> ()
    "tpu.region"() ({
      %run_scoped3A = tpu.sem_alloc : memref<!tpu.dma_semaphore, #tpu.memory_space<semaphore_mem>>
      %dma_start3A_40 = arith.constant 0 : i32
      %dma_start3A_41 = arith.constant 0 : i32
      %dma_start3A_42 = tpu.memref_slice %arg3[%add3A_6, %dma_start3A_40, %dma_start3A_41] : memref<640x1x500xi32, #tpu.memory_space<hbm>> -> memref<20x1x500xi32, #tpu.memory_space<hbm>>
      %dma_start3A_43 = arith.constant 0 : i32
      %dma_start3A_44 = arith.constant 0 : i32
      %dma_start3A_45 = tpu.memref_slice %arg3[%add3A_6, %dma_start3A_43, %dma_start3A_44] : memref<640x1x500xi32, #tpu.memory_space<hbm>> -> memref<20x1x500xi32, #tpu.memory_space<hbm>>
      tpu.enqueue_dma source(%dma_start3A_45 : memref<20x1x500xi32, #tpu.memory_space<hbm>>) target(%arg8 : memref<20x1x500xi32, #tpu.memory_space<vmem>>) target_semaphore(%run_scoped3A : memref<!tpu.dma_semaphore, #tpu.memory_space<semaphore_mem>>)
      %dma_wait3A_46 = arith.constant 0 : i32
      %dma_wait3A_47 = arith.constant 0 : i32
      %dma_wait3A_48 = tpu.memref_slice %arg3[%add3A_6, %dma_wait3A_46, %dma_wait3A_47] : memref<640x1x500xi32, #tpu.memory_space<hbm>> -> memref<20x1x500xi32, #tpu.memory_space<hbm>>
      %dma_wait3A_49 = arith.constant 0 : i32
      %dma_wait3A_50 = arith.constant 0 : i32
      %dma_wait3A_51 = tpu.memref_slice %arg3[%add3A_6, %dma_wait3A_49, %dma_wait3A_50] : memref<640x1x500xi32, #tpu.memory_space<hbm>> -> memref<20x1x500xi32, #tpu.memory_space<hbm>>
      tpu.wait_dma2 semaphore(%run_scoped3A : memref<!tpu.dma_semaphore, #tpu.memory_space<semaphore_mem>>) src(%dma_wait3A_51 : memref<20x1x500xi32, #tpu.memory_space<hbm>>) dst(%arg8 : memref<20x1x500xi32, #tpu.memory_space<vmem>>)
      tpu.yield
    }) : () -> ()
    %barrier3A = arith.constant 0 : index
    tpu.barrier barrier_id(%barrier3A)
    %dma_start3A = arith.constant 0 : i32
    %dma_start3A_7 = arith.constant 0 : i32
    %dma_start3A_8 = arith.constant 0 : i32
    %dma_start3A_9 = tpu.memref_slice %arg7[%dma_start3A, %dma_start3A_7, %dma_start3A_8] : memref<20x1x500xi32, #tpu.memory_space<vmem>> -> memref<1x1x500xi32, #tpu.memory_space<vmem>>
    %dma_start3A_10 = tpu.memref_squeeze %dma_start3A_9 : memref<1x1x500xi32, #tpu.memory_space<vmem>> -> memref<500xi32, #tpu.memory_space<vmem>>
    %dma_start3A_11 = arith.constant 0 : i32
    %dma_start3A_12 = arith.constant 0 : i32
    %dma_start3A_13 = tpu.memref_slice %arg4[%dma_start3A_11, %dma_start3A_12] : memref<10000x128xbf16, #tpu.memory_space<hbm>> -> memref<10000x128xbf16, #tpu.memory_space<hbm>>
    tpu.enqueue_indirect_dma source(%dma_start3A_13 : memref<10000x128xbf16, #tpu.memory_space<hbm>>) target(%arg9 : memref<500x128xbf16, #tpu.memory_space<vmem>>) offsets(%dma_start3A_10 : memref<500xi32, #tpu.memory_space<vmem>>) semaphore(%arg12 : memref<!tpu.dma_semaphore, #tpu.memory_space<semaphore_mem>>)
    %scan3A = arith.constant 0 : i32
    %scan3A_14 = arith.constant 0 : i32
    %scan3A_15 = arith.constant 10 : i32
    %scan3A_16 = arith.addi %scan3A_14, %scan3A_15 : i32
    %scan3A_17 = arith.constant 1 : i32
    scf.for %scan3A_40 = %scan3A_14 to %scan3A_16 step %scan3A_17  : i32 {
      %mul3A_41 = arith.constant 2 : i32
      %mul3A_42 = arith.muli %mul3A_41, %scan3A_40 : i32
      %dma_wait3A_43 = arith.constant 0 : i32
      %dma_wait3A_44 = arith.constant 0 : i32
      %dma_wait3A_45 = arith.constant 0 : i32
      %dma_wait3A_46 = tpu.memref_slice %arg7[%dma_wait3A_43, %dma_wait3A_44, %dma_wait3A_45] : memref<20x1x500xi32, #tpu.memory_space<vmem>> -> memref<1x1x500xi32, #tpu.memory_space<vmem>>
      %dma_wait3A_47 = tpu.memref_squeeze %dma_wait3A_46 : memref<1x1x500xi32, #tpu.memory_space<vmem>> -> memref<500xi32, #tpu.memory_space<vmem>>
      %dma_wait3A_48 = arith.constant 0 : i32
      %dma_wait3A_49 = arith.constant 0 : i32
      %dma_wait3A_50 = tpu.memref_slice %arg4[%dma_wait3A_48, %dma_wait3A_49] : memref<10000x128xbf16, #tpu.memory_space<hbm>> -> memref<10000x128xbf16, #tpu.memory_space<hbm>>
      tpu.wait_indirect_dma semaphore(%arg12 : memref<!tpu.dma_semaphore, #tpu.memory_space<semaphore_mem>>) src(%dma_wait3A_50 : memref<10000x128xbf16, #tpu.memory_space<hbm>>) dst(%arg9 : memref<500x128xbf16, #tpu.memory_space<vmem>>)
      %dma_start3A_51 = arith.constant 0 : i32
      %dma_start3A_52 = arith.constant 0 : i32
      %dma_start3A_53 = tpu.memref_slice %arg8[%mul3A_42, %dma_start3A_51, %dma_start3A_52] : memref<20x1x500xi32, #tpu.memory_space<vmem>> -> memref<1x1x500xi32, #tpu.memory_space<vmem>>
      %dma_start3A_54 = tpu.memref_squeeze %dma_start3A_53 : memref<1x1x500xi32, #tpu.memory_space<vmem>> -> memref<500xi32, #tpu.memory_space<vmem>>
      %dma_start3A_55 = arith.constant 0 : i32
      %dma_start3A_56 = arith.constant 0 : i32
      %dma_start3A_57 = tpu.memref_slice %arg11[%dma_start3A_55, %dma_start3A_56] : memref<10000x128xbf16, #tpu.memory_space<vmem_shared>> -> memref<10000x128xbf16, #tpu.memory_space<vmem_shared>>
      tpu.enqueue_indirect_dma source(%arg9 : memref<500x128xbf16, #tpu.memory_space<vmem>>) target(%dma_start3A_57 : memref<10000x128xbf16, #tpu.memory_space<vmem_shared>>) offsets(%dma_start3A_54 : memref<500xi32, #tpu.memory_space<vmem>>) semaphore(%arg14 : memref<!tpu.dma_semaphore, #tpu.memory_space<semaphore_mem>>) {add = true}
      %gt3A = arith.constant 0 : i32
      %gt3A_58 = arith.cmpi sgt, %scan3A_40, %gt3A : i32
      %convert_element_type3A_59 = arith.extui %gt3A_58 : i1 to i32
      %cond3A_60 = arith.constant 0 : i32
      %cond3A_61 = arith.cmpi ne, %convert_element_type3A_59, %cond3A_60 : i32
      scf.if %cond3A_61 {
        %dma_wait3A_93 = arith.constant 0 : i32
        %dma_wait3A_94 = arith.constant 0 : i32
        %dma_wait3A_95 = arith.constant 0 : i32
        %dma_wait3A_96 = tpu.memref_slice %arg8[%dma_wait3A_93, %dma_wait3A_94, %dma_wait3A_95] : memref<20x1x500xi32, #tpu.memory_space<vmem>> -> memref<1x1x500xi32, #tpu.memory_space<vmem>>
        %dma_wait3A_97 = tpu.memref_squeeze %dma_wait3A_96 : memref<1x1x500xi32, #tpu.memory_space<vmem>> -> memref<500xi32, #tpu.memory_space<vmem>>
        %dma_wait3A_98 = arith.constant 0 : i32
        %dma_wait3A_99 = arith.constant 0 : i32
        %dma_wait3A_100 = tpu.memref_slice %arg11[%dma_wait3A_98, %dma_wait3A_99] : memref<10000x128xbf16, #tpu.memory_space<vmem_shared>> -> memref<10000x128xbf16, #tpu.memory_space<vmem_shared>>
        tpu.wait_indirect_dma semaphore(%arg15 : memref<!tpu.dma_semaphore, #tpu.memory_space<semaphore_mem>>) src(%arg10 : memref<500x128xbf16, #tpu.memory_space<vmem>>) dst(%dma_wait3A_100 : memref<10000x128xbf16, #tpu.memory_space<vmem_shared>>)
      } else {
      }
      %add3A_62 = arith.constant 1 : i32
      %add3A_63 = arith.addi %mul3A_42, %add3A_62 : i32
      %dma_start3A_64 = arith.constant 0 : i32
      %dma_start3A_65 = arith.constant 0 : i32
      %dma_start3A_66 = tpu.memref_slice %arg7[%add3A_63, %dma_start3A_64, %dma_start3A_65] : memref<20x1x500xi32, #tpu.memory_space<vmem>> -> memref<1x1x500xi32, #tpu.memory_space<vmem>>
      %dma_start3A_67 = tpu.memref_squeeze %dma_start3A_66 : memref<1x1x500xi32, #tpu.memory_space<vmem>> -> memref<500xi32, #tpu.memory_space<vmem>>
      %dma_start3A_68 = arith.constant 0 : i32
      %dma_start3A_69 = arith.constant 0 : i32
      %dma_start3A_70 = tpu.memref_slice %arg4[%dma_start3A_68, %dma_start3A_69] : memref<10000x128xbf16, #tpu.memory_space<hbm>> -> memref<10000x128xbf16, #tpu.memory_space<hbm>>
      tpu.enqueue_indirect_dma source(%dma_start3A_70 : memref<10000x128xbf16, #tpu.memory_space<hbm>>) target(%arg10 : memref<500x128xbf16, #tpu.memory_space<vmem>>) offsets(%dma_start3A_67 : memref<500xi32, #tpu.memory_space<vmem>>) semaphore(%arg13 : memref<!tpu.dma_semaphore, #tpu.memory_space<semaphore_mem>>)
      %dma_wait3A_71 = arith.constant 0 : i32
      %dma_wait3A_72 = arith.constant 0 : i32
      %dma_wait3A_73 = arith.constant 0 : i32
      %dma_wait3A_74 = tpu.memref_slice %arg7[%dma_wait3A_71, %dma_wait3A_72, %dma_wait3A_73] : memref<20x1x500xi32, #tpu.memory_space<vmem>> -> memref<1x1x500xi32, #tpu.memory_space<vmem>>
      %dma_wait3A_75 = tpu.memref_squeeze %dma_wait3A_74 : memref<1x1x500xi32, #tpu.memory_space<vmem>> -> memref<500xi32, #tpu.memory_space<vmem>>
      %dma_wait3A_76 = arith.constant 0 : i32
      %dma_wait3A_77 = arith.constant 0 : i32
      %dma_wait3A_78 = tpu.memref_slice %arg4[%dma_wait3A_76, %dma_wait3A_77] : memref<10000x128xbf16, #tpu.memory_space<hbm>> -> memref<10000x128xbf16, #tpu.memory_space<hbm>>
      tpu.wait_indirect_dma semaphore(%arg13 : memref<!tpu.dma_semaphore, #tpu.memory_space<semaphore_mem>>) src(%dma_wait3A_78 : memref<10000x128xbf16, #tpu.memory_space<hbm>>) dst(%arg10 : memref<500x128xbf16, #tpu.memory_space<vmem>>)
      %add3A_79 = arith.constant 1 : i32
      %add3A_80 = arith.addi %mul3A_42, %add3A_79 : i32
      %dma_start3A_81 = arith.constant 0 : i32
      %dma_start3A_82 = arith.constant 0 : i32
      %dma_start3A_83 = tpu.memref_slice %arg8[%add3A_80, %dma_start3A_81, %dma_start3A_82] : memref<20x1x500xi32, #tpu.memory_space<vmem>> -> memref<1x1x500xi32, #tpu.memory_space<vmem>>
      %dma_start3A_84 = tpu.memref_squeeze %dma_start3A_83 : memref<1x1x500xi32, #tpu.memory_space<vmem>> -> memref<500xi32, #tpu.memory_space<vmem>>
      %dma_start3A_85 = arith.constant 0 : i32
      %dma_start3A_86 = arith.constant 0 : i32
      %dma_start3A_87 = tpu.memref_slice %arg11[%dma_start3A_85, %dma_start3A_86] : memref<10000x128xbf16, #tpu.memory_space<vmem_shared>> -> memref<10000x128xbf16, #tpu.memory_space<vmem_shared>>
      tpu.enqueue_indirect_dma source(%arg10 : memref<500x128xbf16, #tpu.memory_space<vmem>>) target(%dma_start3A_87 : memref<10000x128xbf16, #tpu.memory_space<vmem_shared>>) offsets(%dma_start3A_84 : memref<500xi32, #tpu.memory_space<vmem>>) semaphore(%arg15 : memref<!tpu.dma_semaphore, #tpu.memory_space<semaphore_mem>>) {add = true}
      %lt3A_88 = arith.constant 9 : i32
      %lt3A_89 = arith.cmpi slt, %scan3A_40, %lt3A_88 : i32
      %convert_element_type3A_90 = arith.extui %lt3A_89 : i1 to i32
      %cond3A_91 = arith.constant 0 : i32
      %cond3A_92 = arith.cmpi ne, %convert_element_type3A_90, %cond3A_91 : i32
      scf.if %cond3A_92 {
        %dma_wait3A_93 = arith.constant 0 : i32
        %dma_wait3A_94 = arith.constant 0 : i32
        %dma_wait3A_95 = arith.constant 0 : i32
        %dma_wait3A_96 = tpu.memref_slice %arg8[%dma_wait3A_93, %dma_wait3A_94, %dma_wait3A_95] : memref<20x1x500xi32, #tpu.memory_space<vmem>> -> memref<1x1x500xi32, #tpu.memory_space<vmem>>
        %dma_wait3A_97 = tpu.memref_squeeze %dma_wait3A_96 : memref<1x1x500xi32, #tpu.memory_space<vmem>> -> memref<500xi32, #tpu.memory_space<vmem>>
        %dma_wait3A_98 = arith.constant 0 : i32
        %dma_wait3A_99 = arith.constant 0 : i32
        %dma_wait3A_100 = tpu.memref_slice %arg11[%dma_wait3A_98, %dma_wait3A_99] : memref<10000x128xbf16, #tpu.memory_space<vmem_shared>> -> memref<10000x128xbf16, #tpu.memory_space<vmem_shared>>
        tpu.wait_indirect_dma semaphore(%arg14 : memref<!tpu.dma_semaphore, #tpu.memory_space<semaphore_mem>>) src(%arg9 : memref<500x128xbf16, #tpu.memory_space<vmem>>) dst(%dma_wait3A_100 : memref<10000x128xbf16, #tpu.memory_space<vmem_shared>>)
        %add3A_101 = arith.constant 2 : i32
        %add3A_102 = arith.addi %mul3A_42, %add3A_101 : i32
        %dma_start3A_103 = arith.constant 0 : i32
        %dma_start3A_104 = arith.constant 0 : i32
        %dma_start3A_105 = tpu.memref_slice %arg7[%add3A_102, %dma_start3A_103, %dma_start3A_104] : memref<20x1x500xi32, #tpu.memory_space<vmem>> -> memref<1x1x500xi32, #tpu.memory_space<vmem>>
        %dma_start3A_106 = tpu.memref_squeeze %dma_start3A_105 : memref<1x1x500xi32, #tpu.memory_space<vmem>> -> memref<500xi32, #tpu.memory_space<vmem>>
        %dma_start3A_107 = arith.constant 0 : i32
        %dma_start3A_108 = arith.constant 0 : i32
        %dma_start3A_109 = tpu.memref_slice %arg4[%dma_start3A_107, %dma_start3A_108] : memref<10000x128xbf16, #tpu.memory_space<hbm>> -> memref<10000x128xbf16, #tpu.memory_space<hbm>>
        tpu.enqueue_indirect_dma source(%dma_start3A_109 : memref<10000x128xbf16, #tpu.memory_space<hbm>>) target(%arg9 : memref<500x128xbf16, #tpu.memory_space<vmem>>) offsets(%dma_start3A_106 : memref<500xi32, #tpu.memory_space<vmem>>) semaphore(%arg12 : memref<!tpu.dma_semaphore, #tpu.memory_space<semaphore_mem>>)
      } else {
      }
    }
    %scan3A_18 = arith.constant 10 : i32
    %dma_wait3A = arith.constant 0 : i32
    %dma_wait3A_19 = arith.constant 0 : i32
    %dma_wait3A_20 = arith.constant 0 : i32
    %dma_wait3A_21 = tpu.memref_slice %arg8[%dma_wait3A, %dma_wait3A_19, %dma_wait3A_20] : memref<20x1x500xi32, #tpu.memory_space<vmem>> -> memref<1x1x500xi32, #tpu.memory_space<vmem>>
    %dma_wait3A_22 = tpu.memref_squeeze %dma_wait3A_21 : memref<1x1x500xi32, #tpu.memory_space<vmem>> -> memref<500xi32, #tpu.memory_space<vmem>>
    %dma_wait3A_23 = arith.constant 0 : i32
    %dma_wait3A_24 = arith.constant 0 : i32
    %dma_wait3A_25 = tpu.memref_slice %arg11[%dma_wait3A_23, %dma_wait3A_24] : memref<10000x128xbf16, #tpu.memory_space<vmem_shared>> -> memref<10000x128xbf16, #tpu.memory_space<vmem_shared>>
    tpu.wait_indirect_dma semaphore(%arg14 : memref<!tpu.dma_semaphore, #tpu.memory_space<semaphore_mem>>) src(%arg9 : memref<500x128xbf16, #tpu.memory_space<vmem>>) dst(%dma_wait3A_25 : memref<10000x128xbf16, #tpu.memory_space<vmem_shared>>)
    %dma_wait3A_26 = arith.constant 0 : i32
    %dma_wait3A_27 = arith.constant 0 : i32
    %dma_wait3A_28 = arith.constant 0 : i32
    %dma_wait3A_29 = tpu.memref_slice %arg8[%dma_wait3A_26, %dma_wait3A_27, %dma_wait3A_28] : memref<20x1x500xi32, #tpu.memory_space<vmem>> -> memref<1x1x500xi32, #tpu.memory_space<vmem>>
    %dma_wait3A_30 = tpu.memref_squeeze %dma_wait3A_29 : memref<1x1x500xi32, #tpu.memory_space<vmem>> -> memref<500xi32, #tpu.memory_space<vmem>>
    %dma_wait3A_31 = arith.constant 0 : i32
    %dma_wait3A_32 = arith.constant 0 : i32
    %dma_wait3A_33 = tpu.memref_slice %arg11[%dma_wait3A_31, %dma_wait3A_32] : memref<10000x128xbf16, #tpu.memory_space<vmem_shared>> -> memref<10000x128xbf16, #tpu.memory_space<vmem_shared>>
    tpu.wait_indirect_dma semaphore(%arg15 : memref<!tpu.dma_semaphore, #tpu.memory_space<semaphore_mem>>) src(%arg10 : memref<500x128xbf16, #tpu.memory_space<vmem>>) dst(%dma_wait3A_33 : memref<10000x128xbf16, #tpu.memory_space<vmem_shared>>)
    %barrier3A_34 = arith.constant 0 : index
    tpu.barrier barrier_id(%barrier3A_34)
    %lt3A_35 = arith.constant 10 : i32
    %lt3A_36 = arith.cmpi slt, %arg1, %lt3A_35 : i32
    %convert_element_type3A_37 = arith.extui %lt3A_36 : i1 to i32
    %cond3A_38 = arith.constant 0 : i32
    %cond3A_39 = arith.cmpi ne, %convert_element_type3A_37, %cond3A_38 : i32
    scf.if %cond3A_39 {
      %mul3A_40 = arith.constant 1000 : i32
      %mul3A_41 = arith.muli %arg1, %mul3A_40 : i32
      %mul3A_42 = arith.constant 1000 : i32
      %mul3A_43 = arith.muli %arg1, %mul3A_42 : i32
      "tpu.region"() ({
        %run_scoped3A = tpu.sem_alloc : memref<!tpu.dma_semaphore, #tpu.memory_space<semaphore_mem>>
        %dma_start3A_44 = arith.constant 0 : i32
        %dma_start3A_45 = tpu.memref_slice %arg6[%arg0, %mul3A_43, %dma_start3A_44] : memref<2x10000x128xbf16, #tpu.memory_space<hbm>> -> memref<1x1000x128xbf16, #tpu.memory_space<hbm>>
        %dma_start3A_46 = tpu.memref_squeeze %dma_start3A_45 : memref<1x1000x128xbf16, #tpu.memory_space<hbm>> -> memref<1000x128xbf16, #tpu.memory_space<hbm>>
        %dma_start3A_47 = arith.constant 0 : i32
        %dma_start3A_48 = tpu.memref_slice %arg11[%mul3A_41, %dma_start3A_47] : memref<10000x128xbf16, #tpu.memory_space<vmem_shared>> -> memref<1000x128xbf16, #tpu.memory_space<vmem_shared>>
        tpu.enqueue_dma source(%dma_start3A_48 : memref<1000x128xbf16, #tpu.memory_space<vmem_shared>>) target(%dma_start3A_46 : memref<1000x128xbf16, #tpu.memory_space<hbm>>) target_semaphore(%run_scoped3A : memref<!tpu.dma_semaphore, #tpu.memory_space<semaphore_mem>>)
        %dma_wait3A_49 = arith.constant 0 : i32
        %dma_wait3A_50 = tpu.memref_slice %arg6[%arg0, %mul3A_43, %dma_wait3A_49] : memref<2x10000x128xbf16, #tpu.memory_space<hbm>> -> memref<1x1000x128xbf16, #tpu.memory_space<hbm>>
        %dma_wait3A_51 = tpu.memref_squeeze %dma_wait3A_50 : memref<1x1000x128xbf16, #tpu.memory_space<hbm>> -> memref<1000x128xbf16, #tpu.memory_space<hbm>>
        %dma_wait3A_52 = arith.constant 0 : i32
        %dma_wait3A_53 = tpu.memref_slice %arg11[%mul3A_41, %dma_wait3A_52] : memref<10000x128xbf16, #tpu.memory_space<vmem_shared>> -> memref<1000x128xbf16, #tpu.memory_space<vmem_shared>>
        tpu.wait_dma2 semaphore(%run_scoped3A : memref<!tpu.dma_semaphore, #tpu.memory_space<semaphore_mem>>) src(%dma_wait3A_53 : memref<1000x128xbf16, #tpu.memory_space<vmem_shared>>) dst(%dma_wait3A_51 : memref<1000x128xbf16, #tpu.memory_space<hbm>>)
        tpu.yield
      }) : () -> ()
    } else {
    }
    return
  }
}

module attributes {stable_mosaic.version = 14 : i64} {
  func.func @_tc1_body(%arg0: i32, %arg1: memref<5000x128xf32, #tpu.memory_space<vmem>>, %arg2: memref<128x64xf32, #tpu.memory_space<vmem>>, %arg3: memref<5000x2xf32, #tpu.memory_space<vmem>>, %arg4: memref<5000x64xbf16, #tpu.memory_space<vmem>>) attributes {dimension_semantics = [#tpu.dimension_semantics<arbitrary>], iteration_bounds = array<i64: 2>, scalar_prefetch = 0 : i64, scratch_operands = 0 : i64, tpu.core_type = #tpu.core_type<tc>, window_params = [{transform_indices = @transform_0, window_bounds = array<i64: 5000, 128>}, {pipeline_mode = #tpu.pipeline_mode<synchronous>, transform_indices = @transform_1, window_bounds = array<i64: 128, 64>}, {transform_indices = @transform_2, window_bounds = array<i64: 5000, 2>}, {transform_indices = @transform_3, window_bounds = array<i64: 5000, 64>}]} {
    %get3A = arith.constant 0 : index
    %get3A_0 = arith.constant 0 : index
    %get3A_1 = vector.load %arg3[%get3A, %get3A_0] : memref<5000x2xf32, #tpu.memory_space<vmem>>, vector<5000x2xf32>
    %reduce_sum3A = arith.constant dense<0.000000e+00> : vector<5000xf32>
    %reduce_sum3A_2 = vector.multi_reduction <add>, %get3A_1, %reduce_sum3A [1] : vector<5000x2xf32> to vector<5000xf32>
    %broadcast_in_dim3A = vector.shape_cast %reduce_sum3A_2 : vector<5000xf32> to vector<5000x1xf32>
    %add3A = arith.constant 1.000000e+00 : f32
    %add3A_3 = vector.broadcast %add3A : f32 to vector<5000x1xf32>
    %add3A_4 = arith.addf %broadcast_in_dim3A, %add3A_3 : vector<5000x1xf32>
    %rsqrt3A = math.rsqrt %add3A_4 : vector<5000x1xf32>
    %get3A_5 = arith.constant 0 : index
    %get3A_6 = arith.constant 0 : index
    %get3A_7 = vector.load %arg1[%get3A_5, %get3A_6] : memref<5000x128xf32, #tpu.memory_space<vmem>>, vector<5000x128xf32>
    %convert_element_type3A = arith.truncf %get3A_7 : vector<5000x128xf32> to vector<5000x128xbf16>
    %get3A_8 = arith.constant 0 : index
    %get3A_9 = arith.constant 0 : index
    %get3A_10 = vector.load %arg2[%get3A_8, %get3A_9] : memref<128x64xf32, #tpu.memory_space<vmem>>, vector<128x64xf32>
    %convert_element_type3A_11 = arith.truncf %get3A_10 : vector<128x64xf32> to vector<128x64xbf16>
    %dot_general3A = arith.constant dense<0.000000e+00> : vector<5000x64xf32>
    %dot_general3A_12 = tpu.matmul %convert_element_type3A, %convert_element_type3A_11, %dot_general3A {dimension_numbers = #tpu.dot_dimension_numbers<[1], [0], [0], [1], [0, 0, 1, 1], [], []>, transpose_lhs_hint = false} : vector<5000x128xbf16>, vector<128x64xbf16>, vector<5000x64xf32> -> vector<5000x64xf32>
    %mul3A = vector.broadcast %rsqrt3A : vector<5000x1xf32> to vector<5000x64xf32>
    %mul3A_13 = arith.mulf %dot_general3A_12, %mul3A : vector<5000x64xf32>
    %convert_element_type3A_14 = arith.truncf %mul3A_13 : vector<5000x64xf32> to vector<5000x64xbf16>
    %swap3A = arith.constant 0 : index
    %swap3A_15 = arith.constant 0 : index
    %swap3A_16 = vector.load %arg4[%swap3A, %swap3A_15] : memref<5000x64xbf16, #tpu.memory_space<vmem>>, vector<5000x64xbf16>
    tpu.vector_store %arg4[%swap3A, %swap3A_15], %convert_element_type3A_14 {strides = array<i32>} : memref<5000x64xbf16, #tpu.memory_space<vmem>>, vector<5000x64xbf16>,
    return
  }
  func.func @transform_0(%arg0: i32) -> (i32, i32) {
    %c0_i32 = arith.constant 0 : i32
    %c0_i32_0 = arith.constant 0 : i32
    return %arg0, %c0_i32 : i32, i32
  }
  func.func @transform_1(%arg0: i32) -> (i32, i32) {
    %c0_i32 = arith.constant 0 : i32
    %c0_i32_0 = arith.constant 0 : i32
    %c0_i32_1 = arith.constant 0 : i32
    return %c0_i32, %c0_i32_0 : i32, i32
  }
  func.func @transform_2(%arg0: i32) -> (i32, i32) {
    %c0_i32 = arith.constant 0 : i32
    %c0_i32_0 = arith.constant 0 : i32
    return %arg0, %c0_i32 : i32, i32
  }
  func.func @transform_3(%arg0: i32) -> (i32, i32) {
    %c0_i32 = arith.constant 0 : i32
    %c0_i32_0 = arith.constant 0 : i32
    return %arg0, %c0_i32 : i32, i32
  }
}

module attributes {stable_mosaic.version = 14 : i64} {
  func.func @_tc2_body(%arg0: i32, %arg1: memref<2x5000x64xbf16, #tpu.memory_space<vmem>>, %arg2: memref<5000x64xbf16, #tpu.memory_space<vmem>>, %arg3: memref<5000x2xf32, #tpu.memory_space<vmem>>, %arg4: memref<1x64xf32, #tpu.memory_space<vmem>>, %arg5: memref<64x128xf32, #tpu.memory_space<vmem>>, %arg6: memref<5000x128xbf16, #tpu.memory_space<vmem>>) attributes {dimension_semantics = [#tpu.dimension_semantics<arbitrary>], iteration_bounds = array<i64: 2>, scalar_prefetch = 0 : i64, scratch_operands = 0 : i64, tpu.core_type = #tpu.core_type<tc>, window_params = [{transform_indices = @transform_0, window_bounds = array<i64: 2, 5000, 64>}, {transform_indices = @transform_1, window_bounds = array<i64: 5000, 64>}, {transform_indices = @transform_2, window_bounds = array<i64: 5000, 2>}, {pipeline_mode = #tpu.pipeline_mode<synchronous>, transform_indices = @transform_3, window_bounds = array<i64: 1, 64>}, {pipeline_mode = #tpu.pipeline_mode<synchronous>, transform_indices = @transform_4, window_bounds = array<i64: 64, 128>}, {transform_indices = @transform_5, window_bounds = array<i64: 5000, 128>}]} {
    %get3A = arith.constant 0 : index
    %get3A_0 = arith.constant 0 : index
    %get3A_1 = vector.load %arg3[%get3A, %get3A_0] : memref<5000x2xf32, #tpu.memory_space<vmem>>, vector<5000x2xf32>
    %reduce_sum3A = arith.constant dense<0.000000e+00> : vector<5000xf32>
    %reduce_sum3A_2 = vector.multi_reduction <add>, %get3A_1, %reduce_sum3A [1] : vector<5000x2xf32> to vector<5000xf32>
    %broadcast_in_dim3A = vector.shape_cast %reduce_sum3A_2 : vector<5000xf32> to vector<5000x1xf32>
    %add3A = arith.constant 1.000000e+00 : f32
    %add3A_3 = vector.broadcast %add3A : f32 to vector<5000x1xf32>
    %add3A_4 = arith.addf %broadcast_in_dim3A, %add3A_3 : vector<5000x1xf32>
    %rsqrt3A = math.rsqrt %add3A_4 : vector<5000x1xf32>
    %get3A_5 = arith.constant 0 : index
    %get3A_6 = arith.constant 0 : index
    %get3A_7 = arith.constant 0 : index
    %get3A_8 = vector.load %arg1[%get3A_5, %get3A_6, %get3A_7] : memref<2x5000x64xbf16, #tpu.memory_space<vmem>>, vector<1x5000x64xbf16>
    %get3A_9 = vector.shape_cast %get3A_8 : vector<1x5000x64xbf16> to vector<5000x64xbf16>
    %convert_element_type3A = arith.extf %get3A_9 : vector<5000x64xbf16> to vector<5000x64xf32>
    %get3A_10 = arith.constant 1 : index
    %get3A_11 = arith.constant 0 : index
    %get3A_12 = arith.constant 0 : index
    %get3A_13 = vector.load %arg1[%get3A_10, %get3A_11, %get3A_12] : memref<2x5000x64xbf16, #tpu.memory_space<vmem>>, vector<1x5000x64xbf16>
    %get3A_14 = vector.shape_cast %get3A_13 : vector<1x5000x64xbf16> to vector<5000x64xbf16>
    %convert_element_type3A_15 = arith.extf %get3A_14 : vector<5000x64xbf16> to vector<5000x64xf32>
    %add3A_16 = arith.addf %convert_element_type3A, %convert_element_type3A_15 : vector<5000x64xf32>
    %get3A_17 = arith.constant 0 : index
    %get3A_18 = arith.constant 0 : index
    %get3A_19 = vector.load %arg2[%get3A_17, %get3A_18] : memref<5000x64xbf16, #tpu.memory_space<vmem>>, vector<5000x64xbf16>
    %convert_element_type3A_20 = arith.extf %get3A_19 : vector<5000x64xbf16> to vector<5000x64xf32>
    %add3A_21 = arith.addf %add3A_16, %convert_element_type3A_20 : vector<5000x64xf32>
    %mul3A = vector.broadcast %rsqrt3A : vector<5000x1xf32> to vector<5000x64xf32>
    %mul3A_22 = arith.mulf %add3A_21, %mul3A : vector<5000x64xf32>
    %get3A_23 = arith.constant 0 : index
    %get3A_24 = arith.constant 0 : index
    %get3A_25 = vector.load %arg4[%get3A_23, %get3A_24] : memref<1x64xf32, #tpu.memory_space<vmem>>, vector<1x64xf32>
    %add3A_26 = vector.broadcast %get3A_25 : vector<1x64xf32> to vector<5000x64xf32>
    %add3A_27 = arith.addf %mul3A_22, %add3A_26 : vector<5000x64xf32>
    %max3A = arith.constant 0.000000e+00 : f32
    %max3A_28 = vector.broadcast %max3A : f32 to vector<5000x64xf32>
    %max3A_29 = arith.maximumf %add3A_27, %max3A_28 : vector<5000x64xf32>
    %convert_element_type3A_30 = arith.truncf %max3A_29 : vector<5000x64xf32> to vector<5000x64xbf16>
    %get3A_31 = arith.constant 0 : index
    %get3A_32 = arith.constant 0 : index
    %get3A_33 = vector.load %arg5[%get3A_31, %get3A_32] : memref<64x128xf32, #tpu.memory_space<vmem>>, vector<64x128xf32>
    %convert_element_type3A_34 = arith.truncf %get3A_33 : vector<64x128xf32> to vector<64x128xbf16>
    %dot_general3A = arith.constant dense<0.000000e+00> : vector<5000x128xf32>
    %dot_general3A_35 = tpu.matmul %convert_element_type3A_30, %convert_element_type3A_34, %dot_general3A {dimension_numbers = #tpu.dot_dimension_numbers<[1], [0], [0], [1], [0, 0, 1, 1], [], []>, transpose_lhs_hint = false} : vector<5000x64xbf16>, vector<64x128xbf16>, vector<5000x128xf32> -> vector<5000x128xf32>
    %mul3A_36 = vector.broadcast %rsqrt3A : vector<5000x1xf32> to vector<5000x128xf32>
    %mul3A_37 = arith.mulf %dot_general3A_35, %mul3A_36 : vector<5000x128xf32>
    %convert_element_type3A_38 = arith.truncf %mul3A_37 : vector<5000x128xf32> to vector<5000x128xbf16>
    %swap3A = arith.constant 0 : index
    %swap3A_39 = arith.constant 0 : index
    %swap3A_40 = vector.load %arg6[%swap3A, %swap3A_39] : memref<5000x128xbf16, #tpu.memory_space<vmem>>, vector<5000x128xbf16>
    tpu.vector_store %arg6[%swap3A, %swap3A_39], %convert_element_type3A_38 {strides = array<i32>} : memref<5000x128xbf16, #tpu.memory_space<vmem>>, vector<5000x128xbf16>,
    return
  }
  func.func @transform_0(%arg0: i32) -> (i32, i32, i32) {
    %c0_i32 = arith.constant 0 : i32
    %c0_i32_0 = arith.constant 0 : i32
    %c0_i32_1 = arith.constant 0 : i32
    return %c0_i32, %arg0, %c0_i32_0 : i32, i32, i32
  }
  func.func @transform_1(%arg0: i32) -> (i32, i32) {
    %c0_i32 = arith.constant 0 : i32
    %c0_i32_0 = arith.constant 0 : i32
    return %arg0, %c0_i32 : i32, i32
  }
  func.func @transform_2(%arg0: i32) -> (i32, i32) {
    %c0_i32 = arith.constant 0 : i32
    %c0_i32_0 = arith.constant 0 : i32
    return %arg0, %c0_i32 : i32, i32
  }
  func.func @transform_3(%arg0: i32) -> (i32, i32) {
    %c0_i32 = arith.constant 0 : i32
    %c0_i32_0 = arith.constant 0 : i32
    %c0_i32_1 = arith.constant 0 : i32
    return %c0_i32, %c0_i32_0 : i32, i32
  }
  func.func @transform_4(%arg0: i32) -> (i32, i32) {
    %c0_i32 = arith.constant 0 : i32
    %c0_i32_0 = arith.constant 0 : i32
    %c0_i32_1 = arith.constant 0 : i32
    return %c0_i32, %c0_i32_0 : i32, i32
  }
  func.func @transform_5(%arg0: i32) -> (i32, i32) {
    %c0_i32 = arith.constant 0 : i32
    %c0_i32_0 = arith.constant 0 : i32
    return %arg0, %c0_i32 : i32, i32
  }
}

module attributes {stable_mosaic.version = 14 : i64} {
  func.func @_tc3_body(%arg0: i32, %arg1: memref<2x5000x128xbf16, #tpu.memory_space<vmem>>, %arg2: memref<5000x128xbf16, #tpu.memory_space<vmem>>, %arg3: memref<5000x2xf32, #tpu.memory_space<vmem>>, %arg4: memref<1x64xf32, #tpu.memory_space<vmem>>, %arg5: memref<1x64xf32, #tpu.memory_space<vmem>>, %arg6: memref<5000x64xf32, #tpu.memory_space<vmem>>, %arg7: memref<5000x64xf32, #tpu.memory_space<vmem>>) attributes {dimension_semantics = [#tpu.dimension_semantics<arbitrary>], iteration_bounds = array<i64: 2>, scalar_prefetch = 0 : i64, scratch_operands = 0 : i64, tpu.core_type = #tpu.core_type<tc>, window_params = [{transform_indices = @transform_0, window_bounds = array<i64: 2, 5000, 128>}, {transform_indices = @transform_1, window_bounds = array<i64: 5000, 128>}, {transform_indices = @transform_2, window_bounds = array<i64: 5000, 2>}, {pipeline_mode = #tpu.pipeline_mode<synchronous>, transform_indices = @transform_3, window_bounds = array<i64: 1, 64>}, {pipeline_mode = #tpu.pipeline_mode<synchronous>, transform_indices = @transform_4, window_bounds = array<i64: 1, 64>}, {transform_indices = @transform_5, window_bounds = array<i64: 5000, 64>}, {transform_indices = @transform_6, window_bounds = array<i64: 5000, 64>}]} {
    %get3A = arith.constant 0 : index
    %get3A_0 = arith.constant 0 : index
    %get3A_1 = vector.load %arg3[%get3A, %get3A_0] : memref<5000x2xf32, #tpu.memory_space<vmem>>, vector<5000x2xf32>
    %reduce_sum3A = arith.constant dense<0.000000e+00> : vector<5000xf32>
    %reduce_sum3A_2 = vector.multi_reduction <add>, %get3A_1, %reduce_sum3A [1] : vector<5000x2xf32> to vector<5000xf32>
    %broadcast_in_dim3A = vector.shape_cast %reduce_sum3A_2 : vector<5000xf32> to vector<5000x1xf32>
    %add3A = arith.constant 1.000000e+00 : f32
    %add3A_3 = vector.broadcast %add3A : f32 to vector<5000x1xf32>
    %add3A_4 = arith.addf %broadcast_in_dim3A, %add3A_3 : vector<5000x1xf32>
    %rsqrt3A = math.rsqrt %add3A_4 : vector<5000x1xf32>
    %get3A_5 = arith.constant 0 : index
    %get3A_6 = arith.constant 0 : index
    %get3A_7 = arith.constant 0 : index
    %get3A_8 = vector.load %arg1[%get3A_5, %get3A_6, %get3A_7] : memref<2x5000x128xbf16, #tpu.memory_space<vmem>>, vector<1x5000x128xbf16>
    %get3A_9 = vector.shape_cast %get3A_8 : vector<1x5000x128xbf16> to vector<5000x128xbf16>
    %convert_element_type3A = arith.extf %get3A_9 : vector<5000x128xbf16> to vector<5000x128xf32>
    %get3A_10 = arith.constant 1 : index
    %get3A_11 = arith.constant 0 : index
    %get3A_12 = arith.constant 0 : index
    %get3A_13 = vector.load %arg1[%get3A_10, %get3A_11, %get3A_12] : memref<2x5000x128xbf16, #tpu.memory_space<vmem>>, vector<1x5000x128xbf16>
    %get3A_14 = vector.shape_cast %get3A_13 : vector<1x5000x128xbf16> to vector<5000x128xbf16>
    %convert_element_type3A_15 = arith.extf %get3A_14 : vector<5000x128xbf16> to vector<5000x128xf32>
    %add3A_16 = arith.addf %convert_element_type3A, %convert_element_type3A_15 : vector<5000x128xf32>
    %get3A_17 = arith.constant 0 : index
    %get3A_18 = arith.constant 0 : index
    %get3A_19 = vector.load %arg2[%get3A_17, %get3A_18] : memref<5000x128xbf16, #tpu.memory_space<vmem>>, vector<5000x128xbf16>
    %convert_element_type3A_20 = arith.extf %get3A_19 : vector<5000x128xbf16> to vector<5000x128xf32>
    %add3A_21 = arith.addf %add3A_16, %convert_element_type3A_20 : vector<5000x128xf32>
    %mul3A = vector.broadcast %rsqrt3A : vector<5000x1xf32> to vector<5000x128xf32>
    %mul3A_22 = arith.mulf %add3A_21, %mul3A : vector<5000x128xf32>
    %slice3A = vector.extract_strided_slice %mul3A_22 {offsets = [0, 0], sizes = [5000, 64], strides = [1, 1]} : vector<5000x128xf32> to vector<5000x64xf32>
    %get3A_23 = arith.constant 0 : index
    %get3A_24 = arith.constant 0 : index
    %get3A_25 = vector.load %arg4[%get3A_23, %get3A_24] : memref<1x64xf32, #tpu.memory_space<vmem>>, vector<1x64xf32>
    %add3A_26 = vector.broadcast %get3A_25 : vector<1x64xf32> to vector<5000x64xf32>
    %add3A_27 = arith.addf %slice3A, %add3A_26 : vector<5000x64xf32>
    %swap3A = arith.constant 0 : index
    %swap3A_28 = arith.constant 0 : index
    %swap3A_29 = vector.load %arg6[%swap3A, %swap3A_28] : memref<5000x64xf32, #tpu.memory_space<vmem>>, vector<5000x64xf32>
    tpu.vector_store %arg6[%swap3A, %swap3A_28], %add3A_27 {strides = array<i32>} : memref<5000x64xf32, #tpu.memory_space<vmem>>, vector<5000x64xf32>,
    %slice3A_30 = vector.extract_strided_slice %mul3A_22 {offsets = [0, 64], sizes = [5000, 64], strides = [1, 1]} : vector<5000x128xf32> to vector<5000x64xf32>
    %get3A_31 = arith.constant 0 : index
    %get3A_32 = arith.constant 0 : index
    %get3A_33 = vector.load %arg5[%get3A_31, %get3A_32] : memref<1x64xf32, #tpu.memory_space<vmem>>, vector<1x64xf32>
    %add3A_34 = vector.broadcast %get3A_33 : vector<1x64xf32> to vector<5000x64xf32>
    %add3A_35 = arith.addf %slice3A_30, %add3A_34 : vector<5000x64xf32>
    %swap3A_36 = arith.constant 0 : index
    %swap3A_37 = arith.constant 0 : index
    %swap3A_38 = vector.load %arg7[%swap3A_36, %swap3A_37] : memref<5000x64xf32, #tpu.memory_space<vmem>>, vector<5000x64xf32>
    tpu.vector_store %arg7[%swap3A_36, %swap3A_37], %add3A_35 {strides = array<i32>} : memref<5000x64xf32, #tpu.memory_space<vmem>>, vector<5000x64xf32>,
    return
  }
  func.func @transform_0(%arg0: i32) -> (i32, i32, i32) {
    %c0_i32 = arith.constant 0 : i32
    %c0_i32_0 = arith.constant 0 : i32
    %c0_i32_1 = arith.constant 0 : i32
    return %c0_i32, %arg0, %c0_i32_0 : i32, i32, i32
  }
  func.func @transform_1(%arg0: i32) -> (i32, i32) {
    %c0_i32 = arith.constant 0 : i32
    %c0_i32_0 = arith.constant 0 : i32
    return %arg0, %c0_i32 : i32, i32
  }
  func.func @transform_2(%arg0: i32) -> (i32, i32) {
    %c0_i32 = arith.constant 0 : i32
    %c0_i32_0 = arith.constant 0 : i32
    return %arg0, %c0_i32 : i32, i32
  }
  func.func @transform_3(%arg0: i32) -> (i32, i32) {
    %c0_i32 = arith.constant 0 : i32
    %c0_i32_0 = arith.constant 0 : i32
    %c0_i32_1 = arith.constant 0 : i32
    return %c0_i32, %c0_i32_0 : i32, i32
  }
  func.func @transform_4(%arg0: i32) -> (i32, i32) {
    %c0_i32 = arith.constant 0 : i32
    %c0_i32_0 = arith.constant 0 : i32
    %c0_i32_1 = arith.constant 0 : i32
    return %c0_i32, %c0_i32_0 : i32, i32
  }
  func.func @transform_5(%arg0: i32) -> (i32, i32) {
    %c0_i32 = arith.constant 0 : i32
    %c0_i32_0 = arith.constant 0 : i32
    return %arg0, %c0_i32 : i32, i32
  }
  func.func @transform_6(%arg0: i32) -> (i32, i32) {
    %c0_i32 = arith.constant 0 : i32
    %c0_i32_0 = arith.constant 0 : i32
    return %arg0, %c0_i32 : i32, i32
  }
}

</mosaic_0001>

<sc_bundles>
// kernel: kernel.11.cloned.1.call-start
scs
__scs_entry_jumppad:
0x0: {  	(pc) =	sbr.rel $0x88, $3  }
0x1: {  	(tag) =	ssettag $0x0;
	lr =	simm.s32 $0x1  }
0x2: {  	[smem:$0x3F99] =	sst lr;
	_ =	strace $0xD0000000  }
0x3: {  	_ = 	snop  }
0x4: {  	_ = 	snop  }
0x5: {  	_ = 	snop  }
0x6: {  	_ = 	snop  }
0x7: {  	_ = 	snop  }
__scs_overlays_trampoline_lowered:
0x8: {  	[smem:$0x3FA8] =	sst s0  }
0x9: {  	[smem:$0x3FA9] =	sst s1  }
0xa: {  	[smem:$0x3FAA] =	sst s2  }
0xb: {  	[smem:$0x3FAB] =	sst s3  }
0xc: {  	[smem:$0x3FAC] =	sst s4  }
0xd: {  	[smem:$0x3FAD] =	sst s5  }
0xe: {  	[smem:$0x3FAE] =	sst s6  }
0xf: {  	[smem:$0x3FAF] =	sst s7  }
0x10: {  	[smem:$0x3FB0] =	sst s8  }
0x11: {  	[smem:$0x3FB1] =	sst s9;
	s0 =	simm.s32 @!p0 $0x0  }
0x12: {  	s1 =	sld [smem:$0x3F97];
	s0 =	simm.s32 @p0 $0x1  }
0x13: {  	[smem:$0x3FB2] =	sst s0;
	s0 =	simm.s32 @!p1 $0x0  }
0x14: {  	s2 =	sld [smem:$0x3F96];
	s0 =	simm.s32 @p1 $0x1  }
0x15: {  	[smem:$0x3FB3] =	sst s0;
	s0 =	simm.s32 @!p2 $0x0  }
0x16: {  	s3 =	sld [smem:$0x3FDB];
	s0 =	simm.s32 @p2 $0x1  }
0x17: {  	s4 =	simm.s32 $0x1BF5;
	[smem:$0x3FB5] =	sst s0  }
0x18: {  	s0 =	sld [smem:$0x3F98];
	_ =	swait.ge [sflag:s4], $0x0  }
0x19: {  	s7 =	sld [smem:$0x3F99]  }
0x1a: {  	s8 =	sadd.s32 $0xFFFFE003, lr  }
0x1b: {  	s9 =	sadd.s32 $0xFFFFFEF7, lr;
	s5 =	simm.s32 $0xFFFFFFFF;
	p2 =	slt.u32 s8, $0xFFFFF086  }
0x1c: {  	p1 =	slt.u32 s9, $0xF7A;
	s5 =	simm.s32 @!p2 $0x0  }
0x1d: {  	s5 =	simm.s32 @p1 $0x1;
	p0 =	seq.s32 s7, s2  }
0x1e: {  	s7 =	smul.u32 @!p0 $0xF7A, s2;
	p2 =	seq.s32 @!p0 s5, $0x0  }
0x1f: {  	s9 =	smul.u32 $0xF7A, s1;
	s8 =	simm.s32 @!p0 $0x1BF5;
	p2 =	por !p2, p0  }
0x20: {  	[sflag:s8] =	ssyncset.s32 @!p0 $0xFFFFF086;
	s6 =	sadd.s32 @!p0 s3, s7;
	s7 =	simm.s32 @!p0 $0x108  }
0x21: {  	s3 =	sadd.s32 s3, s9;
	s6 =	sadd.s32 @!p0 $0x88, s6;
	s7 =	simm.s32 @p2 $0x1082  }
0x22: {  	[simem:s7], [sflag:s8] =	dma.local @!p0 [hbm:s6], $0xF7A  }
0x23: {  	s9 =	sor.u32 $0xD0000000, s2;
	s6 =	simm.s32 $0x108;
	_ =	swait.ge @!p0 [sflag:s8], $0x0  }
0x24: {  	s3 =	sadd.s32 $0x88, s3;
	s6 =	simm.s32 @!p1 $0x1082;
	[sflag:s4] =	ssyncset.s32 $0xFFFFF086  }
0x25: {  	[simem:s6], [sflag:s4] =	dma.local [hbm:s3], $0xF7A  }
0x26: {  	[smem:$0x3F99] =	sst s1;
	(tag) =	ssettag s2;
	_ =	strace s9  }
0x27: {  	s1 =	sld [smem:$0x3FA9]  }
0x28: {  	s2 =	sld [smem:$0x3FAA]  }
0x29: {  	s4 =	sld [smem:$0x3FAC]  }
0x2a: {  	p0 =	seq.s32 s5, $0x0;
	s5 =	sld [smem:$0x3FAD]  }
0x2b: {  	s6 =	sld [smem:$0x3FAE]  }
0x2c: {  	s7 =	sld [smem:$0x3FAF]  }
0x2d: {  	s3 =	simm.s32 $0x108;
	s8 =	sld [smem:$0x3FB0]  }
0x2e: {  	s3 =	simm.s32 @!p0 $0x1082;
	s9 =	sld [smem:$0x3FB1]  }
0x2f: {  	lr =	sadd.s32 s0, s3;
	s0 =	sld [smem:$0x3FA8]  }
0x30: {  	s3 =	sld [smem:$0x3FAB]  }
0x31: {  	[smem:$0x3FB4] =	sst s10  }
0x32: {  	s10 =	sld [smem:$0x3FB2];
	_ =	sdelay $0x3  }
0x33: {  	p0 =	seq.s32 s10, $0x1;
	s10 =	sld [smem:$0x3FB4];
	_ =	sdelay $0x3  }
0x34: {  	[smem:$0x3FB4] =	sst s10  }
0x35: {  	s10 =	sld [smem:$0x3FB3];
	_ =	sdelay $0x3  }
0x36: {  	p1 =	seq.s32 s10, $0x1;
	s10 =	sld [smem:$0x3FB4];
	_ =	sdelay $0x3  }
0x37: {  	[smem:$0x3FB4] =	sst s10  }
0x38: {  	s10 =	sld [smem:$0x3FB5]  }
0x39: {  	_ = 	snop;
	(pc) =	sbr.ind lr, $3  }
0x3a: {  	_ = 	snop  }
0x3b: {  	_ = 	snop  }
0x3c: {  	p2 =	seq.s32 s10, $0x1;
	s10 =	sld [smem:$0x3FB4]  }
0x3d: {  	_ =	shalt  }
0x3e: {  	_ =	shalt  }
0x3f: {  	_ =	shalt  }
0x40: {  	_ =	shalt  }
0x41: {  	_ =	shalt  }
0x42: {  	_ =	shalt  }
0x43: {  	_ =	shalt  }
0x44: {  	_ =	shalt  }
0x45: {  	_ =	shalt  }
0x46: {  	_ =	shalt  }
0x47: {  	_ =	shalt  }
0x48: {  	_ =	shalt  }
0x49: {  	_ =	shalt  }
0x4a: {  	_ =	shalt  }
0x4b: {  	_ =	shalt  }
0x4c: {  	_ =	shalt  }
0x4d: {  	_ =	shalt  }
0x4e: {  	_ =	shalt  }
0x4f: {  	_ =	shalt  }
0x50: {  	_ =	shalt  }
0x51: {  	_ =	shalt  }
0x52: {  	_ =	shalt  }
0x53: {  	_ =	shalt  }
0x54: {  	_ =	shalt  }
0x55: {  	_ =	shalt  }
0x56: {  	_ =	shalt  }
0x57: {  	_ =	shalt  }
0x58: {  	_ =	shalt  }
0x59: {  	_ =	shalt  }
0x5a: {  	_ =	shalt  }
0x5b: {  	_ =	shalt  }
0x5c: {  	_ =	shalt  }
0x5d: {  	_ =	shalt  }
0x5e: {  	_ =	shalt  }
0x5f: {  	_ =	shalt  }
0x60: {  	_ =	shalt  }
0x61: {  	_ =	shalt  }
0x62: {  	_ =	shalt  }
0x63: {  	_ =	shalt  }
0x64: {  	_ =	shalt  }
0x65: {  	_ =	shalt  }
0x66: {  	_ =	shalt  }
0x67: {  	_ =	shalt  }
0x68: {  	_ =	shalt  }
0x69: {  	_ =	shalt  }
0x6a: {  	_ =	shalt  }
0x6b: {  	_ =	shalt  }
0x6c: {  	_ =	shalt  }
0x6d: {  	_ =	shalt  }
0x6e: {  	_ =	shalt  }
0x6f: {  	_ =	shalt  }
0x70: {  	_ =	shalt  }
0x71: {  	_ =	shalt  }
0x72: {  	_ =	shalt  }
0x73: {  	_ =	shalt  }
0x74: {  	_ =	shalt  }
0x75: {  	_ =	shalt  }
0x76: {  	_ =	shalt  }
0x77: {  	_ =	shalt  }
0x78: {  	_ =	shalt  }
0x79: {  	_ =	shalt  }
0x7a: {  	_ =	shalt  }
0x7b: {  	_ =	shalt  }
0x7c: {  	_ =	shalt  }
0x7d: {  	_ =	shalt  }
0x7e: {  	_ =	shalt  }
0x7f: {  	_ =	shalt  }
0x80: {  	_ =	shalt  }
0x81: {  	_ =	shalt  }
0x82: {  	_ =	shalt  }
0x83: {  	_ =	shalt  }
0x84: {  	_ =	shalt  }
0x85: {  	_ =	shalt  }
0x86: {  	_ =	shalt  }
0x87: {  	_ =	shalt  }
.Lfunc_end0:
.L_simem_size_0:
called_computation.1_lowered:
.L_overlay_start_0:
0x88: {  	s2 =	sld [smem:$0x3FD9]  }
0x89: {  	s3 =	sld [smem:$0x3FFE];
	_ =	sdelay $0x1  }
0x8a: {  	s1 =	srdreg.scid  }
0x8b: {  	s0 =	sand.u32 $0x1, s1  }
0x8c: {  	s14 =	sshll.u32 s0, $0xA;
	s2 =	sadd.s32 s3, s2  }
0x8d: {  	s2 =	sadd.s32 s2, s14  }
0x8e: {  	[smem:$0x3FC0] =	sst s2  }
0x8f: {  	_ = 	snop  }
0x90: {  	s2 =	sld [smem:$0x3FD0];
	_ =	sdelay $0x2  }
0x91: {  	s15 =	simm.s32 $0xA;
	s4 =	simm.s32 $0x10  }
0x92: {  	[smem:s4], [sflag:s15] =	dma.local [hbm:s2], $0x1  }
0x93: {  	_ =	swait.eq [sflag:s15], $0x1  }
0x94: {  	[sflag:s15] =	ssyncset.done $0x0  }
0x95: {  	[sflag:s15] =	ssyncadd.s32 $0xFFFFFFFF  }
0x96: {  	s16 =	sld [smem:$0x11];
	(tm) =	ssettm $0x1  }
0x97: {  	s17 =	sld [smem:$0x3FFB];
	_ =	sdelay $0x3  }
0x98: {  	_ =	strace s17  }
0x99: {  	s3 =	sld [smem:$0x3FFC];
	_ =	sdelay $0x3  }
0x9a: {  	_ =	strace s3  }
0x9b: {  	s3 =	sld [smem:$0x3FFD];
	_ =	sdelay $0x3  }
0x9c: {  	_ =	strace s3  }
0x9d: {  	_ =	strace $0x8FFFFFFF  }
0x9e: {  	s18 =	sld [smem:$0x3FDB];
	_ =	sdelay $0x1  }
0x9f: {  	s19 =	simm.s32 $_scs_section_size  }
0xa0: {  	s5 =	simm.s32 $_size__tile_overlayer_lowered;
	s6 =	simm.s32 $_tile_overlayer_lowered  }
0xa1: {  	s22 =	simm.s32 $0x1BFF;
	s21 =	sshll.u32 s6, $0x1;
	s3 =	sadd.s32 s19, s18  }
0xa2: {  	s7 =	simm.s32 $0x0;
	s20 =	sshll.u32 s5, $0x1;
	s5 =	sadd.s32 s21, s3  }
0xa3: {  	[timem:s7], [sflag:s22] =	dma.local [hbm:s5], s20  }
0xa4: {  	_ =	swait.ge [sflag:s22], s20  }
0xa5: {  	s4 =	ssub.s32 $0x0, s20;
	[sflag:s22] =	ssyncset.done $0x0  }
0xa6: {  	[sflag:s22] =	ssyncadd.s32 s4;
	_ =	sdelay $0x1  }
0xa7: {  	s23 =	simm.s32 $0x1B8B  }
0xa8: {  	_ =	swait.ge [sflag:s23], $0x1  }
0xa9: {  	[sflag:s23] =	ssyncset.done $0x0  }
0xaa: {  	s25 =	simm.s32 $0x1B8E;
	s24 =	sld [smem:$0x3FFE];
	[sflag:s23] =	ssyncadd.s32 $0xFFFFFFFF  }
0xab: {  	s26 =	simm.s32 $execute0_lowered;
	[smem:$0x3FD2] =	sst s25  }
0xac: {  	s5 =	sshll.u32 s26, $0x1;
	_ =	strace $0x80000049;
	[dreg:$0x1] =	wrdreg $0xFFFFFFFF  }
0xad: {  	s28 =	simm.s32 $_size_execute0_lowered;
	s3 =	sadd.s32 s3, s5;
	[dreg:$0x0] =	wrdreg $0x0  }
0xae: {  	s5 =	sshll.u32 s28, $0x1;
	[dreg:$0x2] =	wrdreg s3  }
0xaf: {  	[dreg:$0x3] =	wrdreg s5  }
0xb0: {  	[dreg:$0x4] =	wrdreg $0xC0  }
0xb1: {  	_ =	task [dreg:s7], $0x5FFFF  }
0xb2: {  	[dreg:$0x1] =	wrdreg $0xFFFFFFFF  }
0xb3: {  	[dreg:$0x0] =	wrdreg $0x60  }
0xb4: {  	[dreg:$0x2] =	wrdreg s24  }
0xb5: {  	[dreg:$0x3] =	wrdreg s16  }
0xb6: {  	[dreg:$0x4] =	wrdreg $0xEB400  }
0xb7: {  	[dreg:$0x5] =	wrdreg $0x9  }
0xb8: {  	_ =	task.clear_ibuf [dreg:s7], $0x6FFFF;
	_ =	strace $0x90000049  }
0xb9: {  	s29 =	simm.s32 $0x9;
	_ =	strace $0x8000004B  }
0xba: {  	_ =	swait.ge [sflag:s29], $0x1  }
0xbb: {  	[sflag:s29] =	ssyncadd.s32 $0xFFFFFFFF  }
0xbc: {  	_ =	strace $0x9000004B  }
0xbd: {  	_ =	sfence  }
0xbe: {  	s30 =	sld [smem:$0x0];
	_ =	sdelay $0x2  }
0xbf: {  	s31 =	sshll.u32 s1, $0xD;
	s1 =	sshrl.u32 s1, $0x2  }
0xc0: {  	s3 =	sand.u32 $0x4000, s31;
	s1 =	sadd.s32 s1, s30  }
0xc1: {  	s0 =	sor.u32 s3, s0;
	s1 =	sshll.u32 s1, $0x11  }
0xc2: {  	s0 =	sor.u32 s1, s0  }
0xc3: {  	s0 =	sadd.s32 $0x8F2B, s0  }
0xc4: {  	[sflag:s0] =	ssyncadd.remote.s32 $0x1  }
0xc5: {  	_ =	sfence.sel $0xFFFF  }
0xc6: {  	[dreg:$0x0] =	wrdreg $0xFFFFFFFF;
	(pc) =	sbr.abs _section_cstart, $3  }
0xc7: {  	[dreg:$0x1] =	wrdreg $0xFFFFFFFF  }
0xc8: {  	_ =	task.clear_ibuf [dreg:s7], $0x2FFFF;
	_ =	strace $0x9FFFFFFF  }
0xc9: {  	(tm) =	ssettm $0x7FFFFFFF  }
tec
execute0_lowered:
.L_overlay_start_1:
0x0: {  	(tag) =	ssettag $0x1  }
0x1: {  	s0 =	rddreg [dreg:$0x0]  }
0x2: {  	s1 =	rddreg [dreg:$0x1]  }
0x3: {  	s2 =	rddreg [dreg:$0x2];
	s28 =	simm.s32 $0x0  }
0x4: {  	s11 =	simm.s32 $0x278;
	[smem:$0x7FF] =	sst s28  }
0x5: {  	s12 =	simm.s32 $0x29F8;
	_ =	strace $0x8000004A;
	[dreg:$0x8] =	wrdreg s11  }
0x6: {  	s3 =	srdreg.scid;
	s14 =	simm.s32 $0x4F0;
	[dreg:$0x9] =	wrdreg s12  }
0x7: {  	s9 =	stileid.u32;
	s15 =	simm.s32 $0x2C70;
	[dreg:$0xa] =	wrdreg s14  }
0x8: {  	s16 =	simm.s32 $0x768;
	s17 =	simm.s32 $0x2EE8;
	[dreg:$0xb] =	wrdreg s15  }
0x9: {  	s18 =	simm.s32 $0x9E0;
	s19 =	simm.s32 $0x3160;
	[dreg:$0xc] =	wrdreg s16  }
0xa: {  	s20 =	simm.s32 $0xC58;
	s30 =	simm.s32 $0x5;
	[dreg:$0xd] =	wrdreg s17  }
0xb: {  	s21 =	simm.s32 $0x33D8;
	s29 =	simm.s32 $0x2780;
	[dreg:$0xe] =	wrdreg s18  }
0xc: {  	s22 =	simm.s32 $0xED0;
	s23 =	simm.s32 $0x3650;
	[dreg:$0xf] =	wrdreg s19  }
0xd: {  	p1 =	por $0x0, $0x0;
	s4 =	sand.u32 $0x1, s3;
	[dreg:$0x10] =	wrdreg s20  }
0xe: {  	s5 =	sshll.u32 s9, $0x4;
	s6 =	smul.u32 $0xFA00, s9;
	[dreg:$0x11] =	wrdreg s21  }
0xf: {  	p0 =	sgt.u32 s9, $0x9;
	s3 =	sshll.u32 s4, $0x8;
	[dreg:$0x12] =	wrdreg s22  }
0x10: {  	s7 =	smul.u32 $0x9C400, s4;
	s4 =	ssub.s32 $0x2, s4;
	[dreg:$0x13] =	wrdreg s23  }
0x11: {  	s12 =	simm.s32 $0x1;
	s11 =	simm.s32 $0x2;
	s23 =	simm.s32 $0x4030  }
0x12: {  	s22 =	simm.s32 $0x1B28;
	s21 =	simm.s32 $0x42A8;
	s20 =	simm.s32 $0x1DA0  }
0x13: {  	s19 =	simm.s32 $0x4520;
	s18 =	simm.s32 $0x2018;
	s17 =	simm.s32 $0x4798  }
0x14: {  	s16 =	simm.s32 $0x2290;
	s15 =	simm.s32 $0x4A10;
	s14 =	simm.s32 $0x2508  }
0x15: {  	s3 =	sor.u32 s5, s3;
	s24 =	sshrl.u32 s6, $0x4;
	s10 =	sshrl.u32 s4, $0x1  }
0x16: {  	s13 =	sshrl.u32 s6, $0x1;
	s3 =	smul.u32 $0x4F, s3;
	s5 =	sadd.s32 s24, s0  }
0x17: {  	s31 =	sadd.s32 s6, s7;
	s6 =	simm.s32 $0x271;
	s24 =	simm.s32 $0x1148  }
0x18: {  	s25 =	sadd.s32 $0xA400, s5;
	s5 =	sshrl.u32 s31, $0x4;
	[dreg:$0x14] =	wrdreg s24  }
0x19: {  	s31 =	simm.s32 $0x3B40;
	s24 =	simm.s32 $0x18B0;
	s8 =	sadd.s32 s3, s0  }
0x1a: {  	s3 =	sadd.s32 $0x45200, s0;
	[dreg:$0x4] =	wrdreg s25;
	s26 =	sadd.s32 $0x14200, s8  }
0x1b: {  	s7 =	sadd.s32 $0x400, s8;
	s8 =	sadd.s32 s1, s5;
	s1 =	ssub.s32 s4, s10  }
0x1c: {  	s25 =	simm.s32 $0x38C8;
	[dreg:$0x17] =	wrdreg s31;
	s1 =	smax.u32 s1, $0x1  }
0x1d: {  	s5 =	sadd.s32 s13, s2;
	[dreg:$0x15] =	wrdreg s25;
	s1 =	sadd.s32 $0xFFFFFFFF, s1  }
0x1e: {  	s4 =	sshll.u32 @!p0 s9, $0x6;
	s0 =	rddreg [dreg:$0x4];
	p2 =	sne.s32 s1, $0x0  }
.Ltmp0:
0x1f: {  	s9 =	simm.s32 $0x4F00;
	[dreg:$0x5] =	wrdreg s26;
	(pc) =	sbr.rel @!p2 .LBB2_1-.Ltmp0, $4  }
0x20: {  	s10 =	simm.s32 $0x3;
	s25 =	simm.s32 $0x3DB8;
	[dreg:$0x6] =	wrdreg s7  }
0x21: {  	s13 =	simm.s32 $0x4C88;
	[dreg:$0x7] =	wrdreg s8;
	s4 =	sor.u32 @!p0 $0x1C05, s4  }
0x22: {  	s5 =	sshrl.u32 @!p0 s5, $0x3;
	s7 =	simm.s32 $0x9D20;
	s26 =	simm.s32 $0x13C0  }
0x23: {  	s8 =	simm.s32 $0x4;
	[dreg:$0x16] =	wrdreg s26;
	s26 =	simm.s32 $0x1638  }
0x24: {  	s31 =	simm.s32 @!p0 $0x5  }
0x25: {  	[spmem:s5], [sflag:s4] =	dma.local @!p0 [hbm:s0], $0xFA0  }
0x26: {  	_ =	swait.ge @!p0 [sflag:s31], $0xFA0  }
0x27: {  	[sflag:s31] =	ssyncset.done @!p0 $0x0  }
0x28: {  	s0 =	rddreg [dreg:$0x5];
	[sflag:s31] =	ssyncadd.s32 @!p0 $0xFFFFF060  }
0x29: {  	[tilespmem:s28], [sflag:$0x5] =	stream.linear.gather [hbm4b:s0+s28], $0x2780, $0x38;
	[tilespmem:$0x13960] =	vst v63  }
0x2a: {  	_ =	swait.ge [sflag:s30], $0x2780  }
0x2b: {  	[sflag:s30] =	ssyncset.done $0x0  }
0x2c: {  	s0 =	rddreg [dreg:$0x6];
	[sflag:s30] =	ssyncadd.s32 $0xFFFFD880  }
0x2d: {  	[tilespmem:s29], [sflag:$0x5] =	stream.linear.gather [hbm4b:s0+s28], $0x2780, $0x38;
	[tilespmem:$0x13960] =	vst v63  }
0x2e: {  	_ =	swait.ge [sflag:s30], $0x2780  }
0x2f: {  	[sflag:s30] =	ssyncset.done $0x0  }
0x30: {  	[sflag:s30] =	ssyncadd.s32 $0xFFFFD880  }
0x31: {  	[bflag:$0x0] =	sbarrier.arrive $0xFFFF  }
0x32: {  	[tilespmem:s9], [sflag:$0x1] =	stream.indirect.gather [hbm4b:s3+s6], $0x20, s28, s6, $0xb8;
	[tilespmem:$0x13960] =	vst v63  }
0x33: {  	_ =	swait.ge [sflag:s12], $0x4E20  }
0x34: {  	[sflag:s12] =	ssyncset.done $0x0  }
0x35: {  	[sflag:s12] =	ssyncadd.s32 $0xFFFFB1E0  }
0x36: {  	[spmem:s2] =	stream.indirect.scatter.add.bf16 [tilespmem:s9], [sflag:$0x3], $0x20, s29, s6, $0xb8;
	[tilespmem:$0x13960] =	vst v63  }
0x37: {  	s0 =	rddreg [dreg:$0x8]  }
0x38: {  	[tilespmem:s7], [sflag:$0x2] =	stream.indirect.gather [hbm4b:s3+s6], $0x20, s0, s6, $0xb8;
	[tilespmem:$0x13960] =	vst v63  }
0x39: {  	_ =	swait.ge [sflag:s11], $0x4E20  }
0x3a: {  	[sflag:s11] =	ssyncset.done $0x0  }
0x3b: {  	s0 =	rddreg [dreg:$0x9];
	[sflag:s11] =	ssyncadd.s32 $0xFFFFB1E0  }
0x3c: {  	[spmem:s2] =	stream.indirect.scatter.add.bf16 [tilespmem:s7], [sflag:$0x4], $0x20, s0, s6, $0xb8;
	[tilespmem:$0x13960] =	vst v63  }
0x3d: {  	_ =	swait.ge [sflag:s10], $0x4E20  }
0x3e: {  	[sflag:s10] =	ssyncset.done $0x0  }
0x3f: {  	s0 =	rddreg [dreg:$0xa];
	[sflag:s10] =	ssyncadd.s32 $0xFFFFB1E0  }
0x40: {  	[tilespmem:s9], [sflag:$0x1] =	stream.indirect.gather [hbm4b:s3+s6], $0x20, s0, s6, $0xb8;
	[tilespmem:$0x13960] =	vst v63  }
0x41: {  	_ =	swait.ge [sflag:s12], $0x4E20  }
0x42: {  	[sflag:s12] =	ssyncset.done $0x0  }
0x43: {  	s0 =	rddreg [dreg:$0xb];
	[sflag:s12] =	ssyncadd.s32 $0xFFFFB1E0  }
0x44: {  	[spmem:s2] =	stream.indirect.scatter.add.bf16 [tilespmem:s9], [sflag:$0x3], $0x20, s0, s6, $0xb8;
	[tilespmem:$0x13960] =	vst v63  }
0x45: {  	_ =	swait.ge [sflag:s8], $0x4E20  }
0x46: {  	[sflag:s8] =	ssyncset.done $0x0  }
0x47: {  	s0 =	rddreg [dreg:$0xc];
	[sflag:s8] =	ssyncadd.s32 $0xFFFFB1E0  }
0x48: {  	[tilespmem:s7], [sflag:$0x2] =	stream.indirect.gather [hbm4b:s3+s6], $0x20, s0, s6, $0xb8;
	[tilespmem:$0x13960] =	vst v63  }
0x49: {  	_ =	swait.ge [sflag:s11], $0x4E20  }
0x4a: {  	[sflag:s11] =	ssyncset.done $0x0  }
0x4b: {  	s0 =	rddreg [dreg:$0xd];
	[sflag:s11] =	ssyncadd.s32 $0xFFFFB1E0  }
0x4c: {  	[spmem:s2] =	stream.indirect.scatter.add.bf16 [tilespmem:s7], [sflag:$0x4], $0x20, s0, s6, $0xb8;
	[tilespmem:$0x13960] =	vst v63  }
0x4d: {  	_ =	swait.ge [sflag:s10], $0x4E20  }
0x4e: {  	[sflag:s10] =	ssyncset.done $0x0  }
0x4f: {  	s0 =	rddreg [dreg:$0xe];
	[sflag:s10] =	ssyncadd.s32 $0xFFFFB1E0  }
0x50: {  	[tilespmem:s9], [sflag:$0x1] =	stream.indirect.gather [hbm4b:s3+s6], $0x20, s0, s6, $0xb8;
	[tilespmem:$0x13960] =	vst v63  }
0x51: {  	_ =	swait.ge [sflag:s12], $0x4E20  }
0x52: {  	[sflag:s12] =	ssyncset.done $0x0  }
0x53: {  	s0 =	rddreg [dreg:$0xf];
	[sflag:s12] =	ssyncadd.s32 $0xFFFFB1E0  }
0x54: {  	[spmem:s2] =	stream.indirect.scatter.add.bf16 [tilespmem:s9], [sflag:$0x3], $0x20, s0, s6, $0xb8;
	[tilespmem:$0x13960] =	vst v63  }
0x55: {  	_ =	swait.ge [sflag:s8], $0x4E20  }
0x56: {  	[sflag:s8] =	ssyncset.done $0x0  }
0x57: {  	s0 =	rddreg [dreg:$0x10];
	[sflag:s8] =	ssyncadd.s32 $0xFFFFB1E0  }
0x58: {  	[tilespmem:s7], [sflag:$0x2] =	stream.indirect.gather [hbm4b:s3+s6], $0x20, s0, s6, $0xb8;
	[tilespmem:$0x13960] =	vst v63  }
0x59: {  	_ =	swait.ge [sflag:s11], $0x4E20  }
0x5a: {  	[sflag:s11] =	ssyncset.done $0x0  }
0x5b: {  	s0 =	rddreg [dreg:$0x11];
	[sflag:s11] =	ssyncadd.s32 $0xFFFFB1E0  }
0x5c: {  	[spmem:s2] =	stream.indirect.scatter.add.bf16 [tilespmem:s7], [sflag:$0x4], $0x20, s0, s6, $0xb8;
	[tilespmem:$0x13960] =	vst v63  }
0x5d: {  	_ =	swait.ge [sflag:s10], $0x4E20  }
0x5e: {  	[sflag:s10] =	ssyncset.done $0x0  }
0x5f: {  	s0 =	rddreg [dreg:$0x12];
	[sflag:s10] =	ssyncadd.s32 $0xFFFFB1E0  }
0x60: {  	[tilespmem:s9], [sflag:$0x1] =	stream.indirect.gather [hbm4b:s3+s6], $0x20, s0, s6, $0xb8;
	[tilespmem:$0x13960] =	vst v63  }
0x61: {  	_ =	swait.ge [sflag:s12], $0x4E20  }
0x62: {  	[sflag:s12] =	ssyncset.done $0x0  }
0x63: {  	s0 =	rddreg [dreg:$0x13];
	[sflag:s12] =	ssyncadd.s32 $0xFFFFB1E0  }
0x64: {  	[spmem:s2] =	stream.indirect.scatter.add.bf16 [tilespmem:s9], [sflag:$0x3], $0x20, s0, s6, $0xb8;
	[tilespmem:$0x13960] =	vst v63  }
0x65: {  	_ =	swait.ge [sflag:s8], $0x4E20  }
0x66: {  	[sflag:s8] =	ssyncset.done $0x0  }
0x67: {  	s0 =	rddreg [dreg:$0x14];
	[sflag:s8] =	ssyncadd.s32 $0xFFFFB1E0  }
0x68: {  	[tilespmem:s7], [sflag:$0x2] =	stream.indirect.gather [hbm4b:s3+s6], $0x20, s0, s6, $0xb8;
	[tilespmem:$0x13960] =	vst v63  }
0x69: {  	_ =	swait.ge [sflag:s11], $0x4E20  }
0x6a: {  	[sflag:s11] =	ssyncset.done $0x0  }
0x6b: {  	s0 =	rddreg [dreg:$0x15];
	[sflag:s11] =	ssyncadd.s32 $0xFFFFB1E0  }
0x6c: {  	[spmem:s2] =	stream.indirect.scatter.add.bf16 [tilespmem:s7], [sflag:$0x4], $0x20, s0, s6, $0xb8;
	[tilespmem:$0x13960] =	vst v63  }
0x6d: {  	_ =	swait.ge [sflag:s10], $0x4E20  }
0x6e: {  	[sflag:s10] =	ssyncset.done $0x0  }
0x6f: {  	s0 =	rddreg [dreg:$0x16];
	[sflag:s10] =	ssyncadd.s32 $0xFFFFB1E0  }
0x70: {  	[tilespmem:s9], [sflag:$0x1] =	stream.indirect.gather [hbm4b:s3+s6], $0x20, s0, s6, $0xb8;
	[tilespmem:$0x13960] =	vst v63  }
0x71: {  	_ =	swait.ge [sflag:s12], $0x4E20  }
0x72: {  	[sflag:s12] =	ssyncset.done $0x0  }
0x73: {  	s0 =	rddreg [dreg:$0x17];
	[sflag:s12] =	ssyncadd.s32 $0xFFFFB1E0  }
0x74: {  	[spmem:s2] =	stream.indirect.scatter.add.bf16 [tilespmem:s9], [sflag:$0x3], $0x20, s0, s6, $0xb8;
	[tilespmem:$0x13960] =	vst v63  }
0x75: {  	_ =	swait.ge [sflag:s8], $0x4E20  }
0x76: {  	[sflag:s8] =	ssyncset.done $0x0  }
0x77: {  	[sflag:s8] =	ssyncadd.s32 $0xFFFFB1E0  }
0x78: {  	[tilespmem:s7], [sflag:$0x2] =	stream.indirect.gather [hbm4b:s3+s6], $0x20, s26, s6, $0xb8;
	[tilespmem:$0x13960] =	vst v63  }
0x79: {  	_ =	swait.ge [sflag:s11], $0x4E20  }
0x7a: {  	[sflag:s11] =	ssyncset.done $0x0  }
0x7b: {  	[sflag:s11] =	ssyncadd.s32 $0xFFFFB1E0  }
0x7c: {  	[spmem:s2] =	stream.indirect.scatter.add.bf16 [tilespmem:s7], [sflag:$0x4], $0x20, s25, s6, $0xb8;
	[tilespmem:$0x13960] =	vst v63  }
0x7d: {  	_ =	swait.ge [sflag:s10], $0x4E20  }
0x7e: {  	[sflag:s10] =	ssyncset.done $0x0  }
0x7f: {  	[sflag:s10] =	ssyncadd.s32 $0xFFFFB1E0  }
0x80: {  	[tilespmem:s9], [sflag:$0x1] =	stream.indirect.gather [hbm4b:s3+s6], $0x20, s24, s6, $0xb8;
	[tilespmem:$0x13960] =	vst v63  }
0x81: {  	_ =	swait.ge [sflag:s12], $0x4E20  }
0x82: {  	[sflag:s12] =	ssyncset.done $0x0  }
0x83: {  	[sflag:s12] =	ssyncadd.s32 $0xFFFFB1E0  }
0x84: {  	[spmem:s2] =	stream.indirect.scatter.add.bf16 [tilespmem:s9], [sflag:$0x3], $0x20, s23, s6, $0xb8;
	[tilespmem:$0x13960] =	vst v63  }
0x85: {  	_ =	swait.ge [sflag:s8], $0x4E20  }
0x86: {  	[sflag:s8] =	ssyncset.done $0x0  }
0x87: {  	[sflag:s8] =	ssyncadd.s32 $0xFFFFB1E0  }
0x88: {  	[tilespmem:s7], [sflag:$0x2] =	stream.indirect.gather [hbm4b:s3+s6], $0x20, s22, s6, $0xb8;
	[tilespmem:$0x13960] =	vst v63  }
0x89: {  	_ =	swait.ge [sflag:s11], $0x4E20  }
0x8a: {  	[sflag:s11] =	ssyncset.done $0x0  }
0x8b: {  	[sflag:s11] =	ssyncadd.s32 $0xFFFFB1E0  }
0x8c: {  	[spmem:s2] =	stream.indirect.scatter.add.bf16 [tilespmem:s7], [sflag:$0x4], $0x20, s21, s6, $0xb8;
	[tilespmem:$0x13960] =	vst v63  }
0x8d: {  	_ =	swait.ge [sflag:s10], $0x4E20  }
0x8e: {  	[sflag:s10] =	ssyncset.done $0x0  }
0x8f: {  	[sflag:s10] =	ssyncadd.s32 $0xFFFFB1E0  }
0x90: {  	[tilespmem:s9], [sflag:$0x1] =	stream.indirect.gather [hbm4b:s3+s6], $0x20, s20, s6, $0xb8;
	[tilespmem:$0x13960] =	vst v63  }
0x91: {  	_ =	swait.ge [sflag:s12], $0x4E20  }
0x92: {  	[sflag:s12] =	ssyncset.done $0x0  }
0x93: {  	[sflag:s12] =	ssyncadd.s32 $0xFFFFB1E0  }
0x94: {  	[spmem:s2] =	stream.indirect.scatter.add.bf16 [tilespmem:s9], [sflag:$0x3], $0x20, s19, s6, $0xb8;
	[tilespmem:$0x13960] =	vst v63  }
0x95: {  	_ =	swait.ge [sflag:s8], $0x4E20  }
0x96: {  	[sflag:s8] =	ssyncset.done $0x0  }
0x97: {  	[sflag:s8] =	ssyncadd.s32 $0xFFFFB1E0  }
0x98: {  	[tilespmem:s7], [sflag:$0x2] =	stream.indirect.gather [hbm4b:s3+s6], $0x20, s18, s6, $0xb8;
	[tilespmem:$0x13960] =	vst v63  }
0x99: {  	_ =	swait.ge [sflag:s11], $0x4E20  }
0x9a: {  	[sflag:s11] =	ssyncset.done $0x0  }
0x9b: {  	[sflag:s11] =	ssyncadd.s32 $0xFFFFB1E0  }
0x9c: {  	[spmem:s2] =	stream.indirect.scatter.add.bf16 [tilespmem:s7], [sflag:$0x4], $0x20, s17, s6, $0xb8;
	[tilespmem:$0x13960] =	vst v63  }
0x9d: {  	_ =	swait.ge [sflag:s10], $0x4E20  }
0x9e: {  	[sflag:s10] =	ssyncset.done $0x0  }
0x9f: {  	[sflag:s10] =	ssyncadd.s32 $0xFFFFB1E0  }
0xa0: {  	[tilespmem:s9], [sflag:$0x1] =	stream.indirect.gather [hbm4b:s3+s6], $0x20, s16, s6, $0xb8;
	[tilespmem:$0x13960] =	vst v63  }
0xa1: {  	_ =	swait.ge [sflag:s12], $0x4E20  }
0xa2: {  	[sflag:s12] =	ssyncset.done $0x0  }
0xa3: {  	[sflag:s12] =	ssyncadd.s32 $0xFFFFB1E0  }
0xa4: {  	[spmem:s2] =	stream.indirect.scatter.add.bf16 [tilespmem:s9], [sflag:$0x3], $0x20, s15, s6, $0xb8;
	[tilespmem:$0x13960] =	vst v63  }
0xa5: {  	_ =	swait.ge [sflag:s8], $0x4E20  }
0xa6: {  	[sflag:s8] =	ssyncset.done $0x0  }
0xa7: {  	[sflag:s8] =	ssyncadd.s32 $0xFFFFB1E0  }
0xa8: {  	[tilespmem:s7], [sflag:$0x2] =	stream.indirect.gather [hbm4b:s3+s6], $0x20, s14, s6, $0xb8;
	[tilespmem:$0x13960] =	vst v63  }
0xa9: {  	_ =	swait.ge [sflag:s11], $0x4E20  }
0xaa: {  	[sflag:s11] =	ssyncset.done $0x0  }
0xab: {  	[sflag:s11] =	ssyncadd.s32 $0xFFFFB1E0  }
0xac: {  	[spmem:s2] =	stream.indirect.scatter.add.bf16 [tilespmem:s7], [sflag:$0x4], $0x20, s13, s6, $0xb8;
	[tilespmem:$0x13960] =	vst v63  }
0xad: {  	_ =	swait.ge [sflag:s10], $0x4E20  }
0xae: {  	[sflag:s10] =	ssyncset.done $0x0  }
0xaf: {  	[sflag:s10] =	ssyncadd.s32 $0xFFFFB1E0  }
0xb0: {  	_ =	swait.ge [sflag:s8], $0x4E20  }
0xb1: {  	s1 =	sadd.s32 $0xFFFFFFFF, s1;
	[sflag:s8] =	ssyncset.done $0x0  }
0xb2: {  	p2 =	sne.s32 s1, $0x0;
	[sflag:s8] =	ssyncadd.s32 $0xFFFFB1E0  }
.Ltmp1:
0xb3: {  	[bflag:$0x0] =	sbarrier.arrive $0xFFFF;
	(pc) =	sbr.rel @!p2 .LBB2_4-.Ltmp1, $4  }
0xb4: {  	s0 =	rddreg [dreg:$0x7]  }
0xb5: {  	[hbm:s0], [sflag:s4] =	dma.local @!p0 [spmem:s5], $0xFA0  }
0xb6: {  	_ =	swait.ge @!p0 [sflag:s31], $0xFA0  }
0xb7: {  	p1 =	por $0x1, $0x1;
	s0 =	rddreg [dreg:$0x4];
	[sflag:s31] =	ssyncset.done @!p0 $0x0  }
.LBB2_3:
0xb8: {  	[sflag:s31] =	ssyncadd.s32 @!p0 $0xFFFFF060  }
0xb9: {  	[spmem:s5], [sflag:s4] =	dma.local @!p0 [hbm:s0], $0xFA0  }
0xba: {  	_ =	swait.ge @!p0 [sflag:s31], $0xFA0  }
0xbb: {  	[sflag:s31] =	ssyncset.done @!p0 $0x0  }
0xbc: {  	s0 =	rddreg [dreg:$0x5];
	[sflag:s31] =	ssyncadd.s32 @!p0 $0xFFFFF060  }
0xbd: {  	[tilespmem:s28], [sflag:$0x5] =	stream.linear.gather [hbm4b:s0+s28], $0x2780, $0x38;
	[tilespmem:$0x13960] =	vst v63  }
0xbe: {  	_ =	swait.ge [sflag:s30], $0x2780  }
0xbf: {  	[sflag:s30] =	ssyncset.done $0x0  }
0xc0: {  	s0 =	rddreg [dreg:$0x6];
	[sflag:s30] =	ssyncadd.s32 $0xFFFFD880  }
0xc1: {  	[tilespmem:s29], [sflag:$0x5] =	stream.linear.gather [hbm4b:s0+s28], $0x2780, $0x38;
	[tilespmem:$0x13960] =	vst v63  }
0xc2: {  	_ =	swait.ge [sflag:s30], $0x2780  }
0xc3: {  	[sflag:s30] =	ssyncset.done $0x0  }
0xc4: {  	[sflag:s30] =	ssyncadd.s32 $0xFFFFD880  }
0xc5: {  	[bflag:$0x0] =	sbarrier.arrive $0xFFFF  }
0xc6: {  	[tilespmem:s9], [sflag:$0x1] =	stream.indirect.gather [hbm4b:s3+s6], $0x20, s28, s6, $0xb8;
	[tilespmem:$0x13960] =	vst v63  }
0xc7: {  	_ =	swait.ge [sflag:s12], $0x4E20  }
0xc8: {  	[sflag:s12] =	ssyncset.done $0x0  }
0xc9: {  	[sflag:s12] =	ssyncadd.s32 $0xFFFFB1E0  }
0xca: {  	[spmem:s2] =	stream.indirect.scatter.add.bf16 [tilespmem:s9], [sflag:$0x3], $0x20, s29, s6, $0xb8;
	[tilespmem:$0x13960] =	vst v63  }
0xcb: {  	s0 =	rddreg [dreg:$0x8]  }
0xcc: {  	[tilespmem:s7], [sflag:$0x2] =	stream.indirect.gather [hbm4b:s3+s6], $0x20, s0, s6, $0xb8;
	[tilespmem:$0x13960] =	vst v63  }
0xcd: {  	_ =	swait.ge [sflag:s11], $0x4E20  }
0xce: {  	[sflag:s11] =	ssyncset.done $0x0  }
0xcf: {  	s0 =	rddreg [dreg:$0x9];
	[sflag:s11] =	ssyncadd.s32 $0xFFFFB1E0  }
0xd0: {  	[spmem:s2] =	stream.indirect.scatter.add.bf16 [tilespmem:s7], [sflag:$0x4], $0x20, s0, s6, $0xb8;
	[tilespmem:$0x13960] =	vst v63  }
0xd1: {  	_ =	swait.ge [sflag:s10], $0x4E20  }
0xd2: {  	[sflag:s10] =	ssyncset.done $0x0  }
0xd3: {  	s0 =	rddreg [dreg:$0xa];
	[sflag:s10] =	ssyncadd.s32 $0xFFFFB1E0  }
0xd4: {  	[tilespmem:s9], [sflag:$0x1] =	stream.indirect.gather [hbm4b:s3+s6], $0x20, s0, s6, $0xb8;
	[tilespmem:$0x13960] =	vst v63  }
0xd5: {  	_ =	swait.ge [sflag:s12], $0x4E20  }
0xd6: {  	[sflag:s12] =	ssyncset.done $0x0  }
0xd7: {  	s0 =	rddreg [dreg:$0xb];
	[sflag:s12] =	ssyncadd.s32 $0xFFFFB1E0  }
0xd8: {  	[spmem:s2] =	stream.indirect.scatter.add.bf16 [tilespmem:s9], [sflag:$0x3], $0x20, s0, s6, $0xb8;
	[tilespmem:$0x13960] =	vst v63  }
0xd9: {  	_ =	swait.ge [sflag:s8], $0x4E20  }
0xda: {  	[sflag:s8] =	ssyncset.done $0x0  }
0xdb: {  	s0 =	rddreg [dreg:$0xc];
	[sflag:s8] =	ssyncadd.s32 $0xFFFFB1E0  }
0xdc: {  	[tilespmem:s7], [sflag:$0x2] =	stream.indirect.gather [hbm4b:s3+s6], $0x20, s0, s6, $0xb8;
	[tilespmem:$0x13960] =	vst v63  }
0xdd: {  	_ =	swait.ge [sflag:s11], $0x4E20  }
0xde: {  	[sflag:s11] =	ssyncset.done $0x0  }
0xdf: {  	s0 =	rddreg [dreg:$0xd];
	[sflag:s11] =	ssyncadd.s32 $0xFFFFB1E0  }
0xe0: {  	[spmem:s2] =	stream.indirect.scatter.add.bf16 [tilespmem:s7], [sflag:$0x4], $0x20, s0, s6, $0xb8;
	[tilespmem:$0x13960] =	vst v63  }
0xe1: {  	_ =	swait.ge [sflag:s10], $0x4E20  }
0xe2: {  	[sflag:s10] =	ssyncset.done $0x0  }
0xe3: {  	s0 =	rddreg [dreg:$0xe];
	[sflag:s10] =	ssyncadd.s32 $0xFFFFB1E0  }
0xe4: {  	[tilespmem:s9], [sflag:$0x1] =	stream.indirect.gather [hbm4b:s3+s6], $0x20, s0, s6, $0xb8;
	[tilespmem:$0x13960] =	vst v63  }
0xe5: {  	_ =	swait.ge [sflag:s12], $0x4E20  }
0xe6: {  	[sflag:s12] =	ssyncset.done $0x0  }
0xe7: {  	s0 =	rddreg [dreg:$0xf];
	[sflag:s12] =	ssyncadd.s32 $0xFFFFB1E0  }
0xe8: {  	[spmem:s2] =	stream.indirect.scatter.add.bf16 [tilespmem:s9], [sflag:$0x3], $0x20, s0, s6, $0xb8;
	[tilespmem:$0x13960] =	vst v63  }
0xe9: {  	_ =	swait.ge [sflag:s8], $0x4E20  }
0xea: {  	[sflag:s8] =	ssyncset.done $0x0  }
0xeb: {  	s0 =	rddreg [dreg:$0x10];
	[sflag:s8] =	ssyncadd.s32 $0xFFFFB1E0  }
0xec: {  	[tilespmem:s7], [sflag:$0x2] =	stream.indirect.gather [hbm4b:s3+s6], $0x20, s0, s6, $0xb8;
	[tilespmem:$0x13960] =	vst v63  }
0xed: {  	_ =	swait.ge [sflag:s11], $0x4E20  }
0xee: {  	[sflag:s11] =	ssyncset.done $0x0  }
0xef: {  	s0 =	rddreg [dreg:$0x11];
	[sflag:s11] =	ssyncadd.s32 $0xFFFFB1E0  }
0xf0: {  	[spmem:s2] =	stream.indirect.scatter.add.bf16 [tilespmem:s7], [sflag:$0x4], $0x20, s0, s6, $0xb8;
	[tilespmem:$0x13960] =	vst v63  }
0xf1: {  	_ =	swait.ge [sflag:s10], $0x4E20  }
0xf2: {  	[sflag:s10] =	ssyncset.done $0x0  }
0xf3: {  	s0 =	rddreg [dreg:$0x12];
	[sflag:s10] =	ssyncadd.s32 $0xFFFFB1E0  }
0xf4: {  	[tilespmem:s9], [sflag:$0x1] =	stream.indirect.gather [hbm4b:s3+s6], $0x20, s0, s6, $0xb8;
	[tilespmem:$0x13960] =	vst v63  }
0xf5: {  	_ =	swait.ge [sflag:s12], $0x4E20  }
0xf6: {  	[sflag:s12] =	ssyncset.done $0x0  }
0xf7: {  	s0 =	rddreg [dreg:$0x13];
	[sflag:s12] =	ssyncadd.s32 $0xFFFFB1E0  }
0xf8: {  	[spmem:s2] =	stream.indirect.scatter.add.bf16 [tilespmem:s9], [sflag:$0x3], $0x20, s0, s6, $0xb8;
	[tilespmem:$0x13960] =	vst v63  }
0xf9: {  	_ =	swait.ge [sflag:s8], $0x4E20  }
0xfa: {  	[sflag:s8] =	ssyncset.done $0x0  }
0xfb: {  	s0 =	rddreg [dreg:$0x14];
	[sflag:s8] =	ssyncadd.s32 $0xFFFFB1E0  }
0xfc: {  	[tilespmem:s7], [sflag:$0x2] =	stream.indirect.gather [hbm4b:s3+s6], $0x20, s0, s6, $0xb8;
	[tilespmem:$0x13960] =	vst v63  }
0xfd: {  	_ =	swait.ge [sflag:s11], $0x4E20  }
0xfe: {  	[sflag:s11] =	ssyncset.done $0x0  }
0xff: {  	s0 =	rddreg [dreg:$0x15];
	[sflag:s11] =	ssyncadd.s32 $0xFFFFB1E0  }
0x100: {  	[spmem:s2] =	stream.indirect.scatter.add.bf16 [tilespmem:s7], [sflag:$0x4], $0x20, s0, s6, $0xb8;
	[tilespmem:$0x13960] =	vst v63  }
0x101: {  	_ =	swait.ge [sflag:s10], $0x4E20  }
0x102: {  	[sflag:s10] =	ssyncset.done $0x0  }
0x103: {  	s0 =	rddreg [dreg:$0x16];
	[sflag:s10] =	ssyncadd.s32 $0xFFFFB1E0  }
0x104: {  	[tilespmem:s9], [sflag:$0x1] =	stream.indirect.gather [hbm4b:s3+s6], $0x20, s0, s6, $0xb8;
	[tilespmem:$0x13960] =	vst v63  }
0x105: {  	_ =	swait.ge [sflag:s12], $0x4E20  }
0x106: {  	[sflag:s12] =	ssyncset.done $0x0  }
0x107: {  	s0 =	rddreg [dreg:$0x17];
	[sflag:s12] =	ssyncadd.s32 $0xFFFFB1E0  }
0x108: {  	[spmem:s2] =	stream.indirect.scatter.add.bf16 [tilespmem:s9], [sflag:$0x3], $0x20, s0, s6, $0xb8;
	[tilespmem:$0x13960] =	vst v63  }
0x109: {  	_ =	swait.ge [sflag:s8], $0x4E20  }
0x10a: {  	[sflag:s8] =	ssyncset.done $0x0  }
0x10b: {  	[sflag:s8] =	ssyncadd.s32 $0xFFFFB1E0  }
0x10c: {  	[tilespmem:s7], [sflag:$0x2] =	stream.indirect.gather [hbm4b:s3+s6], $0x20, s26, s6, $0xb8;
	[tilespmem:$0x13960] =	vst v63  }
0x10d: {  	_ =	swait.ge [sflag:s11], $0x4E20  }
0x10e: {  	[sflag:s11] =	ssyncset.done $0x0  }
0x10f: {  	[sflag:s11] =	ssyncadd.s32 $0xFFFFB1E0  }
0x110: {  	[spmem:s2] =	stream.indirect.scatter.add.bf16 [tilespmem:s7], [sflag:$0x4], $0x20, s25, s6, $0xb8;
	[tilespmem:$0x13960] =	vst v63  }
0x111: {  	_ =	swait.ge [sflag:s10], $0x4E20  }
0x112: {  	[sflag:s10] =	ssyncset.done $0x0  }
0x113: {  	[sflag:s10] =	ssyncadd.s32 $0xFFFFB1E0  }
0x114: {  	[tilespmem:s9], [sflag:$0x1] =	stream.indirect.gather [hbm4b:s3+s6], $0x20, s24, s6, $0xb8;
	[tilespmem:$0x13960] =	vst v63  }
0x115: {  	_ =	swait.ge [sflag:s12], $0x4E20  }
0x116: {  	[sflag:s12] =	ssyncset.done $0x0  }
0x117: {  	[sflag:s12] =	ssyncadd.s32 $0xFFFFB1E0  }
0x118: {  	[spmem:s2] =	stream.indirect.scatter.add.bf16 [tilespmem:s9], [sflag:$0x3], $0x20, s23, s6, $0xb8;
	[tilespmem:$0x13960] =	vst v63  }
0x119: {  	_ =	swait.ge [sflag:s8], $0x4E20  }
0x11a: {  	[sflag:s8] =	ssyncset.done $0x0  }
0x11b: {  	[sflag:s8] =	ssyncadd.s32 $0xFFFFB1E0  }
0x11c: {  	[tilespmem:s7], [sflag:$0x2] =	stream.indirect.gather [hbm4b:s3+s6], $0x20, s22, s6, $0xb8;
	[tilespmem:$0x13960] =	vst v63  }
0x11d: {  	_ =	swait.ge [sflag:s11], $0x4E20  }
0x11e: {  	[sflag:s11] =	ssyncset.done $0x0  }
0x11f: {  	[sflag:s11] =	ssyncadd.s32 $0xFFFFB1E0  }
0x120: {  	[spmem:s2] =	stream.indirect.scatter.add.bf16 [tilespmem:s7], [sflag:$0x4], $0x20, s21, s6, $0xb8;
	[tilespmem:$0x13960] =	vst v63  }
0x121: {  	_ =	swait.ge [sflag:s10], $0x4E20  }
0x122: {  	[sflag:s10] =	ssyncset.done $0x0  }
0x123: {  	[sflag:s10] =	ssyncadd.s32 $0xFFFFB1E0  }
0x124: {  	[tilespmem:s9], [sflag:$0x1] =	stream.indirect.gather [hbm4b:s3+s6], $0x20, s20, s6, $0xb8;
	[tilespmem:$0x13960] =	vst v63  }
0x125: {  	_ =	swait.ge [sflag:s12], $0x4E20  }
0x126: {  	[sflag:s12] =	ssyncset.done $0x0  }
0x127: {  	[sflag:s12] =	ssyncadd.s32 $0xFFFFB1E0  }
0x128: {  	[spmem:s2] =	stream.indirect.scatter.add.bf16 [tilespmem:s9], [sflag:$0x3], $0x20, s19, s6, $0xb8;
	[tilespmem:$0x13960] =	vst v63  }
0x129: {  	_ =	swait.ge [sflag:s8], $0x4E20  }
0x12a: {  	[sflag:s8] =	ssyncset.done $0x0  }
0x12b: {  	[sflag:s8] =	ssyncadd.s32 $0xFFFFB1E0  }
0x12c: {  	[tilespmem:s7], [sflag:$0x2] =	stream.indirect.gather [hbm4b:s3+s6], $0x20, s18, s6, $0xb8;
	[tilespmem:$0x13960] =	vst v63  }
0x12d: {  	_ =	swait.ge [sflag:s11], $0x4E20  }
0x12e: {  	[sflag:s11] =	ssyncset.done $0x0  }
0x12f: {  	[sflag:s11] =	ssyncadd.s32 $0xFFFFB1E0  }
0x130: {  	[spmem:s2] =	stream.indirect.scatter.add.bf16 [tilespmem:s7], [sflag:$0x4], $0x20, s17, s6, $0xb8;
	[tilespmem:$0x13960] =	vst v63  }
0x131: {  	_ =	swait.ge [sflag:s10], $0x4E20  }
0x132: {  	[sflag:s10] =	ssyncset.done $0x0  }
0x133: {  	[sflag:s10] =	ssyncadd.s32 $0xFFFFB1E0  }
0x134: {  	[tilespmem:s9], [sflag:$0x1] =	stream.indirect.gather [hbm4b:s3+s6], $0x20, s16, s6, $0xb8;
	[tilespmem:$0x13960] =	vst v63  }
0x135: {  	_ =	swait.ge [sflag:s12], $0x4E20  }
0x136: {  	[sflag:s12] =	ssyncset.done $0x0  }
0x137: {  	[sflag:s12] =	ssyncadd.s32 $0xFFFFB1E0  }
0x138: {  	[spmem:s2] =	stream.indirect.scatter.add.bf16 [tilespmem:s9], [sflag:$0x3], $0x20, s15, s6, $0xb8;
	[tilespmem:$0x13960] =	vst v63  }
0x139: {  	_ =	swait.ge [sflag:s8], $0x4E20  }
0x13a: {  	[sflag:s8] =	ssyncset.done $0x0  }
0x13b: {  	[sflag:s8] =	ssyncadd.s32 $0xFFFFB1E0  }
0x13c: {  	[tilespmem:s7], [sflag:$0x2] =	stream.indirect.gather [hbm4b:s3+s6], $0x20, s14, s6, $0xb8;
	[tilespmem:$0x13960] =	vst v63  }
0x13d: {  	_ =	swait.ge [sflag:s11], $0x4E20  }
0x13e: {  	[sflag:s11] =	ssyncset.done $0x0  }
0x13f: {  	[sflag:s11] =	ssyncadd.s32 $0xFFFFB1E0  }
0x140: {  	[spmem:s2] =	stream.indirect.scatter.add.bf16 [tilespmem:s7], [sflag:$0x4], $0x20, s13, s6, $0xb8;
	[tilespmem:$0x13960] =	vst v63  }
0x141: {  	_ =	swait.ge [sflag:s10], $0x4E20  }
0x142: {  	[sflag:s10] =	ssyncset.done $0x0  }
0x143: {  	[sflag:s10] =	ssyncadd.s32 $0xFFFFB1E0  }
0x144: {  	_ =	swait.ge [sflag:s8], $0x4E20  }
0x145: {  	s1 =	sadd.s32 $0xFFFFFFFF, s1;
	[sflag:s8] =	ssyncset.done $0x0  }
0x146: {  	p2 =	sne.s32 s1, $0x0;
	[sflag:s8] =	ssyncadd.s32 $0xFFFFB1E0  }
.Ltmp2:
0x147: {  	[bflag:$0x0] =	sbarrier.arrive $0xFFFF;
	(pc) =	sbr.rel @p2 .LBB2_3-.Ltmp2, $4  }
0x148: {  	s0 =	rddreg [dreg:$0x7]  }
0x149: {  	[hbm:s0], [sflag:s4] =	dma.local @!p0 [spmem:s5], $0xFA0  }
0x14a: {  	_ =	swait.ge @!p0 [sflag:s31], $0xFA0  }
0x14b: {  	s0 =	rddreg [dreg:$0x4];
	[sflag:s31] =	ssyncset.done @!p0 $0x0  }
.LBB2_4:
0x14c: {  	p1 =	por p0, !p1  }
0x14d: {  	s1 =	simm.s32 @!p0 $0x5;
	[sflag:s31] =	ssyncadd.s32 @!p1 $0xFFFFF060  }
0x14e: {  	[spmem:s5], [sflag:s4] =	dma.local @!p0 [hbm:s0], $0xFA0  }
0x14f: {  	_ =	swait.ge @!p0 [sflag:s1], $0xFA0  }
0x150: {  	[sflag:s1] =	ssyncset.done @!p0 $0x0  }
0x151: {  	s31 =	rddreg [dreg:$0x5];
	[sflag:s1] =	ssyncadd.s32 @!p0 $0xFFFFF060  }
0x152: {  	[tilespmem:s28], [sflag:$0x5] =	stream.linear.gather [hbm4b:s31+s28], $0x2780, $0x38;
	[tilespmem:$0x13960] =	vst v63  }
0x153: {  	_ =	swait.ge [sflag:s30], $0x2780  }
0x154: {  	[sflag:s30] =	ssyncset.done $0x0  }
0x155: {  	s31 =	rddreg [dreg:$0x6];
	[sflag:s30] =	ssyncadd.s32 $0xFFFFD880  }
0x156: {  	[tilespmem:s29], [sflag:$0x5] =	stream.linear.gather [hbm4b:s31+s28], $0x2780, $0x38;
	[tilespmem:$0x13960] =	vst v63  }
0x157: {  	_ =	swait.ge [sflag:s30], $0x2780  }
0x158: {  	[sflag:s30] =	ssyncset.done $0x0  }
0x159: {  	[sflag:s30] =	ssyncadd.s32 $0xFFFFD880  }
0x15a: {  	[bflag:$0x0] =	sbarrier.arrive $0xFFFF  }
0x15b: {  	[tilespmem:s9], [sflag:$0x1] =	stream.indirect.gather [hbm4b:s3+s6], $0x20, s28, s6, $0xb8;
	[tilespmem:$0x13960] =	vst v63  }
0x15c: {  	_ =	swait.ge [sflag:s12], $0x4E20  }
0x15d: {  	[sflag:s12] =	ssyncset.done $0x0  }
0x15e: {  	[sflag:s12] =	ssyncadd.s32 $0xFFFFB1E0  }
0x15f: {  	[spmem:s2] =	stream.indirect.scatter.add.bf16 [tilespmem:s9], [sflag:$0x3], $0x20, s29, s6, $0xb8;
	[tilespmem:$0x13960] =	vst v63  }
0x160: {  	s31 =	rddreg [dreg:$0x8]  }
0x161: {  	[tilespmem:s7], [sflag:$0x2] =	stream.indirect.gather [hbm4b:s3+s6], $0x20, s31, s6, $0xb8;
	[tilespmem:$0x13960] =	vst v63  }
0x162: {  	_ =	swait.ge [sflag:s11], $0x4E20  }
0x163: {  	[sflag:s11] =	ssyncset.done $0x0  }
0x164: {  	s28 =	rddreg [dreg:$0x9];
	[sflag:s11] =	ssyncadd.s32 $0xFFFFB1E0  }
0x165: {  	[spmem:s2] =	stream.indirect.scatter.add.bf16 [tilespmem:s7], [sflag:$0x4], $0x20, s28, s6, $0xb8;
	[tilespmem:$0x13960] =	vst v63  }
0x166: {  	_ =	swait.ge [sflag:s10], $0x4E20  }
0x167: {  	[sflag:s10] =	ssyncset.done $0x0  }
0x168: {  	s29 =	rddreg [dreg:$0xa];
	[sflag:s10] =	ssyncadd.s32 $0xFFFFB1E0  }
0x169: {  	[tilespmem:s9], [sflag:$0x1] =	stream.indirect.gather [hbm4b:s3+s6], $0x20, s29, s6, $0xb8;
	[tilespmem:$0x13960] =	vst v63  }
0x16a: {  	_ =	swait.ge [sflag:s12], $0x4E20  }
0x16b: {  	[sflag:s12] =	ssyncset.done $0x0  }
0x16c: {  	s30 =	rddreg [dreg:$0xb];
	[sflag:s12] =	ssyncadd.s32 $0xFFFFB1E0  }
0x16d: {  	[spmem:s2] =	stream.indirect.scatter.add.bf16 [tilespmem:s9], [sflag:$0x3], $0x20, s30, s6, $0xb8;
	[tilespmem:$0x13960] =	vst v63  }
0x16e: {  	_ =	swait.ge [sflag:s8], $0x4E20  }
0x16f: {  	[sflag:s8] =	ssyncset.done $0x0  }
0x170: {  	s31 =	rddreg [dreg:$0xc];
	[sflag:s8] =	ssyncadd.s32 $0xFFFFB1E0  }
0x171: {  	[tilespmem:s7], [sflag:$0x2] =	stream.indirect.gather [hbm4b:s3+s6], $0x20, s31, s6, $0xb8;
	[tilespmem:$0x13960] =	vst v63  }
0x172: {  	_ =	swait.ge [sflag:s11], $0x4E20  }
0x173: {  	[sflag:s11] =	ssyncset.done $0x0  }
0x174: {  	s28 =	rddreg [dreg:$0xd];
	[sflag:s11] =	ssyncadd.s32 $0xFFFFB1E0  }
0x175: {  	[spmem:s2] =	stream.indirect.scatter.add.bf16 [tilespmem:s7], [sflag:$0x4], $0x20, s28, s6, $0xb8;
	[tilespmem:$0x13960] =	vst v63  }
0x176: {  	_ =	swait.ge [sflag:s10], $0x4E20  }
0x177: {  	[sflag:s10] =	ssyncset.done $0x0  }
0x178: {  	s29 =	rddreg [dreg:$0xe];
	[sflag:s10] =	ssyncadd.s32 $0xFFFFB1E0  }
0x179: {  	[tilespmem:s9], [sflag:$0x1] =	stream.indirect.gather [hbm4b:s3+s6], $0x20, s29, s6, $0xb8;
	[tilespmem:$0x13960] =	vst v63  }
0x17a: {  	_ =	swait.ge [sflag:s12], $0x4E20  }
0x17b: {  	[sflag:s12] =	ssyncset.done $0x0  }
0x17c: {  	s30 =	rddreg [dreg:$0xf];
	[sflag:s12] =	ssyncadd.s32 $0xFFFFB1E0  }
0x17d: {  	[spmem:s2] =	stream.indirect.scatter.add.bf16 [tilespmem:s9], [sflag:$0x3], $0x20, s30, s6, $0xb8;
	[tilespmem:$0x13960] =	vst v63  }
0x17e: {  	_ =	swait.ge [sflag:s8], $0x4E20  }
0x17f: {  	[sflag:s8] =	ssyncset.done $0x0  }
0x180: {  	s31 =	rddreg [dreg:$0x10];
	[sflag:s8] =	ssyncadd.s32 $0xFFFFB1E0  }
0x181: {  	[tilespmem:s7], [sflag:$0x2] =	stream.indirect.gather [hbm4b:s3+s6], $0x20, s31, s6, $0xb8;
	[tilespmem:$0x13960] =	vst v63  }
0x182: {  	_ =	swait.ge [sflag:s11], $0x4E20  }
0x183: {  	[sflag:s11] =	ssyncset.done $0x0  }
0x184: {  	s28 =	rddreg [dreg:$0x11];
	[sflag:s11] =	ssyncadd.s32 $0xFFFFB1E0  }
0x185: {  	[spmem:s2] =	stream.indirect.scatter.add.bf16 [tilespmem:s7], [sflag:$0x4], $0x20, s28, s6, $0xb8;
	[tilespmem:$0x13960] =	vst v63  }
0x186: {  	_ =	swait.ge [sflag:s10], $0x4E20  }
0x187: {  	[sflag:s10] =	ssyncset.done $0x0  }
0x188: {  	s29 =	rddreg [dreg:$0x12];
	[sflag:s10] =	ssyncadd.s32 $0xFFFFB1E0  }
0x189: {  	[tilespmem:s9], [sflag:$0x1] =	stream.indirect.gather [hbm4b:s3+s6], $0x20, s29, s6, $0xb8;
	[tilespmem:$0x13960] =	vst v63  }
0x18a: {  	_ =	swait.ge [sflag:s12], $0x4E20  }
0x18b: {  	[sflag:s12] =	ssyncset.done $0x0  }
0x18c: {  	s30 =	rddreg [dreg:$0x13];
	[sflag:s12] =	ssyncadd.s32 $0xFFFFB1E0  }
0x18d: {  	[spmem:s2] =	stream.indirect.scatter.add.bf16 [tilespmem:s9], [sflag:$0x3], $0x20, s30, s6, $0xb8;
	[tilespmem:$0x13960] =	vst v63  }
0x18e: {  	_ =	swait.ge [sflag:s8], $0x4E20  }
0x18f: {  	[sflag:s8] =	ssyncset.done $0x0  }
0x190: {  	s31 =	rddreg [dreg:$0x14];
	[sflag:s8] =	ssyncadd.s32 $0xFFFFB1E0  }
0x191: {  	[tilespmem:s7], [sflag:$0x2] =	stream.indirect.gather [hbm4b:s3+s6], $0x20, s31, s6, $0xb8;
	[tilespmem:$0x13960] =	vst v63  }
0x192: {  	_ =	swait.ge [sflag:s11], $0x4E20  }
0x193: {  	[sflag:s11] =	ssyncset.done $0x0  }
0x194: {  	s28 =	rddreg [dreg:$0x15];
	[sflag:s11] =	ssyncadd.s32 $0xFFFFB1E0  }
0x195: {  	[spmem:s2] =	stream.indirect.scatter.add.bf16 [tilespmem:s7], [sflag:$0x4], $0x20, s28, s6, $0xb8;
	[tilespmem:$0x13960] =	vst v63  }
0x196: {  	_ =	swait.ge [sflag:s10], $0x4E20  }
0x197: {  	[sflag:s10] =	ssyncset.done $0x0  }
0x198: {  	s29 =	rddreg [dreg:$0x16];
	[sflag:s10] =	ssyncadd.s32 $0xFFFFB1E0  }
0x199: {  	[tilespmem:s9], [sflag:$0x1] =	stream.indirect.gather [hbm4b:s3+s6], $0x20, s29, s6, $0xb8;
	[tilespmem:$0x13960] =	vst v63  }
0x19a: {  	_ =	swait.ge [sflag:s12], $0x4E20  }
0x19b: {  	[sflag:s12] =	ssyncset.done $0x0  }
0x19c: {  	s30 =	rddreg [dreg:$0x17];
	[sflag:s12] =	ssyncadd.s32 $0xFFFFB1E0  }
0x19d: {  	[spmem:s2] =	stream.indirect.scatter.add.bf16 [tilespmem:s9], [sflag:$0x3], $0x20, s30, s6, $0xb8;
	[tilespmem:$0x13960] =	vst v63  }
0x19e: {  	_ =	swait.ge [sflag:s8], $0x4E20  }
0x19f: {  	[sflag:s8] =	ssyncset.done $0x0  }
0x1a0: {  	[sflag:s8] =	ssyncadd.s32 $0xFFFFB1E0  }
0x1a1: {  	[tilespmem:s7], [sflag:$0x2] =	stream.indirect.gather [hbm4b:s3+s6], $0x20, s26, s6, $0xb8;
	[tilespmem:$0x13960] =	vst v63  }
0x1a2: {  	_ =	swait.ge [sflag:s11], $0x4E20  }
0x1a3: {  	[sflag:s11] =	ssyncset.done $0x0  }
0x1a4: {  	[sflag:s11] =	ssyncadd.s32 $0xFFFFB1E0  }
0x1a5: {  	[spmem:s2] =	stream.indirect.scatter.add.bf16 [tilespmem:s7], [sflag:$0x4], $0x20, s25, s6, $0xb8;
	[tilespmem:$0x13960] =	vst v63  }
0x1a6: {  	_ =	swait.ge [sflag:s10], $0x4E20  }
0x1a7: {  	[sflag:s10] =	ssyncset.done $0x0  }
0x1a8: {  	[sflag:s10] =	ssyncadd.s32 $0xFFFFB1E0  }
0x1a9: {  	[tilespmem:s9], [sflag:$0x1] =	stream.indirect.gather [hbm4b:s3+s6], $0x20, s24, s6, $0xb8;
	[tilespmem:$0x13960] =	vst v63  }
0x1aa: {  	_ =	swait.ge [sflag:s12], $0x4E20  }
0x1ab: {  	[sflag:s12] =	ssyncset.done $0x0  }
0x1ac: {  	[sflag:s12] =	ssyncadd.s32 $0xFFFFB1E0  }
0x1ad: {  	[spmem:s2] =	stream.indirect.scatter.add.bf16 [tilespmem:s9], [sflag:$0x3], $0x20, s23, s6, $0xb8;
	[tilespmem:$0x13960] =	vst v63  }
0x1ae: {  	_ =	swait.ge [sflag:s8], $0x4E20  }
0x1af: {  	[sflag:s8] =	ssyncset.done $0x0  }
0x1b0: {  	[sflag:s8] =	ssyncadd.s32 $0xFFFFB1E0  }
0x1b1: {  	[tilespmem:s7], [sflag:$0x2] =	stream.indirect.gather [hbm4b:s3+s6], $0x20, s22, s6, $0xb8;
	[tilespmem:$0x13960] =	vst v63  }
0x1b2: {  	_ =	swait.ge [sflag:s11], $0x4E20  }
0x1b3: {  	[sflag:s11] =	ssyncset.done $0x0  }
0x1b4: {  	[sflag:s11] =	ssyncadd.s32 $0xFFFFB1E0  }
0x1b5: {  	[spmem:s2] =	stream.indirect.scatter.add.bf16 [tilespmem:s7], [sflag:$0x4], $0x20, s21, s6, $0xb8;
	[tilespmem:$0x13960] =	vst v63  }
0x1b6: {  	_ =	swait.ge [sflag:s10], $0x4E20  }
0x1b7: {  	[sflag:s10] =	ssyncset.done $0x0  }
0x1b8: {  	[sflag:s10] =	ssyncadd.s32 $0xFFFFB1E0  }
0x1b9: {  	[tilespmem:s9], [sflag:$0x1] =	stream.indirect.gather [hbm4b:s3+s6], $0x20, s20, s6, $0xb8;
	[tilespmem:$0x13960] =	vst v63  }
0x1ba: {  	_ =	swait.ge [sflag:s12], $0x4E20  }
0x1bb: {  	[sflag:s12] =	ssyncset.done $0x0  }
0x1bc: {  	[sflag:s12] =	ssyncadd.s32 $0xFFFFB1E0  }
0x1bd: {  	[spmem:s2] =	stream.indirect.scatter.add.bf16 [tilespmem:s9], [sflag:$0x3], $0x20, s19, s6, $0xb8;
	[tilespmem:$0x13960] =	vst v63  }
0x1be: {  	_ =	swait.ge [sflag:s8], $0x4E20  }
0x1bf: {  	[sflag:s8] =	ssyncset.done $0x0  }
0x1c0: {  	[sflag:s8] =	ssyncadd.s32 $0xFFFFB1E0  }
0x1c1: {  	[tilespmem:s7], [sflag:$0x2] =	stream.indirect.gather [hbm4b:s3+s6], $0x20, s18, s6, $0xb8;
	[tilespmem:$0x13960] =	vst v63  }
0x1c2: {  	_ =	swait.ge [sflag:s11], $0x4E20  }
0x1c3: {  	[sflag:s11] =	ssyncset.done $0x0  }
0x1c4: {  	[sflag:s11] =	ssyncadd.s32 $0xFFFFB1E0  }
0x1c5: {  	[spmem:s2] =	stream.indirect.scatter.add.bf16 [tilespmem:s7], [sflag:$0x4], $0x20, s17, s6, $0xb8;
	[tilespmem:$0x13960] =	vst v63  }
0x1c6: {  	_ =	swait.ge [sflag:s10], $0x4E20  }
0x1c7: {  	[sflag:s10] =	ssyncset.done $0x0  }
0x1c8: {  	[sflag:s10] =	ssyncadd.s32 $0xFFFFB1E0  }
0x1c9: {  	[tilespmem:s9], [sflag:$0x1] =	stream.indirect.gather [hbm4b:s3+s6], $0x20, s16, s6, $0xb8;
	[tilespmem:$0x13960] =	vst v63  }
0x1ca: {  	_ =	swait.ge [sflag:s12], $0x4E20  }
0x1cb: {  	[sflag:s12] =	ssyncset.done $0x0  }
0x1cc: {  	[sflag:s12] =	ssyncadd.s32 $0xFFFFB1E0  }
0x1cd: {  	[spmem:s2] =	stream.indirect.scatter.add.bf16 [tilespmem:s9], [sflag:$0x3], $0x20, s15, s6, $0xb8;
	[tilespmem:$0x13960] =	vst v63  }
0x1ce: {  	_ =	swait.ge [sflag:s8], $0x4E20  }
0x1cf: {  	[sflag:s8] =	ssyncset.done $0x0  }
0x1d0: {  	[sflag:s8] =	ssyncadd.s32 $0xFFFFB1E0  }
0x1d1: {  	[tilespmem:s7], [sflag:$0x2] =	stream.indirect.gather [hbm4b:s3+s6], $0x20, s14, s6, $0xb8;
	[tilespmem:$0x13960] =	vst v63  }
0x1d2: {  	_ =	swait.ge [sflag:s11], $0x4E20  }
0x1d3: {  	[sflag:s11] =	ssyncset.done $0x0  }
0x1d4: {  	[sflag:s11] =	ssyncadd.s32 $0xFFFFB1E0  }
0x1d5: {  	[spmem:s2] =	stream.indirect.scatter.add.bf16 [tilespmem:s7], [sflag:$0x4], $0x20, s13, s6, $0xb8;
	[tilespmem:$0x13960] =	vst v63  }
0x1d6: {  	_ =	swait.ge [sflag:s10], $0x4E20  }
0x1d7: {  	[sflag:s10] =	ssyncset.done $0x0  }
0x1d8: {  	[sflag:s10] =	ssyncadd.s32 $0xFFFFB1E0  }
0x1d9: {  	_ =	swait.ge [sflag:s8], $0x4E20  }
0x1da: {  	[sflag:s8] =	ssyncset.done $0x0  }
0x1db: {  	[sflag:s8] =	ssyncadd.s32 $0xFFFFB1E0  }
0x1dc: {  	[bflag:$0x0] =	sbarrier.arrive $0xFFFF  }
0x1dd: {  	s0 =	rddreg [dreg:$0x7]  }
0x1de: {  	[hbm:s0], [sflag:s4] =	dma.local @!p0 [spmem:s5], $0xFA0  }
0x1df: {  	_ =	swait.ge @!p0 [sflag:s1], $0xFA0  }
0x1e0: {  	[sflag:s1] =	ssyncset.done @!p0 $0x0  }
0x1e1: {  	[sflag:s1] =	ssyncadd.s32 @!p0 $0xFFFFF060  }
0x1e2: {  	_ =	sfence.sel $0x180000  }
0x1e3: {  	[bflag:$0x0] =	sbarrier.arrive $0xFFFF  }
0x1e4: {  	_ =	strace $0x9000004A  }
0x1e5: {  	s31 =	stileid.u32;
	[bflag:$0x2] =	sbarrier.arrive $0xFFFF  }
0x1e6: {  	p0 =	sne.s32 s31, $0x0;
	s0 =	rddreg [dreg:$0x3]  }
0x1e7: {  	s0 =	sadd.s32 @!p0 $0x100000, s0  }
0x1e8: {  	[sflag:s0] =	ssyncadd.tile.s32 @!p0 $0x1;
	_ =	shalt  }
.LBB2_1:
.Ltmp3:
0x1e9: {  	(pc) =	sbr.rel .LBB2_4-.Ltmp3, $2  }
0x1ea: {  	_ =	sdelay $0x2  }
0x1eb: {  	_ = 	snop  }
.Lfunc_end2:
_tile_overlayer_lowered:
.L_overlay_start_2:
0x1ec: {  	(tag) =	ssettag $0x2  }
0x1ed: {  	s0 =	rddreg [dreg:$0x0];
	s2 =	stileid.u32  }
0x1ee: {  	s1 =	rddreg [dreg:$0x1];
	p0 =	sne.s32 s2, $0x0  }
0x1ef: {  	s3 =	rddreg [dreg:$0x2];
	[bflag:$0x3] =	sbarrier.arrive $0xFFFF;
	s2 =	simm.s32 @!p0 $0x1C05  }
0x1f0: {  	[timem:s3], [sflag:s2] =	dma.local @!p0 [hbm:s0], s1  }
0x1f1: {  	s0 =	simm.s32 @!p0 $0x5  }
0x1f2: {  	_ =	swait.ge @!p0 [sflag:s0], s1  }
0x1f3: {  	s1 =	ssub.s32 @!p0 $0x0, s1;
	[sflag:s0] =	ssyncset.done @!p0 $0x0  }
0x1f4: {  	[sflag:s0] =	ssyncadd.s32 @!p0 s1  }
0x1f5: {  	[bflag:$0x3] =	sbarrier.arrive $0xFFFF  }
0x1f6: {  	_ =	shalt  }

// kernel: kernel.14.cloned.1.call-start
scs
__scs_entry_jumppad:
0x0: {  	(pc) =	sbr.rel $0x88, $3  }
0x1: {  	(tag) =	ssettag $0x0;
	lr =	simm.s32 $0x1  }
0x2: {  	[smem:$0x3F99] =	sst lr;
	_ =	strace $0xD0000000  }
0x3: {  	_ = 	snop  }
0x4: {  	_ = 	snop  }
0x5: {  	_ = 	snop  }
0x6: {  	_ = 	snop  }
0x7: {  	_ = 	snop  }
__scs_overlays_trampoline_lowered:
0x8: {  	[smem:$0x3FA8] =	sst s0  }
0x9: {  	[smem:$0x3FA9] =	sst s1  }
0xa: {  	[smem:$0x3FAA] =	sst s2  }
0xb: {  	[smem:$0x3FAB] =	sst s3  }
0xc: {  	[smem:$0x3FAC] =	sst s4  }
0xd: {  	[smem:$0x3FAD] =	sst s5  }
0xe: {  	[smem:$0x3FAE] =	sst s6  }
0xf: {  	[smem:$0x3FAF] =	sst s7  }
0x10: {  	[smem:$0x3FB0] =	sst s8  }
0x11: {  	[smem:$0x3FB1] =	sst s9;
	s0 =	simm.s32 @!p0 $0x0  }
0x12: {  	s1 =	sld [smem:$0x3F97];
	s0 =	simm.s32 @p0 $0x1  }
0x13: {  	[smem:$0x3FB2] =	sst s0;
	s0 =	simm.s32 @!p1 $0x0  }
0x14: {  	s2 =	sld [smem:$0x3F96];
	s0 =	simm.s32 @p1 $0x1  }
0x15: {  	[smem:$0x3FB3] =	sst s0;
	s0 =	simm.s32 @!p2 $0x0  }
0x16: {  	s3 =	sld [smem:$0x3FDB];
	s0 =	simm.s32 @p2 $0x1  }
0x17: {  	s4 =	simm.s32 $0x1BF5;
	[smem:$0x3FB5] =	sst s0  }
0x18: {  	s0 =	sld [smem:$0x3F98];
	_ =	swait.ge [sflag:s4], $0x0  }
0x19: {  	s7 =	sld [smem:$0x3F99]  }
0x1a: {  	s8 =	sadd.s32 $0xFFFFE003, lr  }
0x1b: {  	s9 =	sadd.s32 $0xFFFFFEF7, lr;
	s5 =	simm.s32 $0xFFFFFFFF;
	p2 =	slt.u32 s8, $0xFFFFF086  }
0x1c: {  	p1 =	slt.u32 s9, $0xF7A;
	s5 =	simm.s32 @!p2 $0x0  }
0x1d: {  	s5 =	simm.s32 @p1 $0x1;
	p0 =	seq.s32 s7, s2  }
0x1e: {  	s7 =	smul.u32 @!p0 $0xF7A, s2;
	p2 =	seq.s32 @!p0 s5, $0x0  }
0x1f: {  	s9 =	smul.u32 $0xF7A, s1;
	s8 =	simm.s32 @!p0 $0x1BF5;
	p2 =	por !p2, p0  }
0x20: {  	[sflag:s8] =	ssyncset.s32 @!p0 $0xFFFFF086;
	s6 =	sadd.s32 @!p0 s3, s7;
	s7 =	simm.s32 @!p0 $0x108  }
0x21: {  	s3 =	sadd.s32 s3, s9;
	s6 =	sadd.s32 @!p0 $0x88, s6;
	s7 =	simm.s32 @p2 $0x1082  }
0x22: {  	[simem:s7], [sflag:s8] =	dma.local @!p0 [hbm:s6], $0xF7A  }
0x23: {  	s9 =	sor.u32 $0xD0000000, s2;
	s6 =	simm.s32 $0x108;
	_ =	swait.ge @!p0 [sflag:s8], $0x0  }
0x24: {  	s3 =	sadd.s32 $0x88, s3;
	s6 =	simm.s32 @!p1 $0x1082;
	[sflag:s4] =	ssyncset.s32 $0xFFFFF086  }
0x25: {  	[simem:s6], [sflag:s4] =	dma.local [hbm:s3], $0xF7A  }
0x26: {  	[smem:$0x3F99] =	sst s1;
	(tag) =	ssettag s2;
	_ =	strace s9  }
0x27: {  	s1 =	sld [smem:$0x3FA9]  }
0x28: {  	s2 =	sld [smem:$0x3FAA]  }
0x29: {  	s4 =	sld [smem:$0x3FAC]  }
0x2a: {  	p0 =	seq.s32 s5, $0x0;
	s5 =	sld [smem:$0x3FAD]  }
0x2b: {  	s6 =	sld [smem:$0x3FAE]  }
0x2c: {  	s7 =	sld [smem:$0x3FAF]  }
0x2d: {  	s3 =	simm.s32 $0x108;
	s8 =	sld [smem:$0x3FB0]  }
0x2e: {  	s3 =	simm.s32 @!p0 $0x1082;
	s9 =	sld [smem:$0x3FB1]  }
0x2f: {  	lr =	sadd.s32 s0, s3;
	s0 =	sld [smem:$0x3FA8]  }
0x30: {  	s3 =	sld [smem:$0x3FAB]  }
0x31: {  	[smem:$0x3FB4] =	sst s10  }
0x32: {  	s10 =	sld [smem:$0x3FB2];
	_ =	sdelay $0x3  }
0x33: {  	p0 =	seq.s32 s10, $0x1;
	s10 =	sld [smem:$0x3FB4];
	_ =	sdelay $0x3  }
0x34: {  	[smem:$0x3FB4] =	sst s10  }
0x35: {  	s10 =	sld [smem:$0x3FB3];
	_ =	sdelay $0x3  }
0x36: {  	p1 =	seq.s32 s10, $0x1;
	s10 =	sld [smem:$0x3FB4];
	_ =	sdelay $0x3  }
0x37: {  	[smem:$0x3FB4] =	sst s10  }
0x38: {  	s10 =	sld [smem:$0x3FB5]  }
0x39: {  	_ = 	snop;
	(pc) =	sbr.ind lr, $3  }
0x3a: {  	_ = 	snop  }
0x3b: {  	_ = 	snop  }
0x3c: {  	p2 =	seq.s32 s10, $0x1;
	s10 =	sld [smem:$0x3FB4]  }
0x3d: {  	_ =	shalt  }
0x3e: {  	_ =	shalt  }
0x3f: {  	_ =	shalt  }
0x40: {  	_ =	shalt  }
0x41: {  	_ =	shalt  }
0x42: {  	_ =	shalt  }
0x43: {  	_ =	shalt  }
0x44: {  	_ =	shalt  }
0x45: {  	_ =	shalt  }
0x46: {  	_ =	shalt  }
0x47: {  	_ =	shalt  }
0x48: {  	_ =	shalt  }
0x49: {  	_ =	shalt  }
0x4a: {  	_ =	shalt  }
0x4b: {  	_ =	shalt  }
0x4c: {  	_ =	shalt  }
0x4d: {  	_ =	shalt  }
0x4e: {  	_ =	shalt  }
0x4f: {  	_ =	shalt  }
0x50: {  	_ =	shalt  }
0x51: {  	_ =	shalt  }
0x52: {  	_ =	shalt  }
0x53: {  	_ =	shalt  }
0x54: {  	_ =	shalt  }
0x55: {  	_ =	shalt  }
0x56: {  	_ =	shalt  }
0x57: {  	_ =	shalt  }
0x58: {  	_ =	shalt  }
0x59: {  	_ =	shalt  }
0x5a: {  	_ =	shalt  }
0x5b: {  	_ =	shalt  }
0x5c: {  	_ =	shalt  }
0x5d: {  	_ =	shalt  }
0x5e: {  	_ =	shalt  }
0x5f: {  	_ =	shalt  }
0x60: {  	_ =	shalt  }
0x61: {  	_ =	shalt  }
0x62: {  	_ =	shalt  }
0x63: {  	_ =	shalt  }
0x64: {  	_ =	shalt  }
0x65: {  	_ =	shalt  }
0x66: {  	_ =	shalt  }
0x67: {  	_ =	shalt  }
0x68: {  	_ =	shalt  }
0x69: {  	_ =	shalt  }
0x6a: {  	_ =	shalt  }
0x6b: {  	_ =	shalt  }
0x6c: {  	_ =	shalt  }
0x6d: {  	_ =	shalt  }
0x6e: {  	_ =	shalt  }
0x6f: {  	_ =	shalt  }
0x70: {  	_ =	shalt  }
0x71: {  	_ =	shalt  }
0x72: {  	_ =	shalt  }
0x73: {  	_ =	shalt  }
0x74: {  	_ =	shalt  }
0x75: {  	_ =	shalt  }
0x76: {  	_ =	shalt  }
0x77: {  	_ =	shalt  }
0x78: {  	_ =	shalt  }
0x79: {  	_ =	shalt  }
0x7a: {  	_ =	shalt  }
0x7b: {  	_ =	shalt  }
0x7c: {  	_ =	shalt  }
0x7d: {  	_ =	shalt  }
0x7e: {  	_ =	shalt  }
0x7f: {  	_ =	shalt  }
0x80: {  	_ =	shalt  }
0x81: {  	_ =	shalt  }
0x82: {  	_ =	shalt  }
0x83: {  	_ =	shalt  }
0x84: {  	_ =	shalt  }
0x85: {  	_ =	shalt  }
0x86: {  	_ =	shalt  }
0x87: {  	_ =	shalt  }
.Lfunc_end0:
.L_simem_size_0:
called_computation.2_lowered:
.L_overlay_start_0:
0x88: {  	s2 =	sld [smem:$0x3FD9]  }
0x89: {  	s3 =	sld [smem:$0x3FFE];
	_ =	sdelay $0x1  }
0x8a: {  	s1 =	srdreg.scid  }
0x8b: {  	s0 =	sand.u32 $0x1, s1  }
0x8c: {  	s14 =	sshll.u32 s0, $0xA;
	s2 =	sadd.s32 s3, s2  }
0x8d: {  	s2 =	sadd.s32 s2, s14  }
0x8e: {  	[smem:$0x3FC0] =	sst s2  }
0x8f: {  	_ = 	snop  }
0x90: {  	s2 =	sld [smem:$0x3FD0];
	_ =	sdelay $0x2  }
0x91: {  	s15 =	simm.s32 $0xA;
	s4 =	simm.s32 $0x10  }
0x92: {  	[smem:s4], [sflag:s15] =	dma.local [hbm:s2], $0x1  }
0x93: {  	_ =	swait.eq [sflag:s15], $0x1  }
0x94: {  	[sflag:s15] =	ssyncset.done $0x0  }
0x95: {  	s16 =	sld [smem:$0x10];
	[sflag:s15] =	ssyncadd.s32 $0xFFFFFFFF  }
0x96: {  	s17 =	sld [smem:$0x11];
	(tm) =	ssettm $0x1  }
0x97: {  	s18 =	sld [smem:$0x3FFB];
	_ =	sdelay $0x3  }
0x98: {  	_ =	strace s18  }
0x99: {  	s4 =	sld [smem:$0x3FFC];
	_ =	sdelay $0x3  }
0x9a: {  	_ =	strace s4  }
0x9b: {  	s4 =	sld [smem:$0x3FFD];
	_ =	sdelay $0x3  }
0x9c: {  	_ =	strace s4  }
0x9d: {  	_ =	strace $0x8FFFFFFF  }
0x9e: {  	s19 =	sld [smem:$0x3FDB];
	_ =	sdelay $0x1  }
0x9f: {  	s5 =	simm.s32 $_scs_section_size  }
0xa0: {  	s6 =	simm.s32 $_size__tile_overlayer_lowered;
	s7 =	simm.s32 $_tile_overlayer_lowered  }
0xa1: {  	s22 =	simm.s32 $0x1BFF;
	s21 =	sshll.u32 s7, $0x1;
	s4 =	sadd.s32 s5, s19  }
0xa2: {  	s8 =	simm.s32 $0x0;
	s20 =	sshll.u32 s6, $0x1;
	s6 =	sadd.s32 s21, s4  }
0xa3: {  	[timem:s8], [sflag:s22] =	dma.local [hbm:s6], s20  }
0xa4: {  	_ =	swait.ge [sflag:s22], s20  }
0xa5: {  	s5 =	ssub.s32 $0x0, s20;
	[sflag:s22] =	ssyncset.done $0x0  }
0xa6: {  	[sflag:s22] =	ssyncadd.s32 s5;
	_ =	sdelay $0x1  }
0xa7: {  	s23 =	simm.s32 $0x1B8B  }
0xa8: {  	_ =	swait.ge [sflag:s23], $0x1  }
0xa9: {  	[sflag:s23] =	ssyncset.done $0x0  }
0xaa: {  	s25 =	simm.s32 $0x1B8E;
	s24 =	sld [smem:$0x3FFE];
	[sflag:s23] =	ssyncadd.s32 $0xFFFFFFFF  }
0xab: {  	s26 =	simm.s32 $execute0_lowered;
	[smem:$0x3FD2] =	sst s25  }
0xac: {  	s6 =	sshll.u32 s26, $0x1;
	_ =	strace $0x8000004C;
	[dreg:$0x1] =	wrdreg $0xFFFFFFFF  }
0xad: {  	s28 =	simm.s32 $_size_execute0_lowered;
	s4 =	sadd.s32 s4, s6;
	[dreg:$0x0] =	wrdreg $0x0  }
0xae: {  	s6 =	sshll.u32 s28, $0x1;
	[dreg:$0x2] =	wrdreg s4  }
0xaf: {  	[dreg:$0x3] =	wrdreg s6  }
0xb0: {  	[dreg:$0x4] =	wrdreg $0xC0  }
0xb1: {  	_ =	task [dreg:s8], $0x5FFFF  }
0xb2: {  	[dreg:$0x1] =	wrdreg $0xFFFFFFFF  }
0xb3: {  	[dreg:$0x0] =	wrdreg $0x60  }
0xb4: {  	[dreg:$0x2] =	wrdreg s24  }
0xb5: {  	[dreg:$0x3] =	wrdreg s17  }
0xb6: {  	[dreg:$0x4] =	wrdreg s16  }
0xb7: {  	[dreg:$0x5] =	wrdreg $0x148C00  }
0xb8: {  	[dreg:$0x6] =	wrdreg $0x9  }
0xb9: {  	_ =	task.clear_ibuf [dreg:s8], $0x7FFFF;
	_ =	strace $0x9000004C  }
0xba: {  	s29 =	simm.s32 $0x9;
	_ =	strace $0x8000004E  }
0xbb: {  	_ =	swait.ge [sflag:s29], $0x1  }
0xbc: {  	[sflag:s29] =	ssyncadd.s32 $0xFFFFFFFF  }
0xbd: {  	_ =	strace $0x9000004E  }
0xbe: {  	_ =	sfence  }
0xbf: {  	s30 =	sld [smem:$0x0];
	_ =	sdelay $0x2  }
0xc0: {  	s31 =	sshll.u32 s1, $0xD;
	s1 =	sshrl.u32 s1, $0x2  }
0xc1: {  	s3 =	sand.u32 $0x4000, s31;
	s1 =	sadd.s32 s1, s30  }
0xc2: {  	s0 =	sor.u32 s3, s0;
	s1 =	sshll.u32 s1, $0x11  }
0xc3: {  	s0 =	sor.u32 s1, s0  }
0xc4: {  	s0 =	sadd.s32 $0x8F2B, s0  }
0xc5: {  	[sflag:s0] =	ssyncadd.remote.s32 $0x1  }
0xc6: {  	_ =	sfence.sel $0xFFFF  }
0xc7: {  	[dreg:$0x0] =	wrdreg $0xFFFFFFFF;
	(pc) =	sbr.abs _section_cstart, $3  }
0xc8: {  	[dreg:$0x1] =	wrdreg $0xFFFFFFFF  }
0xc9: {  	_ =	task.clear_ibuf [dreg:s8], $0x2FFFF;
	_ =	strace $0x9FFFFFFF  }
0xca: {  	(tm) =	ssettm $0x7FFFFFFF  }
0xcb: {  	_ =	shalt  }
tec
execute0_lowered:
.L_overlay_start_1:
0x0: {  	(tag) =	ssettag $0x1  }
0x1: {  	s1 =	rddreg [dreg:$0x0]  }
0x2: {  	s0 =	srdreg.scid;
	s2 =	rddreg [dreg:$0x1]  }
0x3: {  	s4 =	rddreg [dreg:$0x2];
	s28 =	simm.s32 $0x0;
	s0 =	sand.u32 $0x1, s0  }
0x4: {  	s9 =	stileid.u32;
	[smem:$0x7FF] =	sst s28;
	s3 =	sshll.u32 s0, $0x4  }
0x5: {  	s24 =	simm.s32 $0x1F8;
	s5 =	sor.u32 s9, s3;
	s3 =	rddreg [dreg:$0x3]  }
0x6: {  	s25 =	simm.s32 $0x2958;
	_ =	strace $0x8000004D;
	[dreg:$0x9] =	wrdreg s24  }
0x7: {  	s26 =	simm.s32 $0x3F0;
	[dreg:$0xa] =	wrdreg s25  }
0x8: {  	s31 =	simm.s32 $0x2B50;
	[dreg:$0xb] =	wrdreg s26  }
0x9: {  	s11 =	simm.s32 $0x9D8;
	[dreg:$0xc] =	wrdreg s31  }
0xa: {  	s12 =	simm.s32 $0x3138;
	s14 =	simm.s32 $0xBD0;
	[dreg:$0x11] =	wrdreg s11  }
0xb: {  	s15 =	simm.s32 $0x3330;
	s16 =	simm.s32 $0xDC8;
	[dreg:$0x12] =	wrdreg s12  }
0xc: {  	s17 =	simm.s32 $0x3528;
	s18 =	simm.s32 $0xFC0;
	[dreg:$0x13] =	wrdreg s14  }
0xd: {  	s19 =	simm.s32 $0x3720;
	s20 =	simm.s32 $0x11B8;
	[dreg:$0x14] =	wrdreg s15  }
0xe: {  	s30 =	simm.s32 $0x5;
	s21 =	simm.s32 $0x3918;
	[dreg:$0x15] =	wrdreg s16  }
0xf: {  	s29 =	simm.s32 $0x2760;
	p1 =	por $0x0, $0x0;
	[dreg:$0x16] =	wrdreg s17  }
0x10: {  	s6 =	smul.u32 $0x1F400, s9;
	p0 =	sgt.u32 s9, $0x9;
	[dreg:$0x17] =	wrdreg s18  }
0x11: {  	s7 =	smul.u32 $0x138800, s0;
	s0 =	ssub.s32 $0x2, s0;
	[dreg:$0x18] =	wrdreg s19  }
0x12: {  	s8 =	sshrl.u32 s6, $0x4;
	s10 =	sshrl.u32 s0, $0x1;
	[dreg:$0x19] =	wrdreg s20  }
0x13: {  	s13 =	sshrl.u32 s6, $0x1;
	[dreg:$0x1a] =	wrdreg s21;
	s24 =	simm.s32 $0x15A8  }
0x14: {  	s12 =	simm.s32 $0x1;
	s25 =	simm.s32 $0x3D08;
	s26 =	simm.s32 $0x17A0  }
0x15: {  	s11 =	simm.s32 $0x2;
	s31 =	simm.s32 $0x3F00;
	s21 =	simm.s32 $0x44E8  }
0x16: {  	s20 =	simm.s32 $0x1F80;
	s19 =	simm.s32 $0x46E0;
	s18 =	simm.s32 $0x2178  }
0x17: {  	s17 =	simm.s32 $0x48D8;
	s16 =	simm.s32 $0x2370;
	s15 =	simm.s32 $0x4AD0  }
0x18: {  	s14 =	simm.s32 $0x2568;
	s5 =	smul.u32 $0x4EC, s5;
	[dreg:$0x1d] =	wrdreg s24  }
0x19: {  	s7 =	sadd.s32 s6, s7;
	s4 =	sadd.s32 s4, s8;
	[dreg:$0x1e] =	wrdreg s25  }
0x1a: {  	s8 =	simm.s32 $0x2F40;
	s0 =	ssub.s32 s0, s10;
	[dreg:$0x1f] =	wrdreg s26  }
0x1b: {  	s6 =	simm.s32 $0x1F4;
	s10 =	simm.s32 $0x3;
	[smem:$0x7FD] =	sst s31  }
0x1c: {  	s26 =	simm.s32 $0x1998;
	s25 =	simm.s32 $0x40F8;
	s24 =	simm.s32 $0x1B90  }
0x1d: {  	s7 =	sshrl.u32 s7, $0x4;
	[dreg:$0x5] =	wrdreg s4;
	s4 =	simm.s32 $0x5E8  }
0x1e: {  	[dreg:$0x10] =	wrdreg s8;
	s0 =	smax.u32 s0, $0x1;
	s8 =	simm.s32 $0x4  }
0x1f: {  	s5 =	sadd.s32 s5, s1;
	s1 =	sadd.s32 s7, s1;
	[dreg:$0xd] =	wrdreg s4  }
0x20: {  	s7 =	simm.s32 $0x7E0;
	s4 =	sshll.u32 @!p0 s9, $0x6;
	s9 =	simm.s32 $0x4EC0  }
0x21: {  	s22 =	sadd.s32 $0x58E00, s5;
	s1 =	sadd.s32 $0x62C00, s1;
	[dreg:$0xf] =	wrdreg s7  }
0x22: {  	s23 =	sadd.s32 $0x4F000, s5;
	[dreg:$0x8] =	wrdreg s1;
	s1 =	sadd.s32 $0xFFFFFFFF, s0  }
0x23: {  	s5 =	simm.s32 $0x2D48;
	[dreg:$0x6] =	wrdreg s22;
	p2 =	sne.s32 s1, $0x0  }
.Ltmp0:
0x24: {  	s4 =	sor.u32 @!p0 $0x1C05, s4;
	[dreg:$0x7] =	wrdreg s23;
	(pc) =	sbr.rel @!p2 .LBB2_1-.Ltmp0, $4  }
0x25: {  	s7 =	simm.s32 $0xCBC0;
	[dreg:$0xe] =	wrdreg s5;
	s5 =	sadd.s32 s13, s3  }
0x26: {  	s22 =	simm.s32 $0x13B0;
	s23 =	simm.s32 $0x3B10;
	s0 =	rddreg [dreg:$0x5]  }
0x27: {  	s13 =	simm.s32 $0x4CC8;
	s5 =	sshrl.u32 @!p0 s5, $0x3;
	[dreg:$0x1b] =	wrdreg s22  }
0x28: {  	[dreg:$0x1c] =	wrdreg s23;
	s23 =	simm.s32 $0x42F0;
	s22 =	simm.s32 $0x1D88  }
0x29: {  	s31 =	simm.s32 @!p0 $0x5  }
0x2a: {  	[spmem:s5], [sflag:s4] =	dma.local @!p0 [hbm:s0], $0x1F40  }
0x2b: {  	_ =	swait.ge @!p0 [sflag:s31], $0x1F40  }
0x2c: {  	[sflag:s31] =	ssyncset.done @!p0 $0x0  }
0x2d: {  	s0 =	rddreg [dreg:$0x6];
	[sflag:s31] =	ssyncadd.s32 @!p0 $0xFFFFE0C0  }
0x2e: {  	[tilespmem:s28], [sflag:$0x5] =	stream.linear.gather [hbm4b:s0+s28], $0x2760, $0x38;
	[tilespmem:$0x1E500] =	vst v63  }
0x2f: {  	_ =	swait.ge [sflag:s30], $0x2760  }
0x30: {  	[sflag:s30] =	ssyncset.done $0x0  }
0x31: {  	s0 =	rddreg [dreg:$0x7];
	[sflag:s30] =	ssyncadd.s32 $0xFFFFD8A0  }
0x32: {  	[tilespmem:s29], [sflag:$0x5] =	stream.linear.gather [hbm4b:s0+s28], $0x2760, $0x38;
	[tilespmem:$0x1E500] =	vst v63  }
0x33: {  	_ =	swait.ge [sflag:s30], $0x2760  }
0x34: {  	[sflag:s30] =	ssyncset.done $0x0  }
0x35: {  	[sflag:s30] =	ssyncadd.s32 $0xFFFFD8A0  }
0x36: {  	[bflag:$0x0] =	sbarrier.arrive $0xFFFF  }
0x37: {  	[tilespmem:s9], [sflag:$0x1] =	stream.indirect.gather [hbm4b:s2+s6], $0x40, s28, s6, $0xb8;
	[tilespmem:$0x1E500] =	vst v63  }
0x38: {  	_ =	swait.ge [sflag:s12], $0x7D00  }
0x39: {  	[sflag:s12] =	ssyncset.done $0x0  }
0x3a: {  	[sflag:s12] =	ssyncadd.s32 $0xFFFF8300  }
0x3b: {  	[spmem:s3] =	stream.indirect.scatter.add.bf16 [tilespmem:s9], [sflag:$0x3], $0x40, s29, s6, $0xb8;
	[tilespmem:$0x1E500] =	vst v63  }
0x3c: {  	s0 =	rddreg [dreg:$0x9]  }
0x3d: {  	[tilespmem:s7], [sflag:$0x2] =	stream.indirect.gather [hbm4b:s2+s6], $0x40, s0, s6, $0xb8;
	[tilespmem:$0x1E500] =	vst v63  }
0x3e: {  	_ =	swait.ge [sflag:s11], $0x7D00  }
0x3f: {  	[sflag:s11] =	ssyncset.done $0x0  }
0x40: {  	s0 =	rddreg [dreg:$0xa];
	[sflag:s11] =	ssyncadd.s32 $0xFFFF8300  }
0x41: {  	[spmem:s3] =	stream.indirect.scatter.add.bf16 [tilespmem:s7], [sflag:$0x4], $0x40, s0, s6, $0xb8;
	[tilespmem:$0x1E500] =	vst v63  }
0x42: {  	_ =	swait.ge [sflag:s10], $0x7D00  }
0x43: {  	[sflag:s10] =	ssyncset.done $0x0  }
0x44: {  	s0 =	rddreg [dreg:$0xb];
	[sflag:s10] =	ssyncadd.s32 $0xFFFF8300  }
0x45: {  	[tilespmem:s9], [sflag:$0x1] =	stream.indirect.gather [hbm4b:s2+s6], $0x40, s0, s6, $0xb8;
	[tilespmem:$0x1E500] =	vst v63  }
0x46: {  	_ =	swait.ge [sflag:s12], $0x7D00  }
0x47: {  	[sflag:s12] =	ssyncset.done $0x0  }
0x48: {  	s0 =	rddreg [dreg:$0xc];
	[sflag:s12] =	ssyncadd.s32 $0xFFFF8300  }
0x49: {  	[spmem:s3] =	stream.indirect.scatter.add.bf16 [tilespmem:s9], [sflag:$0x3], $0x40, s0, s6, $0xb8;
	[tilespmem:$0x1E500] =	vst v63  }
0x4a: {  	_ =	swait.ge [sflag:s8], $0x7D00  }
0x4b: {  	[sflag:s8] =	ssyncset.done $0x0  }
0x4c: {  	s0 =	rddreg [dreg:$0xd];
	[sflag:s8] =	ssyncadd.s32 $0xFFFF8300  }
0x4d: {  	[tilespmem:s7], [sflag:$0x2] =	stream.indirect.gather [hbm4b:s2+s6], $0x40, s0, s6, $0xb8;
	[tilespmem:$0x1E500] =	vst v63  }
0x4e: {  	_ =	swait.ge [sflag:s11], $0x7D00  }
0x4f: {  	[sflag:s11] =	ssyncset.done $0x0  }
0x50: {  	s0 =	rddreg [dreg:$0xe];
	[sflag:s11] =	ssyncadd.s32 $0xFFFF8300  }
0x51: {  	[spmem:s3] =	stream.indirect.scatter.add.bf16 [tilespmem:s7], [sflag:$0x4], $0x40, s0, s6, $0xb8;
	[tilespmem:$0x1E500] =	vst v63  }
0x52: {  	_ =	swait.ge [sflag:s10], $0x7D00  }
0x53: {  	[sflag:s10] =	ssyncset.done $0x0  }
0x54: {  	s0 =	rddreg [dreg:$0xf];
	[sflag:s10] =	ssyncadd.s32 $0xFFFF8300  }
0x55: {  	[tilespmem:s9], [sflag:$0x1] =	stream.indirect.gather [hbm4b:s2+s6], $0x40, s0, s6, $0xb8;
	[tilespmem:$0x1E500] =	vst v63  }
0x56: {  	_ =	swait.ge [sflag:s12], $0x7D00  }
0x57: {  	[sflag:s12] =	ssyncset.done $0x0  }
0x58: {  	s0 =	rddreg [dreg:$0x10];
	[sflag:s12] =	ssyncadd.s32 $0xFFFF8300  }
0x59: {  	[spmem:s3] =	stream.indirect.scatter.add.bf16 [tilespmem:s9], [sflag:$0x3], $0x40, s0, s6, $0xb8;
	[tilespmem:$0x1E500] =	vst v63  }
0x5a: {  	_ =	swait.ge [sflag:s8], $0x7D00  }
0x5b: {  	[sflag:s8] =	ssyncset.done $0x0  }
0x5c: {  	s0 =	rddreg [dreg:$0x11];
	[sflag:s8] =	ssyncadd.s32 $0xFFFF8300  }
0x5d: {  	[tilespmem:s7], [sflag:$0x2] =	stream.indirect.gather [hbm4b:s2+s6], $0x40, s0, s6, $0xb8;
	[tilespmem:$0x1E500] =	vst v63  }
0x5e: {  	_ =	swait.ge [sflag:s11], $0x7D00  }
0x5f: {  	[sflag:s11] =	ssyncset.done $0x0  }
0x60: {  	s0 =	rddreg [dreg:$0x12];
	[sflag:s11] =	ssyncadd.s32 $0xFFFF8300  }
0x61: {  	[spmem:s3] =	stream.indirect.scatter.add.bf16 [tilespmem:s7], [sflag:$0x4], $0x40, s0, s6, $0xb8;
	[tilespmem:$0x1E500] =	vst v63  }
0x62: {  	_ =	swait.ge [sflag:s10], $0x7D00  }
0x63: {  	[sflag:s10] =	ssyncset.done $0x0  }
0x64: {  	s0 =	rddreg [dreg:$0x13];
	[sflag:s10] =	ssyncadd.s32 $0xFFFF8300  }
0x65: {  	[tilespmem:s9], [sflag:$0x1] =	stream.indirect.gather [hbm4b:s2+s6], $0x40, s0, s6, $0xb8;
	[tilespmem:$0x1E500] =	vst v63  }
0x66: {  	_ =	swait.ge [sflag:s12], $0x7D00  }
0x67: {  	[sflag:s12] =	ssyncset.done $0x0  }
0x68: {  	s0 =	rddreg [dreg:$0x14];
	[sflag:s12] =	ssyncadd.s32 $0xFFFF8300  }
0x69: {  	[spmem:s3] =	stream.indirect.scatter.add.bf16 [tilespmem:s9], [sflag:$0x3], $0x40, s0, s6, $0xb8;
	[tilespmem:$0x1E500] =	vst v63  }
0x6a: {  	_ =	swait.ge [sflag:s8], $0x7D00  }
0x6b: {  	[sflag:s8] =	ssyncset.done $0x0  }
0x6c: {  	s0 =	rddreg [dreg:$0x15];
	[sflag:s8] =	ssyncadd.s32 $0xFFFF8300  }
0x6d: {  	[tilespmem:s7], [sflag:$0x2] =	stream.indirect.gather [hbm4b:s2+s6], $0x40, s0, s6, $0xb8;
	[tilespmem:$0x1E500] =	vst v63  }
0x6e: {  	_ =	swait.ge [sflag:s11], $0x7D00  }
0x6f: {  	[sflag:s11] =	ssyncset.done $0x0  }
0x70: {  	s0 =	rddreg [dreg:$0x16];
	[sflag:s11] =	ssyncadd.s32 $0xFFFF8300  }
0x71: {  	[spmem:s3] =	stream.indirect.scatter.add.bf16 [tilespmem:s7], [sflag:$0x4], $0x40, s0, s6, $0xb8;
	[tilespmem:$0x1E500] =	vst v63  }
0x72: {  	_ =	swait.ge [sflag:s10], $0x7D00  }
0x73: {  	[sflag:s10] =	ssyncset.done $0x0  }
0x74: {  	s0 =	rddreg [dreg:$0x17];
	[sflag:s10] =	ssyncadd.s32 $0xFFFF8300  }
0x75: {  	[tilespmem:s9], [sflag:$0x1] =	stream.indirect.gather [hbm4b:s2+s6], $0x40, s0, s6, $0xb8;
	[tilespmem:$0x1E500] =	vst v63  }
0x76: {  	_ =	swait.ge [sflag:s12], $0x7D00  }
0x77: {  	[sflag:s12] =	ssyncset.done $0x0  }
0x78: {  	s0 =	rddreg [dreg:$0x18];
	[sflag:s12] =	ssyncadd.s32 $0xFFFF8300  }
0x79: {  	[spmem:s3] =	stream.indirect.scatter.add.bf16 [tilespmem:s9], [sflag:$0x3], $0x40, s0, s6, $0xb8;
	[tilespmem:$0x1E500] =	vst v63  }
0x7a: {  	_ =	swait.ge [sflag:s8], $0x7D00  }
0x7b: {  	[sflag:s8] =	ssyncset.done $0x0  }
0x7c: {  	s0 =	rddreg [dreg:$0x19];
	[sflag:s8] =	ssyncadd.s32 $0xFFFF8300  }
0x7d: {  	[tilespmem:s7], [sflag:$0x2] =	stream.indirect.gather [hbm4b:s2+s6], $0x40, s0, s6, $0xb8;
	[tilespmem:$0x1E500] =	vst v63  }
0x7e: {  	_ =	swait.ge [sflag:s11], $0x7D00  }
0x7f: {  	[sflag:s11] =	ssyncset.done $0x0  }
0x80: {  	s0 =	rddreg [dreg:$0x1a];
	[sflag:s11] =	ssyncadd.s32 $0xFFFF8300  }
0x81: {  	[spmem:s3] =	stream.indirect.scatter.add.bf16 [tilespmem:s7], [sflag:$0x4], $0x40, s0, s6, $0xb8;
	[tilespmem:$0x1E500] =	vst v63  }
0x82: {  	_ =	swait.ge [sflag:s10], $0x7D00  }
0x83: {  	[sflag:s10] =	ssyncset.done $0x0  }
0x84: {  	s0 =	rddreg [dreg:$0x1b];
	[sflag:s10] =	ssyncadd.s32 $0xFFFF8300  }
0x85: {  	[tilespmem:s9], [sflag:$0x1] =	stream.indirect.gather [hbm4b:s2+s6], $0x40, s0, s6, $0xb8;
	[tilespmem:$0x1E500] =	vst v63  }
0x86: {  	_ =	swait.ge [sflag:s12], $0x7D00  }
0x87: {  	[sflag:s12] =	ssyncset.done $0x0  }
0x88: {  	s0 =	rddreg [dreg:$0x1c];
	[sflag:s12] =	ssyncadd.s32 $0xFFFF8300  }
0x89: {  	[spmem:s3] =	stream.indirect.scatter.add.bf16 [tilespmem:s9], [sflag:$0x3], $0x40, s0, s6, $0xb8;
	[tilespmem:$0x1E500] =	vst v63  }
0x8a: {  	_ =	swait.ge [sflag:s8], $0x7D00  }
0x8b: {  	[sflag:s8] =	ssyncset.done $0x0  }
0x8c: {  	s0 =	rddreg [dreg:$0x1d];
	[sflag:s8] =	ssyncadd.s32 $0xFFFF8300  }
0x8d: {  	[tilespmem:s7], [sflag:$0x2] =	stream.indirect.gather [hbm4b:s2+s6], $0x40, s0, s6, $0xb8;
	[tilespmem:$0x1E500] =	vst v63  }
0x8e: {  	_ =	swait.ge [sflag:s11], $0x7D00  }
0x8f: {  	[sflag:s11] =	ssyncset.done $0x0  }
0x90: {  	s0 =	rddreg [dreg:$0x1e];
	[sflag:s11] =	ssyncadd.s32 $0xFFFF8300  }
0x91: {  	[spmem:s3] =	stream.indirect.scatter.add.bf16 [tilespmem:s7], [sflag:$0x4], $0x40, s0, s6, $0xb8;
	[tilespmem:$0x1E500] =	vst v63  }
0x92: {  	_ =	swait.ge [sflag:s10], $0x7D00  }
0x93: {  	[sflag:s10] =	ssyncset.done $0x0  }
0x94: {  	s0 =	rddreg [dreg:$0x1f];
	[sflag:s10] =	ssyncadd.s32 $0xFFFF8300  }
0x95: {  	[tilespmem:s9], [sflag:$0x1] =	stream.indirect.gather [hbm4b:s2+s6], $0x40, s0, s6, $0xb8;
	[tilespmem:$0x1E500] =	vst v63  }
0x96: {  	_ =	swait.ge [sflag:s12], $0x7D00  }
0x97: {  	s0 =	sld [smem:$0x7FD]  }
0x98: {  	[sflag:s12] =	ssyncset.done $0x0  }
0x99: {  	[sflag:s12] =	ssyncadd.s32 $0xFFFF8300  }
0x9a: {  	[spmem:s3] =	stream.indirect.scatter.add.bf16 [tilespmem:s9], [sflag:$0x3], $0x40, s0, s6, $0xb8;
	[tilespmem:$0x1E500] =	vst v63  }
0x9b: {  	_ =	swait.ge [sflag:s8], $0x7D00  }
0x9c: {  	[sflag:s8] =	ssyncset.done $0x0  }
0x9d: {  	[sflag:s8] =	ssyncadd.s32 $0xFFFF8300  }
0x9e: {  	[tilespmem:s7], [sflag:$0x2] =	stream.indirect.gather [hbm4b:s2+s6], $0x40, s26, s6, $0xb8;
	[tilespmem:$0x1E500] =	vst v63  }
0x9f: {  	_ =	swait.ge [sflag:s11], $0x7D00  }
0xa0: {  	[sflag:s11] =	ssyncset.done $0x0  }
0xa1: {  	[sflag:s11] =	ssyncadd.s32 $0xFFFF8300  }
0xa2: {  	[spmem:s3] =	stream.indirect.scatter.add.bf16 [tilespmem:s7], [sflag:$0x4], $0x40, s25, s6, $0xb8;
	[tilespmem:$0x1E500] =	vst v63  }
0xa3: {  	_ =	swait.ge [sflag:s10], $0x7D00  }
0xa4: {  	[sflag:s10] =	ssyncset.done $0x0  }
0xa5: {  	[sflag:s10] =	ssyncadd.s32 $0xFFFF8300  }
0xa6: {  	[tilespmem:s9], [sflag:$0x1] =	stream.indirect.gather [hbm4b:s2+s6], $0x40, s24, s6, $0xb8;
	[tilespmem:$0x1E500] =	vst v63  }
0xa7: {  	_ =	swait.ge [sflag:s12], $0x7D00  }
0xa8: {  	[sflag:s12] =	ssyncset.done $0x0  }
0xa9: {  	[sflag:s12] =	ssyncadd.s32 $0xFFFF8300  }
0xaa: {  	[spmem:s3] =	stream.indirect.scatter.add.bf16 [tilespmem:s9], [sflag:$0x3], $0x40, s23, s6, $0xb8;
	[tilespmem:$0x1E500] =	vst v63  }
0xab: {  	_ =	swait.ge [sflag:s8], $0x7D00  }
0xac: {  	[sflag:s8] =	ssyncset.done $0x0  }
0xad: {  	[sflag:s8] =	ssyncadd.s32 $0xFFFF8300  }
0xae: {  	[tilespmem:s7], [sflag:$0x2] =	stream.indirect.gather [hbm4b:s2+s6], $0x40, s22, s6, $0xb8;
	[tilespmem:$0x1E500] =	vst v63  }
0xaf: {  	_ =	swait.ge [sflag:s11], $0x7D00  }
0xb0: {  	[sflag:s11] =	ssyncset.done $0x0  }
0xb1: {  	[sflag:s11] =	ssyncadd.s32 $0xFFFF8300  }
0xb2: {  	[spmem:s3] =	stream.indirect.scatter.add.bf16 [tilespmem:s7], [sflag:$0x4], $0x40, s21, s6, $0xb8;
	[tilespmem:$0x1E500] =	vst v63  }
0xb3: {  	_ =	swait.ge [sflag:s10], $0x7D00  }
0xb4: {  	[sflag:s10] =	ssyncset.done $0x0  }
0xb5: {  	[sflag:s10] =	ssyncadd.s32 $0xFFFF8300  }
0xb6: {  	[tilespmem:s9], [sflag:$0x1] =	stream.indirect.gather [hbm4b:s2+s6], $0x40, s20, s6, $0xb8;
	[tilespmem:$0x1E500] =	vst v63  }
0xb7: {  	_ =	swait.ge [sflag:s12], $0x7D00  }
0xb8: {  	[sflag:s12] =	ssyncset.done $0x0  }
0xb9: {  	[sflag:s12] =	ssyncadd.s32 $0xFFFF8300  }
0xba: {  	[spmem:s3] =	stream.indirect.scatter.add.bf16 [tilespmem:s9], [sflag:$0x3], $0x40, s19, s6, $0xb8;
	[tilespmem:$0x1E500] =	vst v63  }
0xbb: {  	_ =	swait.ge [sflag:s8], $0x7D00  }
0xbc: {  	[sflag:s8] =	ssyncset.done $0x0  }
0xbd: {  	[sflag:s8] =	ssyncadd.s32 $0xFFFF8300  }
0xbe: {  	[tilespmem:s7], [sflag:$0x2] =	stream.indirect.gather [hbm4b:s2+s6], $0x40, s18, s6, $0xb8;
	[tilespmem:$0x1E500] =	vst v63  }
0xbf: {  	_ =	swait.ge [sflag:s11], $0x7D00  }
0xc0: {  	[sflag:s11] =	ssyncset.done $0x0  }
0xc1: {  	[sflag:s11] =	ssyncadd.s32 $0xFFFF8300  }
0xc2: {  	[spmem:s3] =	stream.indirect.scatter.add.bf16 [tilespmem:s7], [sflag:$0x4], $0x40, s17, s6, $0xb8;
	[tilespmem:$0x1E500] =	vst v63  }
0xc3: {  	_ =	swait.ge [sflag:s10], $0x7D00  }
0xc4: {  	[sflag:s10] =	ssyncset.done $0x0  }
0xc5: {  	[sflag:s10] =	ssyncadd.s32 $0xFFFF8300  }
0xc6: {  	[tilespmem:s9], [sflag:$0x1] =	stream.indirect.gather [hbm4b:s2+s6], $0x40, s16, s6, $0xb8;
	[tilespmem:$0x1E500] =	vst v63  }
0xc7: {  	_ =	swait.ge [sflag:s12], $0x7D00  }
0xc8: {  	[sflag:s12] =	ssyncset.done $0x0  }
0xc9: {  	[sflag:s12] =	ssyncadd.s32 $0xFFFF8300  }
0xca: {  	[spmem:s3] =	stream.indirect.scatter.add.bf16 [tilespmem:s9], [sflag:$0x3], $0x40, s15, s6, $0xb8;
	[tilespmem:$0x1E500] =	vst v63  }
0xcb: {  	_ =	swait.ge [sflag:s8], $0x7D00  }
0xcc: {  	[sflag:s8] =	ssyncset.done $0x0  }
0xcd: {  	[sflag:s8] =	ssyncadd.s32 $0xFFFF8300  }
0xce: {  	[tilespmem:s7], [sflag:$0x2] =	stream.indirect.gather [hbm4b:s2+s6], $0x40, s14, s6, $0xb8;
	[tilespmem:$0x1E500] =	vst v63  }
0xcf: {  	_ =	swait.ge [sflag:s11], $0x7D00  }
0xd0: {  	[sflag:s11] =	ssyncset.done $0x0  }
0xd1: {  	[sflag:s11] =	ssyncadd.s32 $0xFFFF8300  }
0xd2: {  	[spmem:s3] =	stream.indirect.scatter.add.bf16 [tilespmem:s7], [sflag:$0x4], $0x40, s13, s6, $0xb8;
	[tilespmem:$0x1E500] =	vst v63  }
0xd3: {  	_ =	swait.ge [sflag:s10], $0x7D00  }
0xd4: {  	[sflag:s10] =	ssyncset.done $0x0  }
0xd5: {  	[sflag:s10] =	ssyncadd.s32 $0xFFFF8300  }
0xd6: {  	_ =	swait.ge [sflag:s8], $0x7D00  }
0xd7: {  	s1 =	sadd.s32 $0xFFFFFFFF, s1;
	[sflag:s8] =	ssyncset.done $0x0  }
0xd8: {  	p2 =	sne.s32 s1, $0x0;
	[sflag:s8] =	ssyncadd.s32 $0xFFFF8300  }
.Ltmp1:
0xd9: {  	[bflag:$0x0] =	sbarrier.arrive $0xFFFF;
	(pc) =	sbr.rel @!p2 .LBB2_4-.Ltmp1, $4  }
0xda: {  	s0 =	rddreg [dreg:$0x8]  }
0xdb: {  	[hbm:s0], [sflag:s4] =	dma.local @!p0 [spmem:s5], $0x1F40  }
0xdc: {  	_ =	swait.ge @!p0 [sflag:s31], $0x1F40  }
0xdd: {  	p1 =	por $0x1, $0x1;
	s0 =	rddreg [dreg:$0x5];
	[sflag:s31] =	ssyncset.done @!p0 $0x0  }
.LBB2_3:
0xde: {  	[sflag:s31] =	ssyncadd.s32 @!p0 $0xFFFFE0C0  }
0xdf: {  	[spmem:s5], [sflag:s4] =	dma.local @!p0 [hbm:s0], $0x1F40  }
0xe0: {  	_ =	swait.ge @!p0 [sflag:s31], $0x1F40  }
0xe1: {  	[sflag:s31] =	ssyncset.done @!p0 $0x0  }
0xe2: {  	s0 =	rddreg [dreg:$0x6];
	[sflag:s31] =	ssyncadd.s32 @!p0 $0xFFFFE0C0  }
0xe3: {  	[tilespmem:s28], [sflag:$0x5] =	stream.linear.gather [hbm4b:s0+s28], $0x2760, $0x38;
	[tilespmem:$0x1E500] =	vst v63  }
0xe4: {  	_ =	swait.ge [sflag:s30], $0x2760  }
0xe5: {  	[sflag:s30] =	ssyncset.done $0x0  }
0xe6: {  	s0 =	rddreg [dreg:$0x7];
	[sflag:s30] =	ssyncadd.s32 $0xFFFFD8A0  }
0xe7: {  	[tilespmem:s29], [sflag:$0x5] =	stream.linear.gather [hbm4b:s0+s28], $0x2760, $0x38;
	[tilespmem:$0x1E500] =	vst v63  }
0xe8: {  	_ =	swait.ge [sflag:s30], $0x2760  }
0xe9: {  	[sflag:s30] =	ssyncset.done $0x0  }
0xea: {  	[sflag:s30] =	ssyncadd.s32 $0xFFFFD8A0  }
0xeb: {  	[bflag:$0x0] =	sbarrier.arrive $0xFFFF  }
0xec: {  	[tilespmem:s9], [sflag:$0x1] =	stream.indirect.gather [hbm4b:s2+s6], $0x40, s28, s6, $0xb8;
	[tilespmem:$0x1E500] =	vst v63  }
0xed: {  	_ =	swait.ge [sflag:s12], $0x7D00  }
0xee: {  	[sflag:s12] =	ssyncset.done $0x0  }
0xef: {  	[sflag:s12] =	ssyncadd.s32 $0xFFFF8300  }
0xf0: {  	[spmem:s3] =	stream.indirect.scatter.add.bf16 [tilespmem:s9], [sflag:$0x3], $0x40, s29, s6, $0xb8;
	[tilespmem:$0x1E500] =	vst v63  }
0xf1: {  	s0 =	rddreg [dreg:$0x9]  }
0xf2: {  	[tilespmem:s7], [sflag:$0x2] =	stream.indirect.gather [hbm4b:s2+s6], $0x40, s0, s6, $0xb8;
	[tilespmem:$0x1E500] =	vst v63  }
0xf3: {  	_ =	swait.ge [sflag:s11], $0x7D00  }
0xf4: {  	[sflag:s11] =	ssyncset.done $0x0  }
0xf5: {  	s0 =	rddreg [dreg:$0xa];
	[sflag:s11] =	ssyncadd.s32 $0xFFFF8300  }
0xf6: {  	[spmem:s3] =	stream.indirect.scatter.add.bf16 [tilespmem:s7], [sflag:$0x4], $0x40, s0, s6, $0xb8;
	[tilespmem:$0x1E500] =	vst v63  }
0xf7: {  	_ =	swait.ge [sflag:s10], $0x7D00  }
0xf8: {  	[sflag:s10] =	ssyncset.done $0x0  }
0xf9: {  	s0 =	rddreg [dreg:$0xb];
	[sflag:s10] =	ssyncadd.s32 $0xFFFF8300  }
0xfa: {  	[tilespmem:s9], [sflag:$0x1] =	stream.indirect.gather [hbm4b:s2+s6], $0x40, s0, s6, $0xb8;
	[tilespmem:$0x1E500] =	vst v63  }
0xfb: {  	_ =	swait.ge [sflag:s12], $0x7D00  }
0xfc: {  	[sflag:s12] =	ssyncset.done $0x0  }
0xfd: {  	s0 =	rddreg [dreg:$0xc];
	[sflag:s12] =	ssyncadd.s32 $0xFFFF8300  }
0xfe: {  	[spmem:s3] =	stream.indirect.scatter.add.bf16 [tilespmem:s9], [sflag:$0x3], $0x40, s0, s6, $0xb8;
	[tilespmem:$0x1E500] =	vst v63  }
0xff: {  	_ =	swait.ge [sflag:s8], $0x7D00  }
0x100: {  	[sflag:s8] =	ssyncset.done $0x0  }
0x101: {  	s0 =	rddreg [dreg:$0xd];
	[sflag:s8] =	ssyncadd.s32 $0xFFFF8300  }
0x102: {  	[tilespmem:s7], [sflag:$0x2] =	stream.indirect.gather [hbm4b:s2+s6], $0x40, s0, s6, $0xb8;
	[tilespmem:$0x1E500] =	vst v63  }
0x103: {  	_ =	swait.ge [sflag:s11], $0x7D00  }
0x104: {  	[sflag:s11] =	ssyncset.done $0x0  }
0x105: {  	s0 =	rddreg [dreg:$0xe];
	[sflag:s11] =	ssyncadd.s32 $0xFFFF8300  }
0x106: {  	[spmem:s3] =	stream.indirect.scatter.add.bf16 [tilespmem:s7], [sflag:$0x4], $0x40, s0, s6, $0xb8;
	[tilespmem:$0x1E500] =	vst v63  }
0x107: {  	_ =	swait.ge [sflag:s10], $0x7D00  }
0x108: {  	[sflag:s10] =	ssyncset.done $0x0  }
0x109: {  	s0 =	rddreg [dreg:$0xf];
	[sflag:s10] =	ssyncadd.s32 $0xFFFF8300  }
0x10a: {  	[tilespmem:s9], [sflag:$0x1] =	stream.indirect.gather [hbm4b:s2+s6], $0x40, s0, s6, $0xb8;
	[tilespmem:$0x1E500] =	vst v63  }
0x10b: {  	_ =	swait.ge [sflag:s12], $0x7D00  }
0x10c: {  	[sflag:s12] =	ssyncset.done $0x0  }
0x10d: {  	s0 =	rddreg [dreg:$0x10];
	[sflag:s12] =	ssyncadd.s32 $0xFFFF8300  }
0x10e: {  	[spmem:s3] =	stream.indirect.scatter.add.bf16 [tilespmem:s9], [sflag:$0x3], $0x40, s0, s6, $0xb8;
	[tilespmem:$0x1E500] =	vst v63  }
0x10f: {  	_ =	swait.ge [sflag:s8], $0x7D00  }
0x110: {  	[sflag:s8] =	ssyncset.done $0x0  }
0x111: {  	s0 =	rddreg [dreg:$0x11];
	[sflag:s8] =	ssyncadd.s32 $0xFFFF8300  }
0x112: {  	[tilespmem:s7], [sflag:$0x2] =	stream.indirect.gather [hbm4b:s2+s6], $0x40, s0, s6, $0xb8;
	[tilespmem:$0x1E500] =	vst v63  }
0x113: {  	_ =	swait.ge [sflag:s11], $0x7D00  }
0x114: {  	[sflag:s11] =	ssyncset.done $0x0  }
0x115: {  	s0 =	rddreg [dreg:$0x12];
	[sflag:s11] =	ssyncadd.s32 $0xFFFF8300  }
0x116: {  	[spmem:s3] =	stream.indirect.scatter.add.bf16 [tilespmem:s7], [sflag:$0x4], $0x40, s0, s6, $0xb8;
	[tilespmem:$0x1E500] =	vst v63  }
0x117: {  	_ =	swait.ge [sflag:s10], $0x7D00  }
0x118: {  	[sflag:s10] =	ssyncset.done $0x0  }
0x119: {  	s0 =	rddreg [dreg:$0x13];
	[sflag:s10] =	ssyncadd.s32 $0xFFFF8300  }
0x11a: {  	[tilespmem:s9], [sflag:$0x1] =	stream.indirect.gather [hbm4b:s2+s6], $0x40, s0, s6, $0xb8;
	[tilespmem:$0x1E500] =	vst v63  }
0x11b: {  	_ =	swait.ge [sflag:s12], $0x7D00  }
0x11c: {  	[sflag:s12] =	ssyncset.done $0x0  }
0x11d: {  	s0 =	rddreg [dreg:$0x14];
	[sflag:s12] =	ssyncadd.s32 $0xFFFF8300  }
0x11e: {  	[spmem:s3] =	stream.indirect.scatter.add.bf16 [tilespmem:s9], [sflag:$0x3], $0x40, s0, s6, $0xb8;
	[tilespmem:$0x1E500] =	vst v63  }
0x11f: {  	_ =	swait.ge [sflag:s8], $0x7D00  }
0x120: {  	[sflag:s8] =	ssyncset.done $0x0  }
0x121: {  	s0 =	rddreg [dreg:$0x15];
	[sflag:s8] =	ssyncadd.s32 $0xFFFF8300  }
0x122: {  	[tilespmem:s7], [sflag:$0x2] =	stream.indirect.gather [hbm4b:s2+s6], $0x40, s0, s6, $0xb8;
	[tilespmem:$0x1E500] =	vst v63  }
0x123: {  	_ =	swait.ge [sflag:s11], $0x7D00  }
0x124: {  	[sflag:s11] =	ssyncset.done $0x0  }
0x125: {  	s0 =	rddreg [dreg:$0x16];
	[sflag:s11] =	ssyncadd.s32 $0xFFFF8300  }
0x126: {  	[spmem:s3] =	stream.indirect.scatter.add.bf16 [tilespmem:s7], [sflag:$0x4], $0x40, s0, s6, $0xb8;
	[tilespmem:$0x1E500] =	vst v63  }
0x127: {  	_ =	swait.ge [sflag:s10], $0x7D00  }
0x128: {  	[sflag:s10] =	ssyncset.done $0x0  }
0x129: {  	s0 =	rddreg [dreg:$0x17];
	[sflag:s10] =	ssyncadd.s32 $0xFFFF8300  }
0x12a: {  	[tilespmem:s9], [sflag:$0x1] =	stream.indirect.gather [hbm4b:s2+s6], $0x40, s0, s6, $0xb8;
	[tilespmem:$0x1E500] =	vst v63  }
0x12b: {  	_ =	swait.ge [sflag:s12], $0x7D00  }
0x12c: {  	[sflag:s12] =	ssyncset.done $0x0  }
0x12d: {  	s0 =	rddreg [dreg:$0x18];
	[sflag:s12] =	ssyncadd.s32 $0xFFFF8300  }
0x12e: {  	[spmem:s3] =	stream.indirect.scatter.add.bf16 [tilespmem:s9], [sflag:$0x3], $0x40, s0, s6, $0xb8;
	[tilespmem:$0x1E500] =	vst v63  }
0x12f: {  	_ =	swait.ge [sflag:s8], $0x7D00  }
0x130: {  	[sflag:s8] =	ssyncset.done $0x0  }
0x131: {  	s0 =	rddreg [dreg:$0x19];
	[sflag:s8] =	ssyncadd.s32 $0xFFFF8300  }
0x132: {  	[tilespmem:s7], [sflag:$0x2] =	stream.indirect.gather [hbm4b:s2+s6], $0x40, s0, s6, $0xb8;
	[tilespmem:$0x1E500] =	vst v63  }
0x133: {  	_ =	swait.ge [sflag:s11], $0x7D00  }
0x134: {  	[sflag:s11] =	ssyncset.done $0x0  }
0x135: {  	s0 =	rddreg [dreg:$0x1a];
	[sflag:s11] =	ssyncadd.s32 $0xFFFF8300  }
0x136: {  	[spmem:s3] =	stream.indirect.scatter.add.bf16 [tilespmem:s7], [sflag:$0x4], $0x40, s0, s6, $0xb8;
	[tilespmem:$0x1E500] =	vst v63  }
0x137: {  	_ =	swait.ge [sflag:s10], $0x7D00  }
0x138: {  	[sflag:s10] =	ssyncset.done $0x0  }
0x139: {  	s0 =	rddreg [dreg:$0x1b];
	[sflag:s10] =	ssyncadd.s32 $0xFFFF8300  }
0x13a: {  	[tilespmem:s9], [sflag:$0x1] =	stream.indirect.gather [hbm4b:s2+s6], $0x40, s0, s6, $0xb8;
	[tilespmem:$0x1E500] =	vst v63  }
0x13b: {  	_ =	swait.ge [sflag:s12], $0x7D00  }
0x13c: {  	[sflag:s12] =	ssyncset.done $0x0  }
0x13d: {  	s0 =	rddreg [dreg:$0x1c];
	[sflag:s12] =	ssyncadd.s32 $0xFFFF8300  }
0x13e: {  	[spmem:s3] =	stream.indirect.scatter.add.bf16 [tilespmem:s9], [sflag:$0x3], $0x40, s0, s6, $0xb8;
	[tilespmem:$0x1E500] =	vst v63  }
0x13f: {  	_ =	swait.ge [sflag:s8], $0x7D00  }
0x140: {  	[sflag:s8] =	ssyncset.done $0x0  }
0x141: {  	s0 =	rddreg [dreg:$0x1d];
	[sflag:s8] =	ssyncadd.s32 $0xFFFF8300  }
0x142: {  	[tilespmem:s7], [sflag:$0x2] =	stream.indirect.gather [hbm4b:s2+s6], $0x40, s0, s6, $0xb8;
	[tilespmem:$0x1E500] =	vst v63  }
0x143: {  	_ =	swait.ge [sflag:s11], $0x7D00  }
0x144: {  	[sflag:s11] =	ssyncset.done $0x0  }
0x145: {  	s0 =	rddreg [dreg:$0x1e];
	[sflag:s11] =	ssyncadd.s32 $0xFFFF8300  }
0x146: {  	[spmem:s3] =	stream.indirect.scatter.add.bf16 [tilespmem:s7], [sflag:$0x4], $0x40, s0, s6, $0xb8;
	[tilespmem:$0x1E500] =	vst v63  }
0x147: {  	_ =	swait.ge [sflag:s10], $0x7D00  }
0x148: {  	[sflag:s10] =	ssyncset.done $0x0  }
0x149: {  	s0 =	rddreg [dreg:$0x1f];
	[sflag:s10] =	ssyncadd.s32 $0xFFFF8300  }
0x14a: {  	[tilespmem:s9], [sflag:$0x1] =	stream.indirect.gather [hbm4b:s2+s6], $0x40, s0, s6, $0xb8;
	[tilespmem:$0x1E500] =	vst v63  }
0x14b: {  	_ =	swait.ge [sflag:s12], $0x7D00  }
0x14c: {  	s0 =	sld [smem:$0x7FD]  }
0x14d: {  	[sflag:s12] =	ssyncset.done $0x0  }
0x14e: {  	[sflag:s12] =	ssyncadd.s32 $0xFFFF8300  }
0x14f: {  	[spmem:s3] =	stream.indirect.scatter.add.bf16 [tilespmem:s9], [sflag:$0x3], $0x40, s0, s6, $0xb8;
	[tilespmem:$0x1E500] =	vst v63  }
0x150: {  	_ =	swait.ge [sflag:s8], $0x7D00  }
0x151: {  	[sflag:s8] =	ssyncset.done $0x0  }
0x152: {  	[sflag:s8] =	ssyncadd.s32 $0xFFFF8300  }
0x153: {  	[tilespmem:s7], [sflag:$0x2] =	stream.indirect.gather [hbm4b:s2+s6], $0x40, s26, s6, $0xb8;
	[tilespmem:$0x1E500] =	vst v63  }
0x154: {  	_ =	swait.ge [sflag:s11], $0x7D00  }
0x155: {  	[sflag:s11] =	ssyncset.done $0x0  }
0x156: {  	[sflag:s11] =	ssyncadd.s32 $0xFFFF8300  }
0x157: {  	[spmem:s3] =	stream.indirect.scatter.add.bf16 [tilespmem:s7], [sflag:$0x4], $0x40, s25, s6, $0xb8;
	[tilespmem:$0x1E500] =	vst v63  }
0x158: {  	_ =	swait.ge [sflag:s10], $0x7D00  }
0x159: {  	[sflag:s10] =	ssyncset.done $0x0  }
0x15a: {  	[sflag:s10] =	ssyncadd.s32 $0xFFFF8300  }
0x15b: {  	[tilespmem:s9], [sflag:$0x1] =	stream.indirect.gather [hbm4b:s2+s6], $0x40, s24, s6, $0xb8;
	[tilespmem:$0x1E500] =	vst v63  }
0x15c: {  	_ =	swait.ge [sflag:s12], $0x7D00  }
0x15d: {  	[sflag:s12] =	ssyncset.done $0x0  }
0x15e: {  	[sflag:s12] =	ssyncadd.s32 $0xFFFF8300  }
0x15f: {  	[spmem:s3] =	stream.indirect.scatter.add.bf16 [tilespmem:s9], [sflag:$0x3], $0x40, s23, s6, $0xb8;
	[tilespmem:$0x1E500] =	vst v63  }
0x160: {  	_ =	swait.ge [sflag:s8], $0x7D00  }
0x161: {  	[sflag:s8] =	ssyncset.done $0x0  }
0x162: {  	[sflag:s8] =	ssyncadd.s32 $0xFFFF8300  }
0x163: {  	[tilespmem:s7], [sflag:$0x2] =	stream.indirect.gather [hbm4b:s2+s6], $0x40, s22, s6, $0xb8;
	[tilespmem:$0x1E500] =	vst v63  }
0x164: {  	_ =	swait.ge [sflag:s11], $0x7D00  }
0x165: {  	[sflag:s11] =	ssyncset.done $0x0  }
0x166: {  	[sflag:s11] =	ssyncadd.s32 $0xFFFF8300  }
0x167: {  	[spmem:s3] =	stream.indirect.scatter.add.bf16 [tilespmem:s7], [sflag:$0x4], $0x40, s21, s6, $0xb8;
	[tilespmem:$0x1E500] =	vst v63  }
0x168: {  	_ =	swait.ge [sflag:s10], $0x7D00  }
0x169: {  	[sflag:s10] =	ssyncset.done $0x0  }
0x16a: {  	[sflag:s10] =	ssyncadd.s32 $0xFFFF8300  }
0x16b: {  	[tilespmem:s9], [sflag:$0x1] =	stream.indirect.gather [hbm4b:s2+s6], $0x40, s20, s6, $0xb8;
	[tilespmem:$0x1E500] =	vst v63  }
0x16c: {  	_ =	swait.ge [sflag:s12], $0x7D00  }
0x16d: {  	[sflag:s12] =	ssyncset.done $0x0  }
0x16e: {  	[sflag:s12] =	ssyncadd.s32 $0xFFFF8300  }
0x16f: {  	[spmem:s3] =	stream.indirect.scatter.add.bf16 [tilespmem:s9], [sflag:$0x3], $0x40, s19, s6, $0xb8;
	[tilespmem:$0x1E500] =	vst v63  }
0x170: {  	_ =	swait.ge [sflag:s8], $0x7D00  }
0x171: {  	[sflag:s8] =	ssyncset.done $0x0  }
0x172: {  	[sflag:s8] =	ssyncadd.s32 $0xFFFF8300  }
0x173: {  	[tilespmem:s7], [sflag:$0x2] =	stream.indirect.gather [hbm4b:s2+s6], $0x40, s18, s6, $0xb8;
	[tilespmem:$0x1E500] =	vst v63  }
0x174: {  	_ =	swait.ge [sflag:s11], $0x7D00  }
0x175: {  	[sflag:s11] =	ssyncset.done $0x0  }
0x176: {  	[sflag:s11] =	ssyncadd.s32 $0xFFFF8300  }
0x177: {  	[spmem:s3] =	stream.indirect.scatter.add.bf16 [tilespmem:s7], [sflag:$0x4], $0x40, s17, s6, $0xb8;
	[tilespmem:$0x1E500] =	vst v63  }
0x178: {  	_ =	swait.ge [sflag:s10], $0x7D00  }
0x179: {  	[sflag:s10] =	ssyncset.done $0x0  }
0x17a: {  	[sflag:s10] =	ssyncadd.s32 $0xFFFF8300  }
0x17b: {  	[tilespmem:s9], [sflag:$0x1] =	stream.indirect.gather [hbm4b:s2+s6], $0x40, s16, s6, $0xb8;
	[tilespmem:$0x1E500] =	vst v63  }
0x17c: {  	_ =	swait.ge [sflag:s12], $0x7D00  }
0x17d: {  	[sflag:s12] =	ssyncset.done $0x0  }
0x17e: {  	[sflag:s12] =	ssyncadd.s32 $0xFFFF8300  }
0x17f: {  	[spmem:s3] =	stream.indirect.scatter.add.bf16 [tilespmem:s9], [sflag:$0x3], $0x40, s15, s6, $0xb8;
	[tilespmem:$0x1E500] =	vst v63  }
0x180: {  	_ =	swait.ge [sflag:s8], $0x7D00  }
0x181: {  	[sflag:s8] =	ssyncset.done $0x0  }
0x182: {  	[sflag:s8] =	ssyncadd.s32 $0xFFFF8300  }
0x183: {  	[tilespmem:s7], [sflag:$0x2] =	stream.indirect.gather [hbm4b:s2+s6], $0x40, s14, s6, $0xb8;
	[tilespmem:$0x1E500] =	vst v63  }
0x184: {  	_ =	swait.ge [sflag:s11], $0x7D00  }
0x185: {  	[sflag:s11] =	ssyncset.done $0x0  }
0x186: {  	[sflag:s11] =	ssyncadd.s32 $0xFFFF8300  }
0x187: {  	[spmem:s3] =	stream.indirect.scatter.add.bf16 [tilespmem:s7], [sflag:$0x4], $0x40, s13, s6, $0xb8;
	[tilespmem:$0x1E500] =	vst v63  }
0x188: {  	_ =	swait.ge [sflag:s10], $0x7D00  }
0x189: {  	[sflag:s10] =	ssyncset.done $0x0  }
0x18a: {  	[sflag:s10] =	ssyncadd.s32 $0xFFFF8300  }
0x18b: {  	_ =	swait.ge [sflag:s8], $0x7D00  }
0x18c: {  	s1 =	sadd.s32 $0xFFFFFFFF, s1;
	[sflag:s8] =	ssyncset.done $0x0  }
0x18d: {  	p2 =	sne.s32 s1, $0x0;
	[sflag:s8] =	ssyncadd.s32 $0xFFFF8300  }
.Ltmp2:
0x18e: {  	[bflag:$0x0] =	sbarrier.arrive $0xFFFF;
	(pc) =	sbr.rel @p2 .LBB2_3-.Ltmp2, $4  }
0x18f: {  	s0 =	rddreg [dreg:$0x8]  }
0x190: {  	[hbm:s0], [sflag:s4] =	dma.local @!p0 [spmem:s5], $0x1F40  }
0x191: {  	_ =	swait.ge @!p0 [sflag:s31], $0x1F40  }
0x192: {  	s0 =	rddreg [dreg:$0x5];
	[sflag:s31] =	ssyncset.done @!p0 $0x0  }
.LBB2_4:
0x193: {  	p1 =	por p0, !p1  }
0x194: {  	s1 =	simm.s32 @!p0 $0x5;
	[sflag:s31] =	ssyncadd.s32 @!p1 $0xFFFFE0C0  }
0x195: {  	[spmem:s5], [sflag:s4] =	dma.local @!p0 [hbm:s0], $0x1F40  }
0x196: {  	_ =	swait.ge @!p0 [sflag:s1], $0x1F40  }
0x197: {  	[sflag:s1] =	ssyncset.done @!p0 $0x0  }
0x198: {  	s31 =	rddreg [dreg:$0x6];
	[sflag:s1] =	ssyncadd.s32 @!p0 $0xFFFFE0C0  }
0x199: {  	[tilespmem:s28], [sflag:$0x5] =	stream.linear.gather [hbm4b:s31+s28], $0x2760, $0x38;
	[tilespmem:$0x1E500] =	vst v63  }
0x19a: {  	_ =	swait.ge [sflag:s30], $0x2760  }
0x19b: {  	[sflag:s30] =	ssyncset.done $0x0  }
0x19c: {  	s31 =	rddreg [dreg:$0x7];
	[sflag:s30] =	ssyncadd.s32 $0xFFFFD8A0  }
0x19d: {  	[tilespmem:s29], [sflag:$0x5] =	stream.linear.gather [hbm4b:s31+s28], $0x2760, $0x38;
	[tilespmem:$0x1E500] =	vst v63  }
0x19e: {  	_ =	swait.ge [sflag:s30], $0x2760  }
0x19f: {  	[sflag:s30] =	ssyncset.done $0x0  }
0x1a0: {  	[sflag:s30] =	ssyncadd.s32 $0xFFFFD8A0  }
0x1a1: {  	[bflag:$0x0] =	sbarrier.arrive $0xFFFF  }
0x1a2: {  	[tilespmem:s9], [sflag:$0x1] =	stream.indirect.gather [hbm4b:s2+s6], $0x40, s28, s6, $0xb8;
	[tilespmem:$0x1E500] =	vst v63  }
0x1a3: {  	_ =	swait.ge [sflag:s12], $0x7D00  }
0x1a4: {  	[sflag:s12] =	ssyncset.done $0x0  }
0x1a5: {  	[sflag:s12] =	ssyncadd.s32 $0xFFFF8300  }
0x1a6: {  	[spmem:s3] =	stream.indirect.scatter.add.bf16 [tilespmem:s9], [sflag:$0x3], $0x40, s29, s6, $0xb8;
	[tilespmem:$0x1E500] =	vst v63  }
0x1a7: {  	s31 =	rddreg [dreg:$0x9]  }
0x1a8: {  	[tilespmem:s7], [sflag:$0x2] =	stream.indirect.gather [hbm4b:s2+s6], $0x40, s31, s6, $0xb8;
	[tilespmem:$0x1E500] =	vst v63  }
0x1a9: {  	_ =	swait.ge [sflag:s11], $0x7D00  }
0x1aa: {  	[sflag:s11] =	ssyncset.done $0x0  }
0x1ab: {  	s28 =	rddreg [dreg:$0xa];
	[sflag:s11] =	ssyncadd.s32 $0xFFFF8300  }
0x1ac: {  	[spmem:s3] =	stream.indirect.scatter.add.bf16 [tilespmem:s7], [sflag:$0x4], $0x40, s28, s6, $0xb8;
	[tilespmem:$0x1E500] =	vst v63  }
0x1ad: {  	_ =	swait.ge [sflag:s10], $0x7D00  }
0x1ae: {  	[sflag:s10] =	ssyncset.done $0x0  }
0x1af: {  	s29 =	rddreg [dreg:$0xb];
	[sflag:s10] =	ssyncadd.s32 $0xFFFF8300  }
0x1b0: {  	[tilespmem:s9], [sflag:$0x1] =	stream.indirect.gather [hbm4b:s2+s6], $0x40, s29, s6, $0xb8;
	[tilespmem:$0x1E500] =	vst v63  }
0x1b1: {  	_ =	swait.ge [sflag:s12], $0x7D00  }
0x1b2: {  	[sflag:s12] =	ssyncset.done $0x0  }
0x1b3: {  	s30 =	rddreg [dreg:$0xc];
	[sflag:s12] =	ssyncadd.s32 $0xFFFF8300  }
0x1b4: {  	[spmem:s3] =	stream.indirect.scatter.add.bf16 [tilespmem:s9], [sflag:$0x3], $0x40, s30, s6, $0xb8;
	[tilespmem:$0x1E500] =	vst v63  }
0x1b5: {  	_ =	swait.ge [sflag:s8], $0x7D00  }
0x1b6: {  	[sflag:s8] =	ssyncset.done $0x0  }
0x1b7: {  	s31 =	rddreg [dreg:$0xd];
	[sflag:s8] =	ssyncadd.s32 $0xFFFF8300  }
0x1b8: {  	[tilespmem:s7], [sflag:$0x2] =	stream.indirect.gather [hbm4b:s2+s6], $0x40, s31, s6, $0xb8;
	[tilespmem:$0x1E500] =	vst v63  }
0x1b9: {  	_ =	swait.ge [sflag:s11], $0x7D00  }
0x1ba: {  	[sflag:s11] =	ssyncset.done $0x0  }
0x1bb: {  	s28 =	rddreg [dreg:$0xe];
	[sflag:s11] =	ssyncadd.s32 $0xFFFF8300  }
0x1bc: {  	[spmem:s3] =	stream.indirect.scatter.add.bf16 [tilespmem:s7], [sflag:$0x4], $0x40, s28, s6, $0xb8;
	[tilespmem:$0x1E500] =	vst v63  }
0x1bd: {  	_ =	swait.ge [sflag:s10], $0x7D00  }
0x1be: {  	[sflag:s10] =	ssyncset.done $0x0  }
0x1bf: {  	s29 =	rddreg [dreg:$0xf];
	[sflag:s10] =	ssyncadd.s32 $0xFFFF8300  }
0x1c0: {  	[tilespmem:s9], [sflag:$0x1] =	stream.indirect.gather [hbm4b:s2+s6], $0x40, s29, s6, $0xb8;
	[tilespmem:$0x1E500] =	vst v63  }
0x1c1: {  	_ =	swait.ge [sflag:s12], $0x7D00  }
0x1c2: {  	[sflag:s12] =	ssyncset.done $0x0  }
0x1c3: {  	s30 =	rddreg [dreg:$0x10];
	[sflag:s12] =	ssyncadd.s32 $0xFFFF8300  }
0x1c4: {  	[spmem:s3] =	stream.indirect.scatter.add.bf16 [tilespmem:s9], [sflag:$0x3], $0x40, s30, s6, $0xb8;
	[tilespmem:$0x1E500] =	vst v63  }
0x1c5: {  	_ =	swait.ge [sflag:s8], $0x7D00  }
0x1c6: {  	[sflag:s8] =	ssyncset.done $0x0  }
0x1c7: {  	s31 =	rddreg [dreg:$0x11];
	[sflag:s8] =	ssyncadd.s32 $0xFFFF8300  }
0x1c8: {  	[tilespmem:s7], [sflag:$0x2] =	stream.indirect.gather [hbm4b:s2+s6], $0x40, s31, s6, $0xb8;
	[tilespmem:$0x1E500] =	vst v63  }
0x1c9: {  	_ =	swait.ge [sflag:s11], $0x7D00  }
0x1ca: {  	[sflag:s11] =	ssyncset.done $0x0  }
0x1cb: {  	s28 =	rddreg [dreg:$0x12];
	[sflag:s11] =	ssyncadd.s32 $0xFFFF8300  }
0x1cc: {  	[spmem:s3] =	stream.indirect.scatter.add.bf16 [tilespmem:s7], [sflag:$0x4], $0x40, s28, s6, $0xb8;
	[tilespmem:$0x1E500] =	vst v63  }
0x1cd: {  	_ =	swait.ge [sflag:s10], $0x7D00  }
0x1ce: {  	[sflag:s10] =	ssyncset.done $0x0  }
0x1cf: {  	s29 =	rddreg [dreg:$0x13];
	[sflag:s10] =	ssyncadd.s32 $0xFFFF8300  }
0x1d0: {  	[tilespmem:s9], [sflag:$0x1] =	stream.indirect.gather [hbm4b:s2+s6], $0x40, s29, s6, $0xb8;
	[tilespmem:$0x1E500] =	vst v63  }
0x1d1: {  	_ =	swait.ge [sflag:s12], $0x7D00  }
0x1d2: {  	[sflag:s12] =	ssyncset.done $0x0  }
0x1d3: {  	s30 =	rddreg [dreg:$0x14];
	[sflag:s12] =	ssyncadd.s32 $0xFFFF8300  }
0x1d4: {  	[spmem:s3] =	stream.indirect.scatter.add.bf16 [tilespmem:s9], [sflag:$0x3], $0x40, s30, s6, $0xb8;
	[tilespmem:$0x1E500] =	vst v63  }
0x1d5: {  	_ =	swait.ge [sflag:s8], $0x7D00  }
0x1d6: {  	[sflag:s8] =	ssyncset.done $0x0  }
0x1d7: {  	s31 =	rddreg [dreg:$0x15];
	[sflag:s8] =	ssyncadd.s32 $0xFFFF8300  }
0x1d8: {  	[tilespmem:s7], [sflag:$0x2] =	stream.indirect.gather [hbm4b:s2+s6], $0x40, s31, s6, $0xb8;
	[tilespmem:$0x1E500] =	vst v63  }
0x1d9: {  	_ =	swait.ge [sflag:s11], $0x7D00  }
0x1da: {  	[sflag:s11] =	ssyncset.done $0x0  }
0x1db: {  	s28 =	rddreg [dreg:$0x16];
	[sflag:s11] =	ssyncadd.s32 $0xFFFF8300  }
0x1dc: {  	[spmem:s3] =	stream.indirect.scatter.add.bf16 [tilespmem:s7], [sflag:$0x4], $0x40, s28, s6, $0xb8;
	[tilespmem:$0x1E500] =	vst v63  }
0x1dd: {  	_ =	swait.ge [sflag:s10], $0x7D00  }
0x1de: {  	[sflag:s10] =	ssyncset.done $0x0  }
0x1df: {  	s29 =	rddreg [dreg:$0x17];
	[sflag:s10] =	ssyncadd.s32 $0xFFFF8300  }
0x1e0: {  	[tilespmem:s9], [sflag:$0x1] =	stream.indirect.gather [hbm4b:s2+s6], $0x40, s29, s6, $0xb8;
	[tilespmem:$0x1E500] =	vst v63  }
0x1e1: {  	_ =	swait.ge [sflag:s12], $0x7D00  }
0x1e2: {  	[sflag:s12] =	ssyncset.done $0x0  }
0x1e3: {  	s30 =	rddreg [dreg:$0x18];
	[sflag:s12] =	ssyncadd.s32 $0xFFFF8300  }
0x1e4: {  	[spmem:s3] =	stream.indirect.scatter.add.bf16 [tilespmem:s9], [sflag:$0x3], $0x40, s30, s6, $0xb8;
	[tilespmem:$0x1E500] =	vst v63  }
0x1e5: {  	_ =	swait.ge [sflag:s8], $0x7D00  }
0x1e6: {  	[sflag:s8] =	ssyncset.done $0x0  }
0x1e7: {  	s31 =	rddreg [dreg:$0x19];
	[sflag:s8] =	ssyncadd.s32 $0xFFFF8300  }
0x1e8: {  	[tilespmem:s7], [sflag:$0x2] =	stream.indirect.gather [hbm4b:s2+s6], $0x40, s31, s6, $0xb8;
	[tilespmem:$0x1E500] =	vst v63  }
0x1e9: {  	_ =	swait.ge [sflag:s11], $0x7D00  }
0x1ea: {  	[sflag:s11] =	ssyncset.done $0x0  }
0x1eb: {  	s28 =	rddreg [dreg:$0x1a];
	[sflag:s11] =	ssyncadd.s32 $0xFFFF8300  }
0x1ec: {  	[spmem:s3] =	stream.indirect.scatter.add.bf16 [tilespmem:s7], [sflag:$0x4], $0x40, s28, s6, $0xb8;
	[tilespmem:$0x1E500] =	vst v63  }
0x1ed: {  	_ =	swait.ge [sflag:s10], $0x7D00  }
0x1ee: {  	[sflag:s10] =	ssyncset.done $0x0  }
0x1ef: {  	s29 =	rddreg [dreg:$0x1b];
	[sflag:s10] =	ssyncadd.s32 $0xFFFF8300  }
0x1f0: {  	[tilespmem:s9], [sflag:$0x1] =	stream.indirect.gather [hbm4b:s2+s6], $0x40, s29, s6, $0xb8;
	[tilespmem:$0x1E500] =	vst v63  }
0x1f1: {  	_ =	swait.ge [sflag:s12], $0x7D00  }
0x1f2: {  	[sflag:s12] =	ssyncset.done $0x0  }
0x1f3: {  	s30 =	rddreg [dreg:$0x1c];
	[sflag:s12] =	ssyncadd.s32 $0xFFFF8300  }
0x1f4: {  	[spmem:s3] =	stream.indirect.scatter.add.bf16 [tilespmem:s9], [sflag:$0x3], $0x40, s30, s6, $0xb8;
	[tilespmem:$0x1E500] =	vst v63  }
0x1f5: {  	_ =	swait.ge [sflag:s8], $0x7D00  }
0x1f6: {  	[sflag:s8] =	ssyncset.done $0x0  }
0x1f7: {  	s31 =	rddreg [dreg:$0x1d];
	[sflag:s8] =	ssyncadd.s32 $0xFFFF8300  }
0x1f8: {  	[tilespmem:s7], [sflag:$0x2] =	stream.indirect.gather [hbm4b:s2+s6], $0x40, s31, s6, $0xb8;
	[tilespmem:$0x1E500] =	vst v63  }
0x1f9: {  	_ =	swait.ge [sflag:s11], $0x7D00  }
0x1fa: {  	[sflag:s11] =	ssyncset.done $0x0  }
0x1fb: {  	s28 =	rddreg [dreg:$0x1e];
	[sflag:s11] =	ssyncadd.s32 $0xFFFF8300  }
0x1fc: {  	[spmem:s3] =	stream.indirect.scatter.add.bf16 [tilespmem:s7], [sflag:$0x4], $0x40, s28, s6, $0xb8;
	[tilespmem:$0x1E500] =	vst v63  }
0x1fd: {  	_ =	swait.ge [sflag:s10], $0x7D00  }
0x1fe: {  	[sflag:s10] =	ssyncset.done $0x0  }
0x1ff: {  	s29 =	rddreg [dreg:$0x1f];
	[sflag:s10] =	ssyncadd.s32 $0xFFFF8300  }
0x200: {  	[tilespmem:s9], [sflag:$0x1] =	stream.indirect.gather [hbm4b:s2+s6], $0x40, s29, s6, $0xb8;
	[tilespmem:$0x1E500] =	vst v63  }
0x201: {  	_ =	swait.ge [sflag:s12], $0x7D00  }
0x202: {  	s30 =	sld [smem:$0x7FD]  }
0x203: {  	[sflag:s12] =	ssyncset.done $0x0  }
0x204: {  	[sflag:s12] =	ssyncadd.s32 $0xFFFF8300  }
0x205: {  	[spmem:s3] =	stream.indirect.scatter.add.bf16 [tilespmem:s9], [sflag:$0x3], $0x40, s30, s6, $0xb8;
	[tilespmem:$0x1E500] =	vst v63  }
0x206: {  	_ =	swait.ge [sflag:s8], $0x7D00  }
0x207: {  	[sflag:s8] =	ssyncset.done $0x0  }
0x208: {  	[sflag:s8] =	ssyncadd.s32 $0xFFFF8300  }
0x209: {  	[tilespmem:s7], [sflag:$0x2] =	stream.indirect.gather [hbm4b:s2+s6], $0x40, s26, s6, $0xb8;
	[tilespmem:$0x1E500] =	vst v63  }
0x20a: {  	_ =	swait.ge [sflag:s11], $0x7D00  }
0x20b: {  	[sflag:s11] =	ssyncset.done $0x0  }
0x20c: {  	[sflag:s11] =	ssyncadd.s32 $0xFFFF8300  }
0x20d: {  	[spmem:s3] =	stream.indirect.scatter.add.bf16 [tilespmem:s7], [sflag:$0x4], $0x40, s25, s6, $0xb8;
	[tilespmem:$0x1E500] =	vst v63  }
0x20e: {  	_ =	swait.ge [sflag:s10], $0x7D00  }
0x20f: {  	[sflag:s10] =	ssyncset.done $0x0  }
0x210: {  	[sflag:s10] =	ssyncadd.s32 $0xFFFF8300  }
0x211: {  	[tilespmem:s9], [sflag:$0x1] =	stream.indirect.gather [hbm4b:s2+s6], $0x40, s24, s6, $0xb8;
	[tilespmem:$0x1E500] =	vst v63  }
0x212: {  	_ =	swait.ge [sflag:s12], $0x7D00  }
0x213: {  	[sflag:s12] =	ssyncset.done $0x0  }
0x214: {  	[sflag:s12] =	ssyncadd.s32 $0xFFFF8300  }
0x215: {  	[spmem:s3] =	stream.indirect.scatter.add.bf16 [tilespmem:s9], [sflag:$0x3], $0x40, s23, s6, $0xb8;
	[tilespmem:$0x1E500] =	vst v63  }
0x216: {  	_ =	swait.ge [sflag:s8], $0x7D00  }
0x217: {  	[sflag:s8] =	ssyncset.done $0x0  }
0x218: {  	[sflag:s8] =	ssyncadd.s32 $0xFFFF8300  }
0x219: {  	[tilespmem:s7], [sflag:$0x2] =	stream.indirect.gather [hbm4b:s2+s6], $0x40, s22, s6, $0xb8;
	[tilespmem:$0x1E500] =	vst v63  }
0x21a: {  	_ =	swait.ge [sflag:s11], $0x7D00  }
0x21b: {  	[sflag:s11] =	ssyncset.done $0x0  }
0x21c: {  	[sflag:s11] =	ssyncadd.s32 $0xFFFF8300  }
0x21d: {  	[spmem:s3] =	stream.indirect.scatter.add.bf16 [tilespmem:s7], [sflag:$0x4], $0x40, s21, s6, $0xb8;
	[tilespmem:$0x1E500] =	vst v63  }
0x21e: {  	_ =	swait.ge [sflag:s10], $0x7D00  }
0x21f: {  	[sflag:s10] =	ssyncset.done $0x0  }
0x220: {  	[sflag:s10] =	ssyncadd.s32 $0xFFFF8300  }
0x221: {  	[tilespmem:s9], [sflag:$0x1] =	stream.indirect.gather [hbm4b:s2+s6], $0x40, s20, s6, $0xb8;
	[tilespmem:$0x1E500] =	vst v63  }
0x222: {  	_ =	swait.ge [sflag:s12], $0x7D00  }
0x223: {  	[sflag:s12] =	ssyncset.done $0x0  }
0x224: {  	[sflag:s12] =	ssyncadd.s32 $0xFFFF8300  }
0x225: {  	[spmem:s3] =	stream.indirect.scatter.add.bf16 [tilespmem:s9], [sflag:$0x3], $0x40, s19, s6, $0xb8;
	[tilespmem:$0x1E500] =	vst v63  }
0x226: {  	_ =	swait.ge [sflag:s8], $0x7D00  }
0x227: {  	[sflag:s8] =	ssyncset.done $0x0  }
0x228: {  	[sflag:s8] =	ssyncadd.s32 $0xFFFF8300  }
0x229: {  	[tilespmem:s7], [sflag:$0x2] =	stream.indirect.gather [hbm4b:s2+s6], $0x40, s18, s6, $0xb8;
	[tilespmem:$0x1E500] =	vst v63  }
0x22a: {  	_ =	swait.ge [sflag:s11], $0x7D00  }
0x22b: {  	[sflag:s11] =	ssyncset.done $0x0  }
0x22c: {  	[sflag:s11] =	ssyncadd.s32 $0xFFFF8300  }
0x22d: {  	[spmem:s3] =	stream.indirect.scatter.add.bf16 [tilespmem:s7], [sflag:$0x4], $0x40, s17, s6, $0xb8;
	[tilespmem:$0x1E500] =	vst v63  }
0x22e: {  	_ =	swait.ge [sflag:s10], $0x7D00  }
0x22f: {  	[sflag:s10] =	ssyncset.done $0x0  }
0x230: {  	[sflag:s10] =	ssyncadd.s32 $0xFFFF8300  }
0x231: {  	[tilespmem:s9], [sflag:$0x1] =	stream.indirect.gather [hbm4b:s2+s6], $0x40, s16, s6, $0xb8;
	[tilespmem:$0x1E500] =	vst v63  }
0x232: {  	_ =	swait.ge [sflag:s12], $0x7D00  }
0x233: {  	[sflag:s12] =	ssyncset.done $0x0  }
0x234: {  	[sflag:s12] =	ssyncadd.s32 $0xFFFF8300  }
0x235: {  	[spmem:s3] =	stream.indirect.scatter.add.bf16 [tilespmem:s9], [sflag:$0x3], $0x40, s15, s6, $0xb8;
	[tilespmem:$0x1E500] =	vst v63  }
0x236: {  	_ =	swait.ge [sflag:s8], $0x7D00  }
0x237: {  	[sflag:s8] =	ssyncset.done $0x0  }
0x238: {  	[sflag:s8] =	ssyncadd.s32 $0xFFFF8300  }
0x239: {  	[tilespmem:s7], [sflag:$0x2] =	stream.indirect.gather [hbm4b:s2+s6], $0x40, s14, s6, $0xb8;
	[tilespmem:$0x1E500] =	vst v63  }
0x23a: {  	_ =	swait.ge [sflag:s11], $0x7D00  }
0x23b: {  	[sflag:s11] =	ssyncset.done $0x0  }
0x23c: {  	[sflag:s11] =	ssyncadd.s32 $0xFFFF8300  }
0x23d: {  	[spmem:s3] =	stream.indirect.scatter.add.bf16 [tilespmem:s7], [sflag:$0x4], $0x40, s13, s6, $0xb8;
	[tilespmem:$0x1E500] =	vst v63  }
0x23e: {  	_ =	swait.ge [sflag:s10], $0x7D00  }
0x23f: {  	[sflag:s10] =	ssyncset.done $0x0  }
0x240: {  	[sflag:s10] =	ssyncadd.s32 $0xFFFF8300  }
0x241: {  	_ =	swait.ge [sflag:s8], $0x7D00  }
0x242: {  	[sflag:s8] =	ssyncset.done $0x0  }
0x243: {  	[sflag:s8] =	ssyncadd.s32 $0xFFFF8300  }
0x244: {  	[bflag:$0x0] =	sbarrier.arrive $0xFFFF  }
0x245: {  	s0 =	rddreg [dreg:$0x8]  }
0x246: {  	[hbm:s0], [sflag:s4] =	dma.local @!p0 [spmem:s5], $0x1F40  }
0x247: {  	_ =	swait.ge @!p0 [sflag:s1], $0x1F40  }
0x248: {  	[sflag:s1] =	ssyncset.done @!p0 $0x0  }
0x249: {  	[sflag:s1] =	ssyncadd.s32 @!p0 $0xFFFFE0C0  }
0x24a: {  	_ =	sfence.sel $0x180000  }
0x24b: {  	[bflag:$0x0] =	sbarrier.arrive $0xFFFF  }
0x24c: {  	_ =	strace $0x9000004D  }
0x24d: {  	s31 =	stileid.u32;
	[bflag:$0x2] =	sbarrier.arrive $0xFFFF  }
0x24e: {  	p0 =	sne.s32 s31, $0x0;
	s0 =	rddreg [dreg:$0x4]  }
0x24f: {  	s0 =	sadd.s32 @!p0 $0x100000, s0  }
0x250: {  	[sflag:s0] =	ssyncadd.tile.s32 @!p0 $0x1;
	_ =	shalt  }
.LBB2_1:
.Ltmp3:
0x251: {  	(pc) =	sbr.rel .LBB2_4-.Ltmp3, $2  }
0x252: {  	_ =	sdelay $0x2  }
0x253: {  	_ = 	snop  }
.Lfunc_end2:
_tile_overlayer_lowered:
.L_overlay_start_2:
0x254: {  	(tag) =	ssettag $0x2  }
0x255: {  	s0 =	rddreg [dreg:$0x0];
	s2 =	stileid.u32  }
0x256: {  	s1 =	rddreg [dreg:$0x1];
	p0 =	sne.s32 s2, $0x0  }
0x257: {  	s3 =	rddreg [dreg:$0x2];
	[bflag:$0x3] =	sbarrier.arrive $0xFFFF;
	s2 =	simm.s32 @!p0 $0x1C05  }
0x258: {  	[timem:s3], [sflag:s2] =	dma.local @!p0 [hbm:s0], s1  }
0x259: {  	s0 =	simm.s32 @!p0 $0x5  }
0x25a: {  	_ =	swait.ge @!p0 [sflag:s0], s1  }
0x25b: {  	s1 =	ssub.s32 @!p0 $0x0, s1;
	[sflag:s0] =	ssyncset.done @!p0 $0x0  }
0x25c: {  	[sflag:s0] =	ssyncadd.s32 @!p0 s1  }
0x25d: {  	[bflag:$0x3] =	sbarrier.arrive $0xFFFF  }
0x25e: {  	_ =	shalt  }

// kernel: kernel.8.cloned.1.call-start
scs
__scs_entry_jumppad:
0x0: {  	(pc) =	sbr.rel $0x88, $3  }
0x1: {  	(tag) =	ssettag $0x0;
	lr =	simm.s32 $0x1  }
0x2: {  	[smem:$0x3F99] =	sst lr;
	_ =	strace $0xD0000000  }
0x3: {  	_ = 	snop  }
0x4: {  	_ = 	snop  }
0x5: {  	_ = 	snop  }
0x6: {  	_ = 	snop  }
0x7: {  	_ = 	snop  }
__scs_overlays_trampoline_lowered:
0x8: {  	[smem:$0x3FA8] =	sst s0  }
0x9: {  	[smem:$0x3FA9] =	sst s1  }
0xa: {  	[smem:$0x3FAA] =	sst s2  }
0xb: {  	[smem:$0x3FAB] =	sst s3  }
0xc: {  	[smem:$0x3FAC] =	sst s4  }
0xd: {  	[smem:$0x3FAD] =	sst s5  }
0xe: {  	[smem:$0x3FAE] =	sst s6  }
0xf: {  	[smem:$0x3FAF] =	sst s7  }
0x10: {  	[smem:$0x3FB0] =	sst s8  }
0x11: {  	[smem:$0x3FB1] =	sst s9;
	s0 =	simm.s32 @!p0 $0x0  }
0x12: {  	s1 =	sld [smem:$0x3F97];
	s0 =	simm.s32 @p0 $0x1  }
0x13: {  	[smem:$0x3FB2] =	sst s0;
	s0 =	simm.s32 @!p1 $0x0  }
0x14: {  	s2 =	sld [smem:$0x3F96];
	s0 =	simm.s32 @p1 $0x1  }
0x15: {  	[smem:$0x3FB3] =	sst s0;
	s0 =	simm.s32 @!p2 $0x0  }
0x16: {  	s3 =	sld [smem:$0x3FDB];
	s0 =	simm.s32 @p2 $0x1  }
0x17: {  	s4 =	simm.s32 $0x1BF5;
	[smem:$0x3FB5] =	sst s0  }
0x18: {  	s0 =	sld [smem:$0x3F98];
	_ =	swait.ge [sflag:s4], $0x0  }
0x19: {  	s7 =	sld [smem:$0x3F99]  }
0x1a: {  	s8 =	sadd.s32 $0xFFFFE003, lr  }
0x1b: {  	s9 =	sadd.s32 $0xFFFFFEF7, lr;
	s5 =	simm.s32 $0xFFFFFFFF;
	p2 =	slt.u32 s8, $0xFFFFF086  }
0x1c: {  	p1 =	slt.u32 s9, $0xF7A;
	s5 =	simm.s32 @!p2 $0x0  }
0x1d: {  	s5 =	simm.s32 @p1 $0x1;
	p0 =	seq.s32 s7, s2  }
0x1e: {  	s7 =	smul.u32 @!p0 $0xF7A, s2;
	p2 =	seq.s32 @!p0 s5, $0x0  }
0x1f: {  	s9 =	smul.u32 $0xF7A, s1;
	s8 =	simm.s32 @!p0 $0x1BF5;
	p2 =	por !p2, p0  }
0x20: {  	[sflag:s8] =	ssyncset.s32 @!p0 $0xFFFFF086;
	s6 =	sadd.s32 @!p0 s3, s7;
	s7 =	simm.s32 @!p0 $0x108  }
0x21: {  	s3 =	sadd.s32 s3, s9;
	s6 =	sadd.s32 @!p0 $0x88, s6;
	s7 =	simm.s32 @p2 $0x1082  }
0x22: {  	[simem:s7], [sflag:s8] =	dma.local @!p0 [hbm:s6], $0xF7A  }
0x23: {  	s9 =	sor.u32 $0xD0000000, s2;
	s6 =	simm.s32 $0x108;
	_ =	swait.ge @!p0 [sflag:s8], $0x0  }
0x24: {  	s3 =	sadd.s32 $0x88, s3;
	s6 =	simm.s32 @!p1 $0x1082;
	[sflag:s4] =	ssyncset.s32 $0xFFFFF086  }
0x25: {  	[simem:s6], [sflag:s4] =	dma.local [hbm:s3], $0xF7A  }
0x26: {  	[smem:$0x3F99] =	sst s1;
	(tag) =	ssettag s2;
	_ =	strace s9  }
0x27: {  	s1 =	sld [smem:$0x3FA9]  }
0x28: {  	s2 =	sld [smem:$0x3FAA]  }
0x29: {  	s4 =	sld [smem:$0x3FAC]  }
0x2a: {  	p0 =	seq.s32 s5, $0x0;
	s5 =	sld [smem:$0x3FAD]  }
0x2b: {  	s6 =	sld [smem:$0x3FAE]  }
0x2c: {  	s7 =	sld [smem:$0x3FAF]  }
0x2d: {  	s3 =	simm.s32 $0x108;
	s8 =	sld [smem:$0x3FB0]  }
0x2e: {  	s3 =	simm.s32 @!p0 $0x1082;
	s9 =	sld [smem:$0x3FB1]  }
0x2f: {  	lr =	sadd.s32 s0, s3;
	s0 =	sld [smem:$0x3FA8]  }
0x30: {  	s3 =	sld [smem:$0x3FAB]  }
0x31: {  	[smem:$0x3FB4] =	sst s10  }
0x32: {  	s10 =	sld [smem:$0x3FB2];
	_ =	sdelay $0x3  }
0x33: {  	p0 =	seq.s32 s10, $0x1;
	s10 =	sld [smem:$0x3FB4];
	_ =	sdelay $0x3  }
0x34: {  	[smem:$0x3FB4] =	sst s10  }
0x35: {  	s10 =	sld [smem:$0x3FB3];
	_ =	sdelay $0x3  }
0x36: {  	p1 =	seq.s32 s10, $0x1;
	s10 =	sld [smem:$0x3FB4];
	_ =	sdelay $0x3  }
0x37: {  	[smem:$0x3FB4] =	sst s10  }
0x38: {  	s10 =	sld [smem:$0x3FB5]  }
0x39: {  	_ = 	snop;
	(pc) =	sbr.ind lr, $3  }
0x3a: {  	_ = 	snop  }
0x3b: {  	_ = 	snop  }
0x3c: {  	p2 =	seq.s32 s10, $0x1;
	s10 =	sld [smem:$0x3FB4]  }
0x3d: {  	_ =	shalt  }
0x3e: {  	_ =	shalt  }
0x3f: {  	_ =	shalt  }
0x40: {  	_ =	shalt  }
0x41: {  	_ =	shalt  }
0x42: {  	_ =	shalt  }
0x43: {  	_ =	shalt  }
0x44: {  	_ =	shalt  }
0x45: {  	_ =	shalt  }
0x46: {  	_ =	shalt  }
0x47: {  	_ =	shalt  }
0x48: {  	_ =	shalt  }
0x49: {  	_ =	shalt  }
0x4a: {  	_ =	shalt  }
0x4b: {  	_ =	shalt  }
0x4c: {  	_ =	shalt  }
0x4d: {  	_ =	shalt  }
0x4e: {  	_ =	shalt  }
0x4f: {  	_ =	shalt  }
0x50: {  	_ =	shalt  }
0x51: {  	_ =	shalt  }
0x52: {  	_ =	shalt  }
0x53: {  	_ =	shalt  }
0x54: {  	_ =	shalt  }
0x55: {  	_ =	shalt  }
0x56: {  	_ =	shalt  }
0x57: {  	_ =	shalt  }
0x58: {  	_ =	shalt  }
0x59: {  	_ =	shalt  }
0x5a: {  	_ =	shalt  }
0x5b: {  	_ =	shalt  }
0x5c: {  	_ =	shalt  }
0x5d: {  	_ =	shalt  }
0x5e: {  	_ =	shalt  }
0x5f: {  	_ =	shalt  }
0x60: {  	_ =	shalt  }
0x61: {  	_ =	shalt  }
0x62: {  	_ =	shalt  }
0x63: {  	_ =	shalt  }
0x64: {  	_ =	shalt  }
0x65: {  	_ =	shalt  }
0x66: {  	_ =	shalt  }
0x67: {  	_ =	shalt  }
0x68: {  	_ =	shalt  }
0x69: {  	_ =	shalt  }
0x6a: {  	_ =	shalt  }
0x6b: {  	_ =	shalt  }
0x6c: {  	_ =	shalt  }
0x6d: {  	_ =	shalt  }
0x6e: {  	_ =	shalt  }
0x6f: {  	_ =	shalt  }
0x70: {  	_ =	shalt  }
0x71: {  	_ =	shalt  }
0x72: {  	_ =	shalt  }
0x73: {  	_ =	shalt  }
0x74: {  	_ =	shalt  }
0x75: {  	_ =	shalt  }
0x76: {  	_ =	shalt  }
0x77: {  	_ =	shalt  }
0x78: {  	_ =	shalt  }
0x79: {  	_ =	shalt  }
0x7a: {  	_ =	shalt  }
0x7b: {  	_ =	shalt  }
0x7c: {  	_ =	shalt  }
0x7d: {  	_ =	shalt  }
0x7e: {  	_ =	shalt  }
0x7f: {  	_ =	shalt  }
0x80: {  	_ =	shalt  }
0x81: {  	_ =	shalt  }
0x82: {  	_ =	shalt  }
0x83: {  	_ =	shalt  }
0x84: {  	_ =	shalt  }
0x85: {  	_ =	shalt  }
0x86: {  	_ =	shalt  }
0x87: {  	_ =	shalt  }
.Lfunc_end0:
.L_simem_size_0:
called_computation_lowered:
.L_overlay_start_0:
0x88: {  	s2 =	sld [smem:$0x3FD9]  }
0x89: {  	s3 =	sld [smem:$0x3FFE];
	_ =	sdelay $0x1  }
0x8a: {  	s1 =	srdreg.scid  }
0x8b: {  	s0 =	sand.u32 $0x1, s1  }
0x8c: {  	s14 =	sshll.u32 s0, $0xA;
	s2 =	sadd.s32 s3, s2  }
0x8d: {  	s2 =	sadd.s32 s2, s14  }
0x8e: {  	[smem:$0x3FC0] =	sst s2  }
0x8f: {  	_ = 	snop  }
0x90: {  	s2 =	sld [smem:$0x3FD0];
	_ =	sdelay $0x2  }
0x91: {  	s15 =	simm.s32 $0xA;
	s4 =	simm.s32 $0x10  }
0x92: {  	[smem:s4], [sflag:s15] =	dma.local [hbm:s2], $0x1  }
0x93: {  	_ =	swait.eq [sflag:s15], $0x1  }
0x94: {  	[sflag:s15] =	ssyncset.done $0x0  }
0x95: {  	s16 =	sld [smem:$0x10];
	[sflag:s15] =	ssyncadd.s32 $0xFFFFFFFF  }
0x96: {  	s17 =	sld [smem:$0x11];
	(tm) =	ssettm $0x1  }
0x97: {  	s18 =	sld [smem:$0x3FFB];
	_ =	sdelay $0x3  }
0x98: {  	_ =	strace s18  }
0x99: {  	s4 =	sld [smem:$0x3FFC];
	_ =	sdelay $0x3  }
0x9a: {  	_ =	strace s4  }
0x9b: {  	s4 =	sld [smem:$0x3FFD];
	_ =	sdelay $0x3  }
0x9c: {  	_ =	strace s4  }
0x9d: {  	_ =	strace $0x8FFFFFFF  }
0x9e: {  	s19 =	sld [smem:$0x3FDB];
	_ =	sdelay $0x1  }
0x9f: {  	s5 =	simm.s32 $_scs_section_size  }
0xa0: {  	s6 =	simm.s32 $_size__tile_overlayer_lowered;
	s7 =	simm.s32 $_tile_overlayer_lowered  }
0xa1: {  	s22 =	simm.s32 $0x1BFF;
	s21 =	sshll.u32 s7, $0x1;
	s4 =	sadd.s32 s5, s19  }
0xa2: {  	s8 =	simm.s32 $0x0;
	s20 =	sshll.u32 s6, $0x1;
	s6 =	sadd.s32 s21, s4  }
0xa3: {  	[timem:s8], [sflag:s22] =	dma.local [hbm:s6], s20  }
0xa4: {  	_ =	swait.ge [sflag:s22], s20  }
0xa5: {  	s5 =	ssub.s32 $0x0, s20;
	[sflag:s22] =	ssyncset.done $0x0  }
0xa6: {  	[sflag:s22] =	ssyncadd.s32 s5;
	_ =	sdelay $0x1  }
0xa7: {  	s23 =	simm.s32 $0x1B8B  }
0xa8: {  	_ =	swait.ge [sflag:s23], $0x1  }
0xa9: {  	[sflag:s23] =	ssyncset.done $0x0  }
0xaa: {  	s25 =	simm.s32 $0x1B8E;
	s24 =	sld [smem:$0x3FFE];
	[sflag:s23] =	ssyncadd.s32 $0xFFFFFFFF  }
0xab: {  	s26 =	simm.s32 $execute0_lowered;
	[smem:$0x3FD2] =	sst s25  }
0xac: {  	s6 =	sshll.u32 s26, $0x1;
	_ =	strace $0x80000046;
	[dreg:$0x1] =	wrdreg $0xFFFFFFFF  }
0xad: {  	s28 =	simm.s32 $_size_execute0_lowered;
	s4 =	sadd.s32 s4, s6;
	[dreg:$0x0] =	wrdreg $0x0  }
0xae: {  	s6 =	sshll.u32 s28, $0x1;
	[dreg:$0x2] =	wrdreg s4  }
0xaf: {  	[dreg:$0x3] =	wrdreg s6  }
0xb0: {  	[dreg:$0x4] =	wrdreg $0xC0  }
0xb1: {  	_ =	task [dreg:s8], $0x5FFFF  }
0xb2: {  	[dreg:$0x1] =	wrdreg $0xFFFFFFFF  }
0xb3: {  	[dreg:$0x0] =	wrdreg $0x60  }
0xb4: {  	[dreg:$0x2] =	wrdreg s24  }
0xb5: {  	[dreg:$0x3] =	wrdreg s16  }
0xb6: {  	[dreg:$0x4] =	wrdreg s17  }
0xb7: {  	[dreg:$0x5] =	wrdreg $0x29F80  }
0xb8: {  	[dreg:$0x6] =	wrdreg $0x9  }
0xb9: {  	_ =	task.clear_ibuf [dreg:s8], $0x7FFFF;
	_ =	strace $0x90000046  }
0xba: {  	s29 =	simm.s32 $0x9;
	_ =	strace $0x80000048  }
0xbb: {  	_ =	swait.ge [sflag:s29], $0x1  }
0xbc: {  	[sflag:s29] =	ssyncadd.s32 $0xFFFFFFFF  }
0xbd: {  	_ =	strace $0x90000048  }
0xbe: {  	_ =	sfence  }
0xbf: {  	s30 =	sld [smem:$0x0];
	_ =	sdelay $0x2  }
0xc0: {  	s31 =	sshll.u32 s1, $0xD;
	s1 =	sshrl.u32 s1, $0x2  }
0xc1: {  	s3 =	sand.u32 $0x4000, s31;
	s1 =	sadd.s32 s1, s30  }
0xc2: {  	s0 =	sor.u32 s3, s0;
	s1 =	sshll.u32 s1, $0x11  }
0xc3: {  	s0 =	sor.u32 s1, s0  }
0xc4: {  	s0 =	sadd.s32 $0x8F2B, s0  }
0xc5: {  	[sflag:s0] =	ssyncadd.remote.s32 $0x1  }
0xc6: {  	_ =	sfence.sel $0xFFFF  }
0xc7: {  	[dreg:$0x0] =	wrdreg $0xFFFFFFFF;
	(pc) =	sbr.abs _section_cstart, $3  }
0xc8: {  	[dreg:$0x1] =	wrdreg $0xFFFFFFFF  }
0xc9: {  	_ =	task.clear_ibuf [dreg:s8], $0x2FFFF;
	_ =	strace $0x9FFFFFFF  }
0xca: {  	(tm) =	ssettm $0x7FFFFFFF  }
0xcb: {  	_ =	shalt  }
tec
execute0_lowered:
.L_overlay_start_1:
0x0: {  	(tag) =	ssettag $0x1  }
0x1: {  	s1 =	rddreg [dreg:$0x0]  }
0x2: {  	s8 =	rddreg [dreg:$0x1]  }
0x3: {  	s0 =	srdreg.scid;
	s2 =	rddreg [dreg:$0x2]  }
0x4: {  	s3 =	stileid.u32;
	s4 =	rddreg [dreg:$0x3];
	s5 =	simm.s32 $0x0  }
0x5: {  	s23 =	simm.s32 $0x2;
	s12 =	simm.s32 $0x4F0;
	s13 =	simm.s32 $0x768  }
0x6: {  	s14 =	simm.s32 $0x9E0;
	s15 =	simm.s32 $0xC58;
	s16 =	simm.s32 $0xED0  }
0x7: {  	s17 =	simm.s32 $0x1148;
	s18 =	simm.s32 $0x13C0;
	s6 =	sand.u32 $0x1, s0  }
0x8: {  	s19 =	simm.s32 $0x1638;
	s20 =	simm.s32 $0x18B0;
	s29 =	ssub.s32 $0x2, s6  }
0x9: {  	s21 =	simm.s32 $0x1B28;
	s22 =	simm.s32 $0x1DA0;
	s11 =	sshrl.u32 s29, $0x1  }
0xa: {  	s24 =	simm.s32 $0x2018;
	s25 =	simm.s32 $0x2290;
	s11 =	ssub.s32 s29, s11  }
0xb: {  	p1 =	por $0x0, $0x0;
	s26 =	simm.s32 $0x2508;
	s31 =	smax.u32 s11, $0x1  }
0xc: {  	s9 =	sshll.u32 s3, $0x4;
	s0 =	rddreg [dreg:$0x4];
	s30 =	sadd.s32 $0xFFFFFFFF, s31  }
0xd: {  	s7 =	sshll.u32 s6, $0x8;
	s6 =	smul.u32 $0x4E2, s6;
	p2 =	sne.s32 s30, $0x0  }
.Ltmp0:
0xe: {  	[smem:$0x7FF] =	sst s5;
	s7 =	sor.u32 s9, s7;
	(pc) =	sbr.rel @!p2 .LBB2_3-.Ltmp0, $4  }
0xf: {  	s10 =	sadd.s32 $0xA200, s1;
	p0 =	sne.s32 s3, $0x0;
	s7 =	smul.u32 $0x4F, s7  }
0x10: {  	s3 =	simm.s32 $0x1;
	_ =	strace $0x80000047;
	s11 =	simm.s32 $0x278  }
0x11: {  	s7 =	sadd.s32 s7, s1;
	s1 =	sadd.s32 s2, s6;
	s2 =	sshrl.u32 @!p0 s4, $0x3  }
0x12: {  	s6 =	simm.s32 $0x2780;
	s9 =	sadd.s32 $0x400, s7;
	s7 =	simm.s32 $0x271  }
0x13: {  	s29 =	simm.s32 @!p0 $0x1C02;
	s28 =	simm.s32 @!p0 $0x2  }
0x14: {  	[spmem:s2], [sflag:s29] =	dma.local @!p0 [hbm:s8], $0x4E2  }
0x15: {  	_ =	swait.ge @!p0 [sflag:s28], $0x4E2  }
0x16: {  	[sflag:s28] =	ssyncset.done @!p0 $0x0  }
0x17: {  	[sflag:s28] =	ssyncadd.s32 @!p0 $0xFFFFFB1E  }
0x18: {  	[tilespmem:s6], [sflag:$0x2] =	stream.linear.gather [hbm4b:s10+s5], $0x278, $0x38;
	[tilespmem:$0x2C70] =	vst v63  }
0x19: {  	_ =	swait.ge [sflag:s23], $0x278  }
0x1a: {  	[sflag:s23] =	ssyncset.done $0x0  }
0x1b: {  	[sflag:s23] =	ssyncadd.s32 $0xFFFFFD88  }
0x1c: {  	[tilespmem:s5], [sflag:$0x2] =	stream.linear.gather [hbm4b:s9+s5], $0x2780, $0x38;
	[tilespmem:$0x2C70] =	vst v63  }
0x1d: {  	_ =	swait.ge [sflag:s23], $0x2780  }
0x1e: {  	[sflag:s23] =	ssyncset.done $0x0  }
0x1f: {  	[sflag:s23] =	ssyncadd.s32 $0xFFFFD880  }
0x20: {  	[bflag:$0x0] =	sbarrier.arrive $0xFFFF  }
0x21: {  	[spmem:s4] =	stream.indirect.scatter.add.f32 [tilespmem:s6], [sflag:$0x1], $0x1, s5, s7, $0xb8;
	[tilespmem:$0x2C70] =	vst v63  }
0x22: {  	_ = 	snop  }
0x23: {  	[spmem:s4] =	stream.indirect.scatter.add.f32 [tilespmem:s6], [sflag:$0x1], $0x1, s11, s7, $0xb8;
	[tilespmem:$0x2C70] =	vst v63  }
0x24: {  	_ = 	snop  }
0x25: {  	[spmem:s4] =	stream.indirect.scatter.add.f32 [tilespmem:s6], [sflag:$0x1], $0x1, s12, s7, $0xb8;
	[tilespmem:$0x2C70] =	vst v63  }
0x26: {  	_ = 	snop  }
0x27: {  	[spmem:s4] =	stream.indirect.scatter.add.f32 [tilespmem:s6], [sflag:$0x1], $0x1, s13, s7, $0xb8;
	[tilespmem:$0x2C70] =	vst v63  }
0x28: {  	_ = 	snop  }
0x29: {  	[spmem:s4] =	stream.indirect.scatter.add.f32 [tilespmem:s6], [sflag:$0x1], $0x1, s14, s7, $0xb8;
	[tilespmem:$0x2C70] =	vst v63  }
0x2a: {  	_ = 	snop  }
0x2b: {  	[spmem:s4] =	stream.indirect.scatter.add.f32 [tilespmem:s6], [sflag:$0x1], $0x1, s15, s7, $0xb8;
	[tilespmem:$0x2C70] =	vst v63  }
0x2c: {  	_ = 	snop  }
0x2d: {  	[spmem:s4] =	stream.indirect.scatter.add.f32 [tilespmem:s6], [sflag:$0x1], $0x1, s16, s7, $0xb8;
	[tilespmem:$0x2C70] =	vst v63  }
0x2e: {  	_ = 	snop  }
0x2f: {  	[spmem:s4] =	stream.indirect.scatter.add.f32 [tilespmem:s6], [sflag:$0x1], $0x1, s17, s7, $0xb8;
	[tilespmem:$0x2C70] =	vst v63  }
0x30: {  	_ = 	snop  }
0x31: {  	[spmem:s4] =	stream.indirect.scatter.add.f32 [tilespmem:s6], [sflag:$0x1], $0x1, s18, s7, $0xb8;
	[tilespmem:$0x2C70] =	vst v63  }
0x32: {  	_ = 	snop  }
0x33: {  	[spmem:s4] =	stream.indirect.scatter.add.f32 [tilespmem:s6], [sflag:$0x1], $0x1, s19, s7, $0xb8;
	[tilespmem:$0x2C70] =	vst v63  }
0x34: {  	_ = 	snop  }
0x35: {  	[spmem:s4] =	stream.indirect.scatter.add.f32 [tilespmem:s6], [sflag:$0x1], $0x1, s20, s7, $0xb8;
	[tilespmem:$0x2C70] =	vst v63  }
0x36: {  	_ = 	snop  }
0x37: {  	[spmem:s4] =	stream.indirect.scatter.add.f32 [tilespmem:s6], [sflag:$0x1], $0x1, s21, s7, $0xb8;
	[tilespmem:$0x2C70] =	vst v63  }
0x38: {  	_ = 	snop  }
0x39: {  	[spmem:s4] =	stream.indirect.scatter.add.f32 [tilespmem:s6], [sflag:$0x1], $0x1, s22, s7, $0xb8;
	[tilespmem:$0x2C70] =	vst v63  }
0x3a: {  	_ = 	snop  }
0x3b: {  	[spmem:s4] =	stream.indirect.scatter.add.f32 [tilespmem:s6], [sflag:$0x1], $0x1, s24, s7, $0xb8;
	[tilespmem:$0x2C70] =	vst v63  }
0x3c: {  	_ = 	snop  }
0x3d: {  	[spmem:s4] =	stream.indirect.scatter.add.f32 [tilespmem:s6], [sflag:$0x1], $0x1, s25, s7, $0xb8;
	[tilespmem:$0x2C70] =	vst v63  }
0x3e: {  	_ = 	snop  }
0x3f: {  	[spmem:s4] =	stream.indirect.scatter.add.f32 [tilespmem:s6], [sflag:$0x1], $0x1, s26, s7, $0xb8;
	[tilespmem:$0x2C70] =	vst v63  }
0x40: {  	_ =	swait.ge [sflag:s3], $0x271  }
0x41: {  	[sflag:s3] =	ssyncset.done $0x0  }
0x42: {  	[sflag:s3] =	ssyncadd.s32 $0xFFFFFD8F  }
0x43: {  	_ =	swait.ge [sflag:s3], $0x271  }
0x44: {  	[sflag:s3] =	ssyncset.done $0x0  }
0x45: {  	[sflag:s3] =	ssyncadd.s32 $0xFFFFFD8F  }
0x46: {  	_ =	swait.ge [sflag:s3], $0x271  }
0x47: {  	[sflag:s3] =	ssyncset.done $0x0  }
0x48: {  	[sflag:s3] =	ssyncadd.s32 $0xFFFFFD8F  }
0x49: {  	_ =	swait.ge [sflag:s3], $0x271  }
0x4a: {  	[sflag:s3] =	ssyncset.done $0x0  }
0x4b: {  	[sflag:s3] =	ssyncadd.s32 $0xFFFFFD8F  }
0x4c: {  	_ =	swait.ge [sflag:s3], $0x271  }
0x4d: {  	[sflag:s3] =	ssyncset.done $0x0  }
0x4e: {  	[sflag:s3] =	ssyncadd.s32 $0xFFFFFD8F  }
0x4f: {  	_ =	swait.ge [sflag:s3], $0x271  }
0x50: {  	[sflag:s3] =	ssyncset.done $0x0  }
0x51: {  	[sflag:s3] =	ssyncadd.s32 $0xFFFFFD8F  }
0x52: {  	_ =	swait.ge [sflag:s3], $0x271  }
0x53: {  	[sflag:s3] =	ssyncset.done $0x0  }
0x54: {  	[sflag:s3] =	ssyncadd.s32 $0xFFFFFD8F  }
0x55: {  	_ =	swait.ge [sflag:s3], $0x271  }
0x56: {  	[sflag:s3] =	ssyncset.done $0x0  }
0x57: {  	[sflag:s3] =	ssyncadd.s32 $0xFFFFFD8F  }
0x58: {  	_ =	swait.ge [sflag:s3], $0x271  }
0x59: {  	[sflag:s3] =	ssyncset.done $0x0  }
0x5a: {  	[sflag:s3] =	ssyncadd.s32 $0xFFFFFD8F  }
0x5b: {  	_ =	swait.ge [sflag:s3], $0x271  }
0x5c: {  	[sflag:s3] =	ssyncset.done $0x0  }
0x5d: {  	[sflag:s3] =	ssyncadd.s32 $0xFFFFFD8F  }
0x5e: {  	_ =	swait.ge [sflag:s3], $0x271  }
0x5f: {  	[sflag:s3] =	ssyncset.done $0x0  }
0x60: {  	[sflag:s3] =	ssyncadd.s32 $0xFFFFFD8F  }
0x61: {  	_ =	swait.ge [sflag:s3], $0x271  }
0x62: {  	[sflag:s3] =	ssyncset.done $0x0  }
0x63: {  	[sflag:s3] =	ssyncadd.s32 $0xFFFFFD8F  }
0x64: {  	_ =	swait.ge [sflag:s3], $0x271  }
0x65: {  	[sflag:s3] =	ssyncset.done $0x0  }
0x66: {  	[sflag:s3] =	ssyncadd.s32 $0xFFFFFD8F  }
0x67: {  	_ =	swait.ge [sflag:s3], $0x271  }
0x68: {  	[sflag:s3] =	ssyncset.done $0x0  }
0x69: {  	[sflag:s3] =	ssyncadd.s32 $0xFFFFFD8F  }
0x6a: {  	_ =	swait.ge [sflag:s3], $0x271  }
0x6b: {  	[sflag:s3] =	ssyncset.done $0x0  }
0x6c: {  	[sflag:s3] =	ssyncadd.s32 $0xFFFFFD8F  }
0x6d: {  	s30 =	sadd.s32 $0xFFFFFFFF, s30;
	_ =	swait.ge [sflag:s3], $0x271  }
0x6e: {  	p2 =	sne.s32 s30, $0x0;
	[sflag:s3] =	ssyncset.done $0x0  }
.Ltmp1:
0x6f: {  	[sflag:s3] =	ssyncadd.s32 $0xFFFFFD8F;
	(pc) =	sbr.rel @!p2 .LBB2_3-.Ltmp1, $4  }
0x70: {  	[bflag:$0x0] =	sbarrier.arrive $0xFFFF  }
0x71: {  	[hbm:s1], [sflag:s29] =	dma.local @!p0 [spmem:s2], $0x4E2  }
0x72: {  	_ =	swait.ge @!p0 [sflag:s28], $0x4E2  }
0x73: {  	p1 =	por $0x1, $0x1;
	[sflag:s28] =	ssyncset.done @!p0 $0x0  }
.LBB2_2:
0x74: {  	[sflag:s28] =	ssyncadd.s32 @!p0 $0xFFFFFB1E  }
0x75: {  	[spmem:s2], [sflag:s29] =	dma.local @!p0 [hbm:s8], $0x4E2  }
0x76: {  	s30 =	sadd.s32 $0xFFFFFFFF, s30;
	_ =	swait.ge @!p0 [sflag:s28], $0x4E2  }
0x77: {  	p2 =	sne.s32 s30, $0x0;
	[sflag:s28] =	ssyncset.done @!p0 $0x0  }
0x78: {  	[sflag:s28] =	ssyncadd.s32 @!p0 $0xFFFFFB1E  }
0x79: {  	[tilespmem:s6], [sflag:$0x2] =	stream.linear.gather [hbm4b:s10+s5], $0x278, $0x38;
	[tilespmem:$0x2C70] =	vst v63  }
0x7a: {  	_ =	swait.ge [sflag:s23], $0x278  }
0x7b: {  	[sflag:s23] =	ssyncset.done $0x0  }
0x7c: {  	[sflag:s23] =	ssyncadd.s32 $0xFFFFFD88  }
0x7d: {  	[tilespmem:s5], [sflag:$0x2] =	stream.linear.gather [hbm4b:s9+s5], $0x2780, $0x38;
	[tilespmem:$0x2C70] =	vst v63  }
0x7e: {  	_ =	swait.ge [sflag:s23], $0x2780  }
0x7f: {  	[sflag:s23] =	ssyncset.done $0x0  }
0x80: {  	[sflag:s23] =	ssyncadd.s32 $0xFFFFD880  }
0x81: {  	[bflag:$0x0] =	sbarrier.arrive $0xFFFF  }
0x82: {  	[spmem:s4] =	stream.indirect.scatter.add.f32 [tilespmem:s6], [sflag:$0x1], $0x1, s5, s7, $0xb8;
	[tilespmem:$0x2C70] =	vst v63  }
0x83: {  	_ = 	snop  }
0x84: {  	[spmem:s4] =	stream.indirect.scatter.add.f32 [tilespmem:s6], [sflag:$0x1], $0x1, s11, s7, $0xb8;
	[tilespmem:$0x2C70] =	vst v63  }
0x85: {  	_ = 	snop  }
0x86: {  	[spmem:s4] =	stream.indirect.scatter.add.f32 [tilespmem:s6], [sflag:$0x1], $0x1, s12, s7, $0xb8;
	[tilespmem:$0x2C70] =	vst v63  }
0x87: {  	_ = 	snop  }
0x88: {  	[spmem:s4] =	stream.indirect.scatter.add.f32 [tilespmem:s6], [sflag:$0x1], $0x1, s13, s7, $0xb8;
	[tilespmem:$0x2C70] =	vst v63  }
0x89: {  	_ = 	snop  }
0x8a: {  	[spmem:s4] =	stream.indirect.scatter.add.f32 [tilespmem:s6], [sflag:$0x1], $0x1, s14, s7, $0xb8;
	[tilespmem:$0x2C70] =	vst v63  }
0x8b: {  	_ = 	snop  }
0x8c: {  	[spmem:s4] =	stream.indirect.scatter.add.f32 [tilespmem:s6], [sflag:$0x1], $0x1, s15, s7, $0xb8;
	[tilespmem:$0x2C70] =	vst v63  }
0x8d: {  	_ = 	snop  }
0x8e: {  	[spmem:s4] =	stream.indirect.scatter.add.f32 [tilespmem:s6], [sflag:$0x1], $0x1, s16, s7, $0xb8;
	[tilespmem:$0x2C70] =	vst v63  }
0x8f: {  	_ = 	snop  }
0x90: {  	[spmem:s4] =	stream.indirect.scatter.add.f32 [tilespmem:s6], [sflag:$0x1], $0x1, s17, s7, $0xb8;
	[tilespmem:$0x2C70] =	vst v63  }
0x91: {  	_ = 	snop  }
0x92: {  	[spmem:s4] =	stream.indirect.scatter.add.f32 [tilespmem:s6], [sflag:$0x1], $0x1, s18, s7, $0xb8;
	[tilespmem:$0x2C70] =	vst v63  }
0x93: {  	_ = 	snop  }
0x94: {  	[spmem:s4] =	stream.indirect.scatter.add.f32 [tilespmem:s6], [sflag:$0x1], $0x1, s19, s7, $0xb8;
	[tilespmem:$0x2C70] =	vst v63  }
0x95: {  	_ = 	snop  }
0x96: {  	[spmem:s4] =	stream.indirect.scatter.add.f32 [tilespmem:s6], [sflag:$0x1], $0x1, s20, s7, $0xb8;
	[tilespmem:$0x2C70] =	vst v63  }
0x97: {  	_ = 	snop  }
0x98: {  	[spmem:s4] =	stream.indirect.scatter.add.f32 [tilespmem:s6], [sflag:$0x1], $0x1, s21, s7, $0xb8;
	[tilespmem:$0x2C70] =	vst v63  }
0x99: {  	_ = 	snop  }
0x9a: {  	[spmem:s4] =	stream.indirect.scatter.add.f32 [tilespmem:s6], [sflag:$0x1], $0x1, s22, s7, $0xb8;
	[tilespmem:$0x2C70] =	vst v63  }
0x9b: {  	_ = 	snop  }
0x9c: {  	[spmem:s4] =	stream.indirect.scatter.add.f32 [tilespmem:s6], [sflag:$0x1], $0x1, s24, s7, $0xb8;
	[tilespmem:$0x2C70] =	vst v63  }
0x9d: {  	_ = 	snop  }
0x9e: {  	[spmem:s4] =	stream.indirect.scatter.add.f32 [tilespmem:s6], [sflag:$0x1], $0x1, s25, s7, $0xb8;
	[tilespmem:$0x2C70] =	vst v63  }
0x9f: {  	_ = 	snop  }
0xa0: {  	[spmem:s4] =	stream.indirect.scatter.add.f32 [tilespmem:s6], [sflag:$0x1], $0x1, s26, s7, $0xb8;
	[tilespmem:$0x2C70] =	vst v63  }
0xa1: {  	_ =	swait.ge [sflag:s3], $0x271  }
0xa2: {  	[sflag:s3] =	ssyncset.done $0x0  }
0xa3: {  	[sflag:s3] =	ssyncadd.s32 $0xFFFFFD8F  }
0xa4: {  	_ =	swait.ge [sflag:s3], $0x271  }
0xa5: {  	[sflag:s3] =	ssyncset.done $0x0  }
0xa6: {  	[sflag:s3] =	ssyncadd.s32 $0xFFFFFD8F  }
0xa7: {  	_ =	swait.ge [sflag:s3], $0x271  }
0xa8: {  	[sflag:s3] =	ssyncset.done $0x0  }
0xa9: {  	[sflag:s3] =	ssyncadd.s32 $0xFFFFFD8F  }
0xaa: {  	_ =	swait.ge [sflag:s3], $0x271  }
0xab: {  	[sflag:s3] =	ssyncset.done $0x0  }
0xac: {  	[sflag:s3] =	ssyncadd.s32 $0xFFFFFD8F  }
0xad: {  	_ =	swait.ge [sflag:s3], $0x271  }
0xae: {  	[sflag:s3] =	ssyncset.done $0x0  }
0xaf: {  	[sflag:s3] =	ssyncadd.s32 $0xFFFFFD8F  }
0xb0: {  	_ =	swait.ge [sflag:s3], $0x271  }
0xb1: {  	[sflag:s3] =	ssyncset.done $0x0  }
0xb2: {  	[sflag:s3] =	ssyncadd.s32 $0xFFFFFD8F  }
0xb3: {  	_ =	swait.ge [sflag:s3], $0x271  }
0xb4: {  	[sflag:s3] =	ssyncset.done $0x0  }
0xb5: {  	[sflag:s3] =	ssyncadd.s32 $0xFFFFFD8F  }
0xb6: {  	_ =	swait.ge [sflag:s3], $0x271  }
0xb7: {  	[sflag:s3] =	ssyncset.done $0x0  }
0xb8: {  	[sflag:s3] =	ssyncadd.s32 $0xFFFFFD8F  }
0xb9: {  	_ =	swait.ge [sflag:s3], $0x271  }
0xba: {  	[sflag:s3] =	ssyncset.done $0x0  }
0xbb: {  	[sflag:s3] =	ssyncadd.s32 $0xFFFFFD8F  }
0xbc: {  	_ =	swait.ge [sflag:s3], $0x271  }
0xbd: {  	[sflag:s3] =	ssyncset.done $0x0  }
0xbe: {  	[sflag:s3] =	ssyncadd.s32 $0xFFFFFD8F  }
0xbf: {  	_ =	swait.ge [sflag:s3], $0x271  }
0xc0: {  	[sflag:s3] =	ssyncset.done $0x0  }
0xc1: {  	[sflag:s3] =	ssyncadd.s32 $0xFFFFFD8F  }
0xc2: {  	_ =	swait.ge [sflag:s3], $0x271  }
0xc3: {  	[sflag:s3] =	ssyncset.done $0x0  }
0xc4: {  	[sflag:s3] =	ssyncadd.s32 $0xFFFFFD8F  }
0xc5: {  	_ =	swait.ge [sflag:s3], $0x271  }
0xc6: {  	[sflag:s3] =	ssyncset.done $0x0  }
0xc7: {  	[sflag:s3] =	ssyncadd.s32 $0xFFFFFD8F  }
0xc8: {  	_ =	swait.ge [sflag:s3], $0x271  }
0xc9: {  	[sflag:s3] =	ssyncset.done $0x0  }
0xca: {  	[sflag:s3] =	ssyncadd.s32 $0xFFFFFD8F  }
0xcb: {  	_ =	swait.ge [sflag:s3], $0x271  }
0xcc: {  	[sflag:s3] =	ssyncset.done $0x0  }
0xcd: {  	[sflag:s3] =	ssyncadd.s32 $0xFFFFFD8F  }
0xce: {  	_ =	swait.ge [sflag:s3], $0x271  }
0xcf: {  	[sflag:s3] =	ssyncset.done $0x0  }
.Ltmp2:
0xd0: {  	[sflag:s3] =	ssyncadd.s32 $0xFFFFFD8F;
	(pc) =	sbr.rel @p2 .LBB2_2-.Ltmp2, $4  }
0xd1: {  	[bflag:$0x0] =	sbarrier.arrive $0xFFFF  }
0xd2: {  	[hbm:s1], [sflag:s29] =	dma.local @!p0 [spmem:s2], $0x4E2  }
0xd3: {  	_ =	swait.ge @!p0 [sflag:s28], $0x4E2  }
0xd4: {  	[sflag:s28] =	ssyncset.done @!p0 $0x0  }
.LBB2_3:
0xd5: {  	p1 =	por p0, !p1  }
0xd6: {  	[sflag:s28] =	ssyncadd.s32 @!p1 $0xFFFFFB1E;
	s28 =	simm.s32 @!p0 $0x1C02  }
0xd7: {  	[spmem:s2], [sflag:s28] =	dma.local @!p0 [hbm:s8], $0x4E2  }
0xd8: {  	s8 =	simm.s32 @!p0 $0x2  }
0xd9: {  	_ =	swait.ge @!p0 [sflag:s8], $0x4E2  }
0xda: {  	[sflag:s8] =	ssyncset.done @!p0 $0x0  }
0xdb: {  	[sflag:s8] =	ssyncadd.s32 @!p0 $0xFFFFFB1E  }
0xdc: {  	[tilespmem:s6], [sflag:$0x2] =	stream.linear.gather [hbm4b:s10+s5], $0x278, $0x38;
	[tilespmem:$0x2C70] =	vst v63  }
0xdd: {  	_ =	swait.ge [sflag:s23], $0x278  }
0xde: {  	[sflag:s23] =	ssyncset.done $0x0  }
0xdf: {  	[sflag:s23] =	ssyncadd.s32 $0xFFFFFD88  }
0xe0: {  	[tilespmem:s5], [sflag:$0x2] =	stream.linear.gather [hbm4b:s9+s5], $0x2780, $0x38;
	[tilespmem:$0x2C70] =	vst v63  }
0xe1: {  	_ =	swait.ge [sflag:s23], $0x2780  }
0xe2: {  	[sflag:s23] =	ssyncset.done $0x0  }
0xe3: {  	[sflag:s23] =	ssyncadd.s32 $0xFFFFD880  }
0xe4: {  	[bflag:$0x0] =	sbarrier.arrive $0xFFFF  }
0xe5: {  	[spmem:s4] =	stream.indirect.scatter.add.f32 [tilespmem:s6], [sflag:$0x1], $0x1, s5, s7, $0xb8;
	[tilespmem:$0x2C70] =	vst v63  }
0xe6: {  	_ = 	snop  }
0xe7: {  	[spmem:s4] =	stream.indirect.scatter.add.f32 [tilespmem:s6], [sflag:$0x1], $0x1, s11, s7, $0xb8;
	[tilespmem:$0x2C70] =	vst v63  }
0xe8: {  	_ = 	snop  }
0xe9: {  	[spmem:s4] =	stream.indirect.scatter.add.f32 [tilespmem:s6], [sflag:$0x1], $0x1, s12, s7, $0xb8;
	[tilespmem:$0x2C70] =	vst v63  }
0xea: {  	_ = 	snop  }
0xeb: {  	[spmem:s4] =	stream.indirect.scatter.add.f32 [tilespmem:s6], [sflag:$0x1], $0x1, s13, s7, $0xb8;
	[tilespmem:$0x2C70] =	vst v63  }
0xec: {  	_ = 	snop  }
0xed: {  	[spmem:s4] =	stream.indirect.scatter.add.f32 [tilespmem:s6], [sflag:$0x1], $0x1, s14, s7, $0xb8;
	[tilespmem:$0x2C70] =	vst v63  }
0xee: {  	_ = 	snop  }
0xef: {  	[spmem:s4] =	stream.indirect.scatter.add.f32 [tilespmem:s6], [sflag:$0x1], $0x1, s15, s7, $0xb8;
	[tilespmem:$0x2C70] =	vst v63  }
0xf0: {  	_ = 	snop  }
0xf1: {  	[spmem:s4] =	stream.indirect.scatter.add.f32 [tilespmem:s6], [sflag:$0x1], $0x1, s16, s7, $0xb8;
	[tilespmem:$0x2C70] =	vst v63  }
0xf2: {  	_ = 	snop  }
0xf3: {  	[spmem:s4] =	stream.indirect.scatter.add.f32 [tilespmem:s6], [sflag:$0x1], $0x1, s17, s7, $0xb8;
	[tilespmem:$0x2C70] =	vst v63  }
0xf4: {  	_ = 	snop  }
0xf5: {  	[spmem:s4] =	stream.indirect.scatter.add.f32 [tilespmem:s6], [sflag:$0x1], $0x1, s18, s7, $0xb8;
	[tilespmem:$0x2C70] =	vst v63  }
0xf6: {  	_ = 	snop  }
0xf7: {  	[spmem:s4] =	stream.indirect.scatter.add.f32 [tilespmem:s6], [sflag:$0x1], $0x1, s19, s7, $0xb8;
	[tilespmem:$0x2C70] =	vst v63  }
0xf8: {  	_ = 	snop  }
0xf9: {  	[spmem:s4] =	stream.indirect.scatter.add.f32 [tilespmem:s6], [sflag:$0x1], $0x1, s20, s7, $0xb8;
	[tilespmem:$0x2C70] =	vst v63  }
0xfa: {  	_ = 	snop  }
0xfb: {  	[spmem:s4] =	stream.indirect.scatter.add.f32 [tilespmem:s6], [sflag:$0x1], $0x1, s21, s7, $0xb8;
	[tilespmem:$0x2C70] =	vst v63  }
0xfc: {  	_ = 	snop  }
0xfd: {  	[spmem:s4] =	stream.indirect.scatter.add.f32 [tilespmem:s6], [sflag:$0x1], $0x1, s22, s7, $0xb8;
	[tilespmem:$0x2C70] =	vst v63  }
0xfe: {  	_ = 	snop  }
0xff: {  	[spmem:s4] =	stream.indirect.scatter.add.f32 [tilespmem:s6], [sflag:$0x1], $0x1, s24, s7, $0xb8;
	[tilespmem:$0x2C70] =	vst v63  }
0x100: {  	_ = 	snop  }
0x101: {  	[spmem:s4] =	stream.indirect.scatter.add.f32 [tilespmem:s6], [sflag:$0x1], $0x1, s25, s7, $0xb8;
	[tilespmem:$0x2C70] =	vst v63  }
0x102: {  	_ = 	snop  }
0x103: {  	[spmem:s4] =	stream.indirect.scatter.add.f32 [tilespmem:s6], [sflag:$0x1], $0x1, s26, s7, $0xb8;
	[tilespmem:$0x2C70] =	vst v63  }
0x104: {  	_ =	swait.ge [sflag:s3], $0x271  }
0x105: {  	[sflag:s3] =	ssyncset.done $0x0  }
0x106: {  	[sflag:s3] =	ssyncadd.s32 $0xFFFFFD8F  }
0x107: {  	_ =	swait.ge [sflag:s3], $0x271  }
0x108: {  	[sflag:s3] =	ssyncset.done $0x0  }
0x109: {  	[sflag:s3] =	ssyncadd.s32 $0xFFFFFD8F  }
0x10a: {  	_ =	swait.ge [sflag:s3], $0x271  }
0x10b: {  	[sflag:s3] =	ssyncset.done $0x0  }
0x10c: {  	[sflag:s3] =	ssyncadd.s32 $0xFFFFFD8F  }
0x10d: {  	_ =	swait.ge [sflag:s3], $0x271  }
0x10e: {  	[sflag:s3] =	ssyncset.done $0x0  }
0x10f: {  	[sflag:s3] =	ssyncadd.s32 $0xFFFFFD8F  }
0x110: {  	_ =	swait.ge [sflag:s3], $0x271  }
0x111: {  	[sflag:s3] =	ssyncset.done $0x0  }
0x112: {  	[sflag:s3] =	ssyncadd.s32 $0xFFFFFD8F  }
0x113: {  	_ =	swait.ge [sflag:s3], $0x271  }
0x114: {  	[sflag:s3] =	ssyncset.done $0x0  }
0x115: {  	[sflag:s3] =	ssyncadd.s32 $0xFFFFFD8F  }
0x116: {  	_ =	swait.ge [sflag:s3], $0x271  }
0x117: {  	[sflag:s3] =	ssyncset.done $0x0  }
0x118: {  	[sflag:s3] =	ssyncadd.s32 $0xFFFFFD8F  }
0x119: {  	_ =	swait.ge [sflag:s3], $0x271  }
0x11a: {  	[sflag:s3] =	ssyncset.done $0x0  }
0x11b: {  	[sflag:s3] =	ssyncadd.s32 $0xFFFFFD8F  }
0x11c: {  	_ =	swait.ge [sflag:s3], $0x271  }
0x11d: {  	[sflag:s3] =	ssyncset.done $0x0  }
0x11e: {  	[sflag:s3] =	ssyncadd.s32 $0xFFFFFD8F  }
0x11f: {  	_ =	swait.ge [sflag:s3], $0x271  }
0x120: {  	[sflag:s3] =	ssyncset.done $0x0  }
0x121: {  	[sflag:s3] =	ssyncadd.s32 $0xFFFFFD8F  }
0x122: {  	_ =	swait.ge [sflag:s3], $0x271  }
0x123: {  	[sflag:s3] =	ssyncset.done $0x0  }
0x124: {  	[sflag:s3] =	ssyncadd.s32 $0xFFFFFD8F  }
0x125: {  	_ =	swait.ge [sflag:s3], $0x271  }
0x126: {  	[sflag:s3] =	ssyncset.done $0x0  }
0x127: {  	[sflag:s3] =	ssyncadd.s32 $0xFFFFFD8F  }
0x128: {  	_ =	swait.ge [sflag:s3], $0x271  }
0x129: {  	[sflag:s3] =	ssyncset.done $0x0  }
0x12a: {  	[sflag:s3] =	ssyncadd.s32 $0xFFFFFD8F  }
0x12b: {  	_ =	swait.ge [sflag:s3], $0x271  }
0x12c: {  	[sflag:s3] =	ssyncset.done $0x0  }
0x12d: {  	[sflag:s3] =	ssyncadd.s32 $0xFFFFFD8F  }
0x12e: {  	_ =	swait.ge [sflag:s3], $0x271  }
0x12f: {  	[sflag:s3] =	ssyncset.done $0x0  }
0x130: {  	[sflag:s3] =	ssyncadd.s32 $0xFFFFFD8F  }
0x131: {  	_ =	swait.ge [sflag:s3], $0x271  }
0x132: {  	[sflag:s3] =	ssyncset.done $0x0  }
0x133: {  	[sflag:s3] =	ssyncadd.s32 $0xFFFFFD8F  }
0x134: {  	[bflag:$0x0] =	sbarrier.arrive $0xFFFF  }
0x135: {  	[hbm:s1], [sflag:s28] =	dma.local @!p0 [spmem:s2], $0x4E2  }
0x136: {  	_ =	swait.ge @!p0 [sflag:s8], $0x4E2  }
0x137: {  	[sflag:s8] =	ssyncset.done @!p0 $0x0  }
0x138: {  	[sflag:s8] =	ssyncadd.s32 @!p0 $0xFFFFFB1E  }
0x139: {  	_ =	sfence.sel $0x180000  }
0x13a: {  	[bflag:$0x0] =	sbarrier.arrive $0xFFFF  }
0x13b: {  	_ =	strace $0x90000047  }
0x13c: {  	s0 =	sadd.s32 @!p0 $0x100000, s0;
	[bflag:$0x2] =	sbarrier.arrive $0xFFFF  }
0x13d: {  	[sflag:s0] =	ssyncadd.tile.s32 @!p0 $0x1;
	_ =	shalt  }
.Lfunc_end2:
_tile_overlayer_lowered:
.L_overlay_start_2:
0x13e: {  	(tag) =	ssettag $0x2  }
0x13f: {  	s0 =	rddreg [dreg:$0x0];
	s2 =	stileid.u32  }
0x140: {  	s1 =	rddreg [dreg:$0x1];
	p0 =	sne.s32 s2, $0x0  }
0x141: {  	s3 =	rddreg [dreg:$0x2];
	[bflag:$0x3] =	sbarrier.arrive $0xFFFF;
	s2 =	simm.s32 @!p0 $0x1C02  }
0x142: {  	[timem:s3], [sflag:s2] =	dma.local @!p0 [hbm:s0], s1  }
0x143: {  	s0 =	simm.s32 @!p0 $0x2  }
0x144: {  	_ =	swait.ge @!p0 [sflag:s0], s1  }
0x145: {  	s1 =	ssub.s32 @!p0 $0x0, s1;
	[sflag:s0] =	ssyncset.done @!p0 $0x0  }
0x146: {  	[sflag:s0] =	ssyncadd.s32 @!p0 s1  }
0x147: {  	[bflag:$0x3] =	sbarrier.arrive $0xFFFF  }
0x148: {  	_ =	shalt  }

</sc_bundles>
